<compile_context>
chip_gen: v7x
topology: tpu7x:2x2x1
jax: 0.10.2.dev20260603
libtpu: 0.0.44.dev20260713+nightly
codegen_flags: <defaults>
</compile_context>

<pallas_src>
import functools

import jax
import jax.numpy as jnp
from jax import lax
from jax.experimental import pallas as pl
from jax.experimental.pallas import tpu as pltpu
from jax.experimental.pallas import tpu_sc as plsc

D = 1024
B = 8192
NC = 2
NS = 16
NW = NC * NS
B_PER_W = B // NW
C = 16
NB = 6


def _make_sc_gather():
    mesh = plsc.VectorSubcoreMesh(core_axis_name="c", subcore_axis_name="s")

    @functools.partial(
        pl.kernel,
        mesh=mesh,
        out_type=jax.ShapeDtypeStruct((B, D), jnp.float32),
        scratch_types=(
            [pltpu.VMEM((B_PER_W,), jnp.int32)]
            + [pltpu.VMEM((NB * C, D), jnp.float32)]
            + [pltpu.SemaphoreType.DMA for _ in range(2 * NB)]
        ),
    )
    def gather_kernel(table_hbm, idx_hbm, out_hbm, idx_v, pool, *sems):
        gsems = sems[:NB]
        wsems = sems[NB:2 * NB]

        wid = lax.axis_index("s") * NC + lax.axis_index("c")
        base = wid * B_PER_W
        pltpu.sync_copy(idx_hbm.at[pl.ds(base, B_PER_W)], idx_v)

        def pipeline(c_rows, nb):
            nch = B_PER_W // c_rows

            def start_gather(c, b):
                return pltpu.async_copy(
                    table_hbm.at[idx_v.at[pl.ds(c * c_rows, c_rows)]],
                    pool.at[pl.ds(b * c_rows, c_rows)], gsems[b])

            def start_write(c, b):
                return pltpu.async_copy(
                    pool.at[pl.ds(b * c_rows, c_rows)],
                    out_hbm.at[pl.ds(base + c * c_rows, c_rows)], wsems[b])

            g = [start_gather(c, c % nb) for c in range(min(nb, nch))]
            w = [None] * nb
            for c in range(nch):
                b = c % nb
                g[b].wait()
                w[b] = start_write(c, b)
                if c + nb < nch:
                    w[b].wait()
                    g[b] = start_gather(c + nb, b)
            for c in range(max(0, nch - nb), nch):
                w[c % nb].wait()

        @pl.when(wid % 2 == 0)
        def _():
            pipeline(C, NB)

        @pl.when(wid % 2 != 0)
        def _():
            pipeline(2 * C, NB // 2)

    return gather_kernel


_sc_gather = _make_sc_gather()


@jax.jit
def kernel(token_ids, base_embeddings):
    tokens = token_ids.reshape(-1).astype(jnp.int32)
    out = _sc_gather(base_embeddings, tokens)
    return out.reshape(token_ids.shape + (base_embeddings.shape[-1],))

# --- scband reference (transcript-rebuilt; emitter-appended) ---
"""Pipeline reference for scband-domain-specific-capacity-77438260347449 (READ-ONLY COPY).

The authoritative reference and input builder live on the scoring server;
editing this copy changes nothing except your own understanding.
"""

import jax, jax.numpy as jnp
import numpy as np

VOCAB = 100000
BASE_DIM = 1024
BATCH = 4
SEQ = 2048


def setup_inputs(seed: int = 0) -> dict:
    key = jax.random.key(seed)
    k1, k2 = jax.random.split(key)
    token_ids = jax.random.randint(k1, (BATCH, SEQ), 0, VOCAB, dtype=jnp.int64 if jax.config.jax_enable_x64 else jnp.int32)
    # learned parameter: base embedding table (nn.Embedding default init ~ N(0,1))
    base_embeddings = jax.random.normal(k2, (VOCAB, BASE_DIM), dtype=jnp.float32)
    return {"token_ids": token_ids, "base_embeddings": base_embeddings}


def reference(token_ids, base_embeddings):
    # Faithful to DomainSpecificCapacity.forward: at construction time
    # self.domain_expansions is empty (domains are only added via
    # create_new_domain, which is never called during plain forward),
    # so the forward pass reduces to the base embedding lookup.
    base_emb = jnp.take(base_embeddings, token_ids, axis=0)
    return base_emb

if __name__ == "__main__":
    import jax
    _d = setup_inputs()
    print(jax.jit(kernel)(*tuple(_d.values())))

</pallas_src>

<mosaic_0001>
#map = affine_map<(d0, d1) -> (0, 0)>
#map1 = affine_map<(d0, d1) -> (0)>
module attributes {stable_mosaic.version = 14 : i64} {
  func.func @gather_kernel(%arg0: i32, %arg1: i32, %arg2: memref<100000x1024xf32, #tpu.memory_space<hbm>>, %arg3: memref<8192xi32, #tpu.memory_space<hbm>>, %arg4: memref<8192x1024xf32, #tpu.memory_space<hbm>>, %arg5: memref<256xi32, #tpu.memory_space<vmem>>, %arg6: memref<96x1024xf32, #tpu.memory_space<vmem>>, %arg7: memref<!tpu.dma_semaphore, #tpu.memory_space<semaphore_mem>>, %arg8: memref<!tpu.dma_semaphore, #tpu.memory_space<semaphore_mem>>, %arg9: memref<!tpu.dma_semaphore, #tpu.memory_space<semaphore_mem>>, %arg10: memref<!tpu.dma_semaphore, #tpu.memory_space<semaphore_mem>>, %arg11: memref<!tpu.dma_semaphore, #tpu.memory_space<semaphore_mem>>, %arg12: memref<!tpu.dma_semaphore, #tpu.memory_space<semaphore_mem>>, %arg13: memref<!tpu.dma_semaphore, #tpu.memory_space<semaphore_mem>>, %arg14: memref<!tpu.dma_semaphore, #tpu.memory_space<semaphore_mem>>, %arg15: memref<!tpu.dma_semaphore, #tpu.memory_space<semaphore_mem>>, %arg16: memref<!tpu.dma_semaphore, #tpu.memory_space<semaphore_mem>>, %arg17: memref<!tpu.dma_semaphore, #tpu.memory_space<semaphore_mem>>, %arg18: memref<!tpu.dma_semaphore, #tpu.memory_space<semaphore_mem>>) attributes {dimension_semantics = [#tpu.dimension_semantics<core_parallel>, #tpu.dimension_semantics<subcore_parallel>], iteration_bounds = array<i64: 2, 16>, scalar_prefetch = 0 : i64, scratch_operands = 14 : i64, tpu.core_type = #tpu.core_type<sc_vector_subcore>, window_params = [{transform_indices = #map}, {transform_indices = #map1}, {transform_indices = #map}]} {
    %mul3A = arith.constant 2 : i32
    %mul3A_0 = arith.muli %arg1, %mul3A : i32
    %add3A = arith.addi %mul3A_0, %arg0 : i32
    %mul3A_1 = arith.constant 256 : i32
    %mul3A_2 = arith.muli %add3A, %mul3A_1 : i32
    "tpu.region"() ({
      %run_scoped3A = tpu.sem_alloc : memref<!tpu.dma_semaphore, #tpu.memory_space<semaphore_mem>>
      %dma_start3A = tpu.memref_slice %arg3[%mul3A_2] : memref<8192xi32, #tpu.memory_space<hbm>> -> memref<256xi32, #tpu.memory_space<hbm>>
      %dma_start3A_36 = tpu.memref_slice %arg3[%mul3A_2] : memref<8192xi32, #tpu.memory_space<hbm>> -> memref<256xi32, #tpu.memory_space<hbm>>
      tpu.enqueue_dma source(%dma_start3A_36 : memref<256xi32, #tpu.memory_space<hbm>>) target(%arg5 : memref<256xi32, #tpu.memory_space<vmem>>) target_semaphore(%run_scoped3A : memref<!tpu.dma_semaphore, #tpu.memory_space<semaphore_mem>>)
      %dma_wait3A = tpu.memref_slice %arg3[%mul3A_2] : memref<8192xi32, #tpu.memory_space<hbm>> -> memref<256xi32, #tpu.memory_space<hbm>>
      %dma_wait3A_37 = tpu.memref_slice %arg3[%mul3A_2] : memref<8192xi32, #tpu.memory_space<hbm>> -> memref<256xi32, #tpu.memory_space<hbm>>
      tpu.wait_dma2 semaphore(%run_scoped3A : memref<!tpu.dma_semaphore, #tpu.memory_space<semaphore_mem>>) src(%dma_wait3A_37 : memref<256xi32, #tpu.memory_space<hbm>>) dst(%arg5 : memref<256xi32, #tpu.memory_space<vmem>>)
      tpu.yield
    }) : () -> ()
    %jit3A = arith.constant 2 : i32
    %eq3A = arith.constant 0 : i32
    %eq3A_3 = arith.cmpi eq, %jit3A, %eq3A : i32
    %jit3A_4 = arith.constant 1 : i32
    %select_n3A = arith.select %eq3A_3, %jit3A_4, %jit3A : i32
    %rem3A = arith.remsi %add3A, %select_n3A : i32
    %ne3A = arith.constant 0 : i32
    %ne3A_5 = arith.cmpi ne, %rem3A, %ne3A : i32
    %lt3A = arith.constant 0 : i32
    %lt3A_6 = arith.cmpi slt, %rem3A, %lt3A : i32
    %lt3A_7 = arith.constant 0 : i32
    %lt3A_8 = arith.cmpi slt, %select_n3A, %lt3A_7 : i32
    %ne3A_9 = arith.xori %lt3A_6, %lt3A_8 : i1
    %and3A = arith.andi %ne3A_9, %ne3A_5 : i1
    %add3A_10 = arith.addi %rem3A, %select_n3A : i32
    %select_n3A_11 = arith.select %and3A, %add3A_10, %rem3A : i32
    %eq3A_12 = arith.constant 0 : i32
    %eq3A_13 = arith.cmpi eq, %select_n3A_11, %eq3A_12 : i32
    %convert_element_type3A = arith.extui %eq3A_13 : i1 to i32
    %cond3A = arith.constant 0 : i32
    %cond3A_14 = arith.cmpi ne, %convert_element_type3A, %cond3A : i32
    scf.if %cond3A_14 {
      %dma_start3A = arith.constant 0 : i32
      %dma_start3A_36 = arith.constant 0 : i32
      %dma_start3A_37 = tpu.memref_slice %arg6[%dma_start3A, %dma_start3A_36] : memref<96x1024xf32, #tpu.memory_space<vmem>> -> memref<16x1024xf32, #tpu.memory_space<vmem>>
      %dma_start3A_38 = arith.constant 0 : i32
      %dma_start3A_39 = tpu.memref_slice %arg5[%dma_start3A_38] : memref<256xi32, #tpu.memory_space<vmem>> -> memref<16xi32, #tpu.memory_space<vmem>>
      %dma_start3A_40 = arith.constant 0 : i32
      %dma_start3A_41 = arith.constant 0 : i32
      %dma_start3A_42 = tpu.memref_slice %arg2[%dma_start3A_40, %dma_start3A_41] : memref<100000x1024xf32, #tpu.memory_space<hbm>> -> memref<100000x1024xf32, #tpu.memory_space<hbm>>
      tpu.enqueue_indirect_dma source(%dma_start3A_42 : memref<100000x1024xf32, #tpu.memory_space<hbm>>) target(%dma_start3A_37 : memref<16x1024xf32, #tpu.memory_space<vmem>>) offsets(%dma_start3A_39 : memref<16xi32, #tpu.memory_space<vmem>>) semaphore(%arg7 : memref<!tpu.dma_semaphore, #tpu.memory_space<semaphore_mem>>)
      %dma_start3A_43 = arith.constant 16 : i32
      %dma_start3A_44 = arith.constant 0 : i32
      %dma_start3A_45 = tpu.memref_slice %arg6[%dma_start3A_43, %dma_start3A_44] : memref<96x1024xf32, #tpu.memory_space<vmem>> -> memref<16x1024xf32, #tpu.memory_space<vmem>>
      %dma_start3A_46 = arith.constant 16 : i32
      %dma_start3A_47 = tpu.memref_slice %arg5[%dma_start3A_46] : memref<256xi32, #tpu.memory_space<vmem>> -> memref<16xi32, #tpu.memory_space<vmem>>
      %dma_start3A_48 = arith.constant 0 : i32
      %dma_start3A_49 = arith.constant 0 : i32
      %dma_start3A_50 = tpu.memref_slice %arg2[%dma_start3A_48, %dma_start3A_49] : memref<100000x1024xf32, #tpu.memory_space<hbm>> -> memref<100000x1024xf32, #tpu.memory_space<hbm>>
      tpu.enqueue_indirect_dma source(%dma_start3A_50 : memref<100000x1024xf32, #tpu.memory_space<hbm>>) target(%dma_start3A_45 : memref<16x1024xf32, #tpu.memory_space<vmem>>) offsets(%dma_start3A_47 : memref<16xi32, #tpu.memory_space<vmem>>) semaphore(%arg8 : memref<!tpu.dma_semaphore, #tpu.memory_space<semaphore_mem>>)
      %dma_start3A_51 = arith.constant 32 : i32
      %dma_start3A_52 = arith.constant 0 : i32
      %dma_start3A_53 = tpu.memref_slice %arg6[%dma_start3A_51, %dma_start3A_52] : memref<96x1024xf32, #tpu.memory_space<vmem>> -> memref<16x1024xf32, #tpu.memory_space<vmem>>
      %dma_start3A_54 = arith.constant 32 : i32
      %dma_start3A_55 = tpu.memref_slice %arg5[%dma_start3A_54] : memref<256xi32, #tpu.memory_space<vmem>> -> memref<16xi32, #tpu.memory_space<vmem>>
      %dma_start3A_56 = arith.constant 0 : i32
      %dma_start3A_57 = arith.constant 0 : i32
      %dma_start3A_58 = tpu.memref_slice %arg2[%dma_start3A_56, %dma_start3A_57] : memref<100000x1024xf32, #tpu.memory_space<hbm>> -> memref<100000x1024xf32, #tpu.memory_space<hbm>>
      tpu.enqueue_indirect_dma source(%dma_start3A_58 : memref<100000x1024xf32, #tpu.memory_space<hbm>>) target(%dma_start3A_53 : memref<16x1024xf32, #tpu.memory_space<vmem>>) offsets(%dma_start3A_55 : memref<16xi32, #tpu.memory_space<vmem>>) semaphore(%arg9 : memref<!tpu.dma_semaphore, #tpu.memory_space<semaphore_mem>>)
      %dma_start3A_59 = arith.constant 48 : i32
      %dma_start3A_60 = arith.constant 0 : i32
      %dma_start3A_61 = tpu.memref_slice %arg6[%dma_start3A_59, %dma_start3A_60] : memref<96x1024xf32, #tpu.memory_space<vmem>> -> memref<16x1024xf32, #tpu.memory_space<vmem>>
      %dma_start3A_62 = arith.constant 48 : i32
      %dma_start3A_63 = tpu.memref_slice %arg5[%dma_start3A_62] : memref<256xi32, #tpu.memory_space<vmem>> -> memref<16xi32, #tpu.memory_space<vmem>>
      %dma_start3A_64 = arith.constant 0 : i32
      %dma_start3A_65 = arith.constant 0 : i32
      %dma_start3A_66 = tpu.memref_slice %arg2[%dma_start3A_64, %dma_start3A_65] : memref<100000x1024xf32, #tpu.memory_space<hbm>> -> memref<100000x1024xf32, #tpu.memory_space<hbm>>
      tpu.enqueue_indirect_dma source(%dma_start3A_66 : memref<100000x1024xf32, #tpu.memory_space<hbm>>) target(%dma_start3A_61 : memref<16x1024xf32, #tpu.memory_space<vmem>>) offsets(%dma_start3A_63 : memref<16xi32, #tpu.memory_space<vmem>>) semaphore(%arg10 : memref<!tpu.dma_semaphore, #tpu.memory_space<semaphore_mem>>)
      %dma_start3A_67 = arith.constant 64 : i32
      %dma_start3A_68 = arith.constant 0 : i32
      %dma_start3A_69 = tpu.memref_slice %arg6[%dma_start3A_67, %dma_start3A_68] : memref<96x1024xf32, #tpu.memory_space<vmem>> -> memref<16x1024xf32, #tpu.memory_space<vmem>>
      %dma_start3A_70 = arith.constant 64 : i32
      %dma_start3A_71 = tpu.memref_slice %arg5[%dma_start3A_70] : memref<256xi32, #tpu.memory_space<vmem>> -> memref<16xi32, #tpu.memory_space<vmem>>
      %dma_start3A_72 = arith.constant 0 : i32
      %dma_start3A_73 = arith.constant 0 : i32
      %dma_start3A_74 = tpu.memref_slice %arg2[%dma_start3A_72, %dma_start3A_73] : memref<100000x1024xf32, #tpu.memory_space<hbm>> -> memref<100000x1024xf32, #tpu.memory_space<hbm>>
      tpu.enqueue_indirect_dma source(%dma_start3A_74 : memref<100000x1024xf32, #tpu.memory_space<hbm>>) target(%dma_start3A_69 : memref<16x1024xf32, #tpu.memory_space<vmem>>) offsets(%dma_start3A_71 : memref<16xi32, #tpu.memory_space<vmem>>) semaphore(%arg11 : memref<!tpu.dma_semaphore, #tpu.memory_space<semaphore_mem>>)
      %dma_start3A_75 = arith.constant 80 : i32
      %dma_start3A_76 = arith.constant 0 : i32
      %dma_start3A_77 = tpu.memref_slice %arg6[%dma_start3A_75, %dma_start3A_76] : memref<96x1024xf32, #tpu.memory_space<vmem>> -> memref<16x1024xf32, #tpu.memory_space<vmem>>
      %dma_start3A_78 = arith.constant 80 : i32
      %dma_start3A_79 = tpu.memref_slice %arg5[%dma_start3A_78] : memref<256xi32, #tpu.memory_space<vmem>> -> memref<16xi32, #tpu.memory_space<vmem>>
      %dma_start3A_80 = arith.constant 0 : i32
      %dma_start3A_81 = arith.constant 0 : i32
      %dma_start3A_82 = tpu.memref_slice %arg2[%dma_start3A_80, %dma_start3A_81] : memref<100000x1024xf32, #tpu.memory_space<hbm>> -> memref<100000x1024xf32, #tpu.memory_space<hbm>>
      tpu.enqueue_indirect_dma source(%dma_start3A_82 : memref<100000x1024xf32, #tpu.memory_space<hbm>>) target(%dma_start3A_77 : memref<16x1024xf32, #tpu.memory_space<vmem>>) offsets(%dma_start3A_79 : memref<16xi32, #tpu.memory_space<vmem>>) semaphore(%arg12 : memref<!tpu.dma_semaphore, #tpu.memory_space<semaphore_mem>>)
      %dma_wait3A = arith.constant 0 : i32
      %dma_wait3A_83 = arith.constant 0 : i32
      %dma_wait3A_84 = tpu.memref_slice %arg6[%dma_wait3A, %dma_wait3A_83] : memref<96x1024xf32, #tpu.memory_space<vmem>> -> memref<16x1024xf32, #tpu.memory_space<vmem>>
      %dma_wait3A_85 = arith.constant 0 : i32
      %dma_wait3A_86 = tpu.memref_slice %arg5[%dma_wait3A_85] : memref<256xi32, #tpu.memory_space<vmem>> -> memref<16xi32, #tpu.memory_space<vmem>>
      %dma_wait3A_87 = arith.constant 0 : i32
      %dma_wait3A_88 = arith.constant 0 : i32
      %dma_wait3A_89 = tpu.memref_slice %arg2[%dma_wait3A_87, %dma_wait3A_88] : memref<100000x1024xf32, #tpu.memory_space<hbm>> -> memref<100000x1024xf32, #tpu.memory_space<hbm>>
      tpu.wait_indirect_dma semaphore(%arg7 : memref<!tpu.dma_semaphore, #tpu.memory_space<semaphore_mem>>) src(%dma_wait3A_89 : memref<100000x1024xf32, #tpu.memory_space<hbm>>) dst(%dma_wait3A_84 : memref<16x1024xf32, #tpu.memory_space<vmem>>)
      %add3A_90 = arith.constant 0 : i32
      %add3A_91 = arith.addi %mul3A_2, %add3A_90 : i32
      %dma_start3A_92 = arith.constant 0 : i32
      %dma_start3A_93 = arith.constant 0 : i32
      %dma_start3A_94 = tpu.memref_slice %arg6[%dma_start3A_92, %dma_start3A_93] : memref<96x1024xf32, #tpu.memory_space<vmem>> -> memref<16x1024xf32, #tpu.memory_space<vmem>>
      %dma_start3A_95 = arith.constant 0 : i32
      %dma_start3A_96 = tpu.memref_slice %arg4[%add3A_91, %dma_start3A_95] : memref<8192x1024xf32, #tpu.memory_space<hbm>> -> memref<16x1024xf32, #tpu.memory_space<hbm>>
      %dma_start3A_97 = arith.constant 0 : i32
      %dma_start3A_98 = tpu.memref_slice %arg4[%add3A_91, %dma_start3A_97] : memref<8192x1024xf32, #tpu.memory_space<hbm>> -> memref<16x1024xf32, #tpu.memory_space<hbm>>
      %dma_start3A_99 = arith.constant 0 : i32
      %dma_start3A_100 = arith.constant 0 : i32
      %dma_start3A_101 = tpu.memref_slice %arg6[%dma_start3A_99, %dma_start3A_100] : memref<96x1024xf32, #tpu.memory_space<vmem>> -> memref<16x1024xf32, #tpu.memory_space<vmem>>
      tpu.enqueue_dma source(%dma_start3A_101 : memref<16x1024xf32, #tpu.memory_space<vmem>>) target(%dma_start3A_98 : memref<16x1024xf32, #tpu.memory_space<hbm>>) target_semaphore(%arg13 : memref<!tpu.dma_semaphore, #tpu.memory_space<semaphore_mem>>)
      %dma_wait3A_102 = arith.constant 0 : i32
      %dma_wait3A_103 = arith.constant 0 : i32
      %dma_wait3A_104 = tpu.memref_slice %arg6[%dma_wait3A_102, %dma_wait3A_103] : memref<96x1024xf32, #tpu.memory_space<vmem>> -> memref<16x1024xf32, #tpu.memory_space<vmem>>
      %dma_wait3A_105 = arith.constant 0 : i32
      %dma_wait3A_106 = tpu.memref_slice %arg4[%add3A_91, %dma_wait3A_105] : memref<8192x1024xf32, #tpu.memory_space<hbm>> -> memref<16x1024xf32, #tpu.memory_space<hbm>>
      %dma_wait3A_107 = arith.constant 0 : i32
      %dma_wait3A_108 = tpu.memref_slice %arg4[%add3A_91, %dma_wait3A_107] : memref<8192x1024xf32, #tpu.memory_space<hbm>> -> memref<16x1024xf32, #tpu.memory_space<hbm>>
      %dma_wait3A_109 = arith.constant 0 : i32
      %dma_wait3A_110 = arith.constant 0 : i32
      %dma_wait3A_111 = tpu.memref_slice %arg6[%dma_wait3A_109, %dma_wait3A_110] : memref<96x1024xf32, #tpu.memory_space<vmem>> -> memref<16x1024xf32, #tpu.memory_space<vmem>>
      tpu.wait_dma2 semaphore(%arg13 : memref<!tpu.dma_semaphore, #tpu.memory_space<semaphore_mem>>) src(%dma_wait3A_111 : memref<16x1024xf32, #tpu.memory_space<vmem>>) dst(%dma_wait3A_108 : memref<16x1024xf32, #tpu.memory_space<hbm>>)
      %dma_start3A_112 = arith.constant 0 : i32
      %dma_start3A_113 = arith.constant 0 : i32
      %dma_start3A_114 = tpu.memref_slice %arg6[%dma_start3A_112, %dma_start3A_113] : memref<96x1024xf32, #tpu.memory_space<vmem>> -> memref<16x1024xf32, #tpu.memory_space<vmem>>
      %dma_start3A_115 = arith.constant 96 : i32
      %dma_start3A_116 = tpu.memref_slice %arg5[%dma_start3A_115] : memref<256xi32, #tpu.memory_space<vmem>> -> memref<16xi32, #tpu.memory_space<vmem>>
      %dma_start3A_117 = arith.constant 0 : i32
      %dma_start3A_118 = arith.constant 0 : i32
      %dma_start3A_119 = tpu.memref_slice %arg2[%dma_start3A_117, %dma_start3A_118] : memref<100000x1024xf32, #tpu.memory_space<hbm>> -> memref<100000x1024xf32, #tpu.memory_space<hbm>>
      tpu.enqueue_indirect_dma source(%dma_start3A_119 : memref<100000x1024xf32, #tpu.memory_space<hbm>>) target(%dma_start3A_114 : memref<16x1024xf32, #tpu.memory_space<vmem>>) offsets(%dma_start3A_116 : memref<16xi32, #tpu.memory_space<vmem>>) semaphore(%arg7 : memref<!tpu.dma_semaphore, #tpu.memory_space<semaphore_mem>>)
      %dma_wait3A_120 = arith.constant 16 : i32
      %dma_wait3A_121 = arith.constant 0 : i32
      %dma_wait3A_122 = tpu.memref_slice %arg6[%dma_wait3A_120, %dma_wait3A_121] : memref<96x1024xf32, #tpu.memory_space<vmem>> -> memref<16x1024xf32, #tpu.memory_space<vmem>>
      %dma_wait3A_123 = arith.constant 16 : i32
      %dma_wait3A_124 = tpu.memref_slice %arg5[%dma_wait3A_123] : memref<256xi32, #tpu.memory_space<vmem>> -> memref<16xi32, #tpu.memory_space<vmem>>
      %dma_wait3A_125 = arith.constant 0 : i32
      %dma_wait3A_126 = arith.constant 0 : i32
      %dma_wait3A_127 = tpu.memref_slice %arg2[%dma_wait3A_125, %dma_wait3A_126] : memref<100000x1024xf32, #tpu.memory_space<hbm>> -> memref<100000x1024xf32, #tpu.memory_space<hbm>>
      tpu.wait_indirect_dma semaphore(%arg8 : memref<!tpu.dma_semaphore, #tpu.memory_space<semaphore_mem>>) src(%dma_wait3A_127 : memref<100000x1024xf32, #tpu.memory_space<hbm>>) dst(%dma_wait3A_122 : memref<16x1024xf32, #tpu.memory_space<vmem>>)
      %add3A_128 = arith.constant 16 : i32
      %add3A_129 = arith.addi %mul3A_2, %add3A_128 : i32
      %dma_start3A_130 = arith.constant 16 : i32
      %dma_start3A_131 = arith.constant 0 : i32
      %dma_start3A_132 = tpu.memref_slice %arg6[%dma_start3A_130, %dma_start3A_131] : memref<96x1024xf32, #tpu.memory_space<vmem>> -> memref<16x1024xf32, #tpu.memory_space<vmem>>
      %dma_start3A_133 = arith.constant 0 : i32
      %dma_start3A_134 = tpu.memref_slice %arg4[%add3A_129, %dma_start3A_133] : memref<8192x1024xf32, #tpu.memory_space<hbm>> -> memref<16x1024xf32, #tpu.memory_space<hbm>>
      %dma_start3A_135 = arith.constant 0 : i32
      %dma_start3A_136 = tpu.memref_slice %arg4[%add3A_129, %dma_start3A_135] : memref<8192x1024xf32, #tpu.memory_space<hbm>> -> memref<16x1024xf32, #tpu.memory_space<hbm>>
      %dma_start3A_137 = arith.constant 16 : i32
      %dma_start3A_138 = arith.constant 0 : i32
      %dma_start3A_139 = tpu.memref_slice %arg6[%dma_start3A_137, %dma_start3A_138] : memref<96x1024xf32, #tpu.memory_space<vmem>> -> memref<16x1024xf32, #tpu.memory_space<vmem>>
      tpu.enqueue_dma source(%dma_start3A_139 : memref<16x1024xf32, #tpu.memory_space<vmem>>) target(%dma_start3A_136 : memref<16x1024xf32, #tpu.memory_space<hbm>>) target_semaphore(%arg14 : memref<!tpu.dma_semaphore, #tpu.memory_space<semaphore_mem>>)
      %dma_wait3A_140 = arith.constant 16 : i32
      %dma_wait3A_141 = arith.constant 0 : i32
      %dma_wait3A_142 = tpu.memref_slice %arg6[%dma_wait3A_140, %dma_wait3A_141] : memref<96x1024xf32, #tpu.memory_space<vmem>> -> memref<16x1024xf32, #tpu.memory_space<vmem>>
      %dma_wait3A_143 = arith.constant 0 : i32
      %dma_wait3A_144 = tpu.memref_slice %arg4[%add3A_129, %dma_wait3A_143] : memref<8192x1024xf32, #tpu.memory_space<hbm>> -> memref<16x1024xf32, #tpu.memory_space<hbm>>
      %dma_wait3A_145 = arith.constant 0 : i32
      %dma_wait3A_146 = tpu.memref_slice %arg4[%add3A_129, %dma_wait3A_145] : memref<8192x1024xf32, #tpu.memory_space<hbm>> -> memref<16x1024xf32, #tpu.memory_space<hbm>>
      %dma_wait3A_147 = arith.constant 16 : i32
      %dma_wait3A_148 = arith.constant 0 : i32
      %dma_wait3A_149 = tpu.memref_slice %arg6[%dma_wait3A_147, %dma_wait3A_148] : memref<96x1024xf32, #tpu.memory_space<vmem>> -> memref<16x1024xf32, #tpu.memory_space<vmem>>
      tpu.wait_dma2 semaphore(%arg14 : memref<!tpu.dma_semaphore, #tpu.memory_space<semaphore_mem>>) src(%dma_wait3A_149 : memref<16x1024xf32, #tpu.memory_space<vmem>>) dst(%dma_wait3A_146 : memref<16x1024xf32, #tpu.memory_space<hbm>>)
      %dma_start3A_150 = arith.constant 16 : i32
      %dma_start3A_151 = arith.constant 0 : i32
      %dma_start3A_152 = tpu.memref_slice %arg6[%dma_start3A_150, %dma_start3A_151] : memref<96x1024xf32, #tpu.memory_space<vmem>> -> memref<16x1024xf32, #tpu.memory_space<vmem>>
      %dma_start3A_153 = arith.constant 112 : i32
      %dma_start3A_154 = tpu.memref_slice %arg5[%dma_start3A_153] : memref<256xi32, #tpu.memory_space<vmem>> -> memref<16xi32, #tpu.memory_space<vmem>>
      %dma_start3A_155 = arith.constant 0 : i32
      %dma_start3A_156 = arith.constant 0 : i32
      %dma_start3A_157 = tpu.memref_slice %arg2[%dma_start3A_155, %dma_start3A_156] : memref<100000x1024xf32, #tpu.memory_space<hbm>> -> memref<100000x1024xf32, #tpu.memory_space<hbm>>
      tpu.enqueue_indirect_dma source(%dma_start3A_157 : memref<100000x1024xf32, #tpu.memory_space<hbm>>) target(%dma_start3A_152 : memref<16x1024xf32, #tpu.memory_space<vmem>>) offsets(%dma_start3A_154 : memref<16xi32, #tpu.memory_space<vmem>>) semaphore(%arg8 : memref<!tpu.dma_semaphore, #tpu.memory_space<semaphore_mem>>)
      %dma_wait3A_158 = arith.constant 32 : i32
      %dma_wait3A_159 = arith.constant 0 : i32
      %dma_wait3A_160 = tpu.memref_slice %arg6[%dma_wait3A_158, %dma_wait3A_159] : memref<96x1024xf32, #tpu.memory_space<vmem>> -> memref<16x1024xf32, #tpu.memory_space<vmem>>
      %dma_wait3A_161 = arith.constant 32 : i32
      %dma_wait3A_162 = tpu.memref_slice %arg5[%dma_wait3A_161] : memref<256xi32, #tpu.memory_space<vmem>> -> memref<16xi32, #tpu.memory_space<vmem>>
      %dma_wait3A_163 = arith.constant 0 : i32
      %dma_wait3A_164 = arith.constant 0 : i32
      %dma_wait3A_165 = tpu.memref_slice %arg2[%dma_wait3A_163, %dma_wait3A_164] : memref<100000x1024xf32, #tpu.memory_space<hbm>> -> memref<100000x1024xf32, #tpu.memory_space<hbm>>
      tpu.wait_indirect_dma semaphore(%arg9 : memref<!tpu.dma_semaphore, #tpu.memory_space<semaphore_mem>>) src(%dma_wait3A_165 : memref<100000x1024xf32, #tpu.memory_space<hbm>>) dst(%dma_wait3A_160 : memref<16x1024xf32, #tpu.memory_space<vmem>>)
      %add3A_166 = arith.constant 32 : i32
      %add3A_167 = arith.addi %mul3A_2, %add3A_166 : i32
      %dma_start3A_168 = arith.constant 32 : i32
      %dma_start3A_169 = arith.constant 0 : i32
      %dma_start3A_170 = tpu.memref_slice %arg6[%dma_start3A_168, %dma_start3A_169] : memref<96x1024xf32, #tpu.memory_space<vmem>> -> memref<16x1024xf32, #tpu.memory_space<vmem>>
      %dma_start3A_171 = arith.constant 0 : i32
      %dma_start3A_172 = tpu.memref_slice %arg4[%add3A_167, %dma_start3A_171] : memref<8192x1024xf32, #tpu.memory_space<hbm>> -> memref<16x1024xf32, #tpu.memory_space<hbm>>
      %dma_start3A_173 = arith.constant 0 : i32
      %dma_start3A_174 = tpu.memref_slice %arg4[%add3A_167, %dma_start3A_173] : memref<8192x1024xf32, #tpu.memory_space<hbm>> -> memref<16x1024xf32, #tpu.memory_space<hbm>>
      %dma_start3A_175 = arith.constant 32 : i32
      %dma_start3A_176 = arith.constant 0 : i32
      %dma_start3A_177 = tpu.memref_slice %arg6[%dma_start3A_175, %dma_start3A_176] : memref<96x1024xf32, #tpu.memory_space<vmem>> -> memref<16x1024xf32, #tpu.memory_space<vmem>>
      tpu.enqueue_dma source(%dma_start3A_177 : memref<16x1024xf32, #tpu.memory_space<vmem>>) target(%dma_start3A_174 : memref<16x1024xf32, #tpu.memory_space<hbm>>) target_semaphore(%arg15 : memref<!tpu.dma_semaphore, #tpu.memory_space<semaphore_mem>>)
      %dma_wait3A_178 = arith.constant 32 : i32
      %dma_wait3A_179 = arith.constant 0 : i32
      %dma_wait3A_180 = tpu.memref_slice %arg6[%dma_wait3A_178, %dma_wait3A_179] : memref<96x1024xf32, #tpu.memory_space<vmem>> -> memref<16x1024xf32, #tpu.memory_space<vmem>>
      %dma_wait3A_181 = arith.constant 0 : i32
      %dma_wait3A_182 = tpu.memref_slice %arg4[%add3A_167, %dma_wait3A_181] : memref<8192x1024xf32, #tpu.memory_space<hbm>> -> memref<16x1024xf32, #tpu.memory_space<hbm>>
      %dma_wait3A_183 = arith.constant 0 : i32
      %dma_wait3A_184 = tpu.memref_slice %arg4[%add3A_167, %dma_wait3A_183] : memref<8192x1024xf32, #tpu.memory_space<hbm>> -> memref<16x1024xf32, #tpu.memory_space<hbm>>
      %dma_wait3A_185 = arith.constant 32 : i32
      %dma_wait3A_186 = arith.constant 0 : i32
      %dma_wait3A_187 = tpu.memref_slice %arg6[%dma_wait3A_185, %dma_wait3A_186] : memref<96x1024xf32, #tpu.memory_space<vmem>> -> memref<16x1024xf32, #tpu.memory_space<vmem>>
      tpu.wait_dma2 semaphore(%arg15 : memref<!tpu.dma_semaphore, #tpu.memory_space<semaphore_mem>>) src(%dma_wait3A_187 : memref<16x1024xf32, #tpu.memory_space<vmem>>) dst(%dma_wait3A_184 : memref<16x1024xf32, #tpu.memory_space<hbm>>)
      %dma_start3A_188 = arith.constant 32 : i32
      %dma_start3A_189 = arith.constant 0 : i32
      %dma_start3A_190 = tpu.memref_slice %arg6[%dma_start3A_188, %dma_start3A_189] : memref<96x1024xf32, #tpu.memory_space<vmem>> -> memref<16x1024xf32, #tpu.memory_space<vmem>>
      %dma_start3A_191 = arith.constant 128 : i32
      %dma_start3A_192 = tpu.memref_slice %arg5[%dma_start3A_191] : memref<256xi32, #tpu.memory_space<vmem>> -> memref<16xi32, #tpu.memory_space<vmem>>
      %dma_start3A_193 = arith.constant 0 : i32
      %dma_start3A_194 = arith.constant 0 : i32
      %dma_start3A_195 = tpu.memref_slice %arg2[%dma_start3A_193, %dma_start3A_194] : memref<100000x1024xf32, #tpu.memory_space<hbm>> -> memref<100000x1024xf32, #tpu.memory_space<hbm>>
      tpu.enqueue_indirect_dma source(%dma_start3A_195 : memref<100000x1024xf32, #tpu.memory_space<hbm>>) target(%dma_start3A_190 : memref<16x1024xf32, #tpu.memory_space<vmem>>) offsets(%dma_start3A_192 : memref<16xi32, #tpu.memory_space<vmem>>) semaphore(%arg9 : memref<!tpu.dma_semaphore, #tpu.memory_space<semaphore_mem>>)
      %dma_wait3A_196 = arith.constant 48 : i32
      %dma_wait3A_197 = arith.constant 0 : i32
      %dma_wait3A_198 = tpu.memref_slice %arg6[%dma_wait3A_196, %dma_wait3A_197] : memref<96x1024xf32, #tpu.memory_space<vmem>> -> memref<16x1024xf32, #tpu.memory_space<vmem>>
      %dma_wait3A_199 = arith.constant 48 : i32
      %dma_wait3A_200 = tpu.memref_slice %arg5[%dma_wait3A_199] : memref<256xi32, #tpu.memory_space<vmem>> -> memref<16xi32, #tpu.memory_space<vmem>>
      %dma_wait3A_201 = arith.constant 0 : i32
      %dma_wait3A_202 = arith.constant 0 : i32
      %dma_wait3A_203 = tpu.memref_slice %arg2[%dma_wait3A_201, %dma_wait3A_202] : memref<100000x1024xf32, #tpu.memory_space<hbm>> -> memref<100000x1024xf32, #tpu.memory_space<hbm>>
      tpu.wait_indirect_dma semaphore(%arg10 : memref<!tpu.dma_semaphore, #tpu.memory_space<semaphore_mem>>) src(%dma_wait3A_203 : memref<100000x1024xf32, #tpu.memory_space<hbm>>) dst(%dma_wait3A_198 : memref<16x1024xf32, #tpu.memory_space<vmem>>)
      %add3A_204 = arith.constant 48 : i32
      %add3A_205 = arith.addi %mul3A_2, %add3A_204 : i32
      %dma_start3A_206 = arith.constant 48 : i32
      %dma_start3A_207 = arith.constant 0 : i32
      %dma_start3A_208 = tpu.memref_slice %arg6[%dma_start3A_206, %dma_start3A_207] : memref<96x1024xf32, #tpu.memory_space<vmem>> -> memref<16x1024xf32, #tpu.memory_space<vmem>>
      %dma_start3A_209 = arith.constant 0 : i32
      %dma_start3A_210 = tpu.memref_slice %arg4[%add3A_205, %dma_start3A_209] : memref<8192x1024xf32, #tpu.memory_space<hbm>> -> memref<16x1024xf32, #tpu.memory_space<hbm>>
      %dma_start3A_211 = arith.constant 0 : i32
      %dma_start3A_212 = tpu.memref_slice %arg4[%add3A_205, %dma_start3A_211] : memref<8192x1024xf32, #tpu.memory_space<hbm>> -> memref<16x1024xf32, #tpu.memory_space<hbm>>
      %dma_start3A_213 = arith.constant 48 : i32
      %dma_start3A_214 = arith.constant 0 : i32
      %dma_start3A_215 = tpu.memref_slice %arg6[%dma_start3A_213, %dma_start3A_214] : memref<96x1024xf32, #tpu.memory_space<vmem>> -> memref<16x1024xf32, #tpu.memory_space<vmem>>
      tpu.enqueue_dma source(%dma_start3A_215 : memref<16x1024xf32, #tpu.memory_space<vmem>>) target(%dma_start3A_212 : memref<16x1024xf32, #tpu.memory_space<hbm>>) target_semaphore(%arg16 : memref<!tpu.dma_semaphore, #tpu.memory_space<semaphore_mem>>)
      %dma_wait3A_216 = arith.constant 48 : i32
      %dma_wait3A_217 = arith.constant 0 : i32
      %dma_wait3A_218 = tpu.memref_slice %arg6[%dma_wait3A_216, %dma_wait3A_217] : memref<96x1024xf32, #tpu.memory_space<vmem>> -> memref<16x1024xf32, #tpu.memory_space<vmem>>
      %dma_wait3A_219 = arith.constant 0 : i32
      %dma_wait3A_220 = tpu.memref_slice %arg4[%add3A_205, %dma_wait3A_219] : memref<8192x1024xf32, #tpu.memory_space<hbm>> -> memref<16x1024xf32, #tpu.memory_space<hbm>>
      %dma_wait3A_221 = arith.constant 0 : i32
      %dma_wait3A_222 = tpu.memref_slice %arg4[%add3A_205, %dma_wait3A_221] : memref<8192x1024xf32, #tpu.memory_space<hbm>> -> memref<16x1024xf32, #tpu.memory_space<hbm>>
      %dma_wait3A_223 = arith.constant 48 : i32
      %dma_wait3A_224 = arith.constant 0 : i32
      %dma_wait3A_225 = tpu.memref_slice %arg6[%dma_wait3A_223, %dma_wait3A_224] : memref<96x1024xf32, #tpu.memory_space<vmem>> -> memref<16x1024xf32, #tpu.memory_space<vmem>>
      tpu.wait_dma2 semaphore(%arg16 : memref<!tpu.dma_semaphore, #tpu.memory_space<semaphore_mem>>) src(%dma_wait3A_225 : memref<16x1024xf32, #tpu.memory_space<vmem>>) dst(%dma_wait3A_222 : memref<16x1024xf32, #tpu.memory_space<hbm>>)
      %dma_start3A_226 = arith.constant 48 : i32
      %dma_start3A_227 = arith.constant 0 : i32
      %dma_start3A_228 = tpu.memref_slice %arg6[%dma_start3A_226, %dma_start3A_227] : memref<96x1024xf32, #tpu.memory_space<vmem>> -> memref<16x1024xf32, #tpu.memory_space<vmem>>
      %dma_start3A_229 = arith.constant 144 : i32
      %dma_start3A_230 = tpu.memref_slice %arg5[%dma_start3A_229] : memref<256xi32, #tpu.memory_space<vmem>> -> memref<16xi32, #tpu.memory_space<vmem>>
      %dma_start3A_231 = arith.constant 0 : i32
      %dma_start3A_232 = arith.constant 0 : i32
      %dma_start3A_233 = tpu.memref_slice %arg2[%dma_start3A_231, %dma_start3A_232] : memref<100000x1024xf32, #tpu.memory_space<hbm>> -> memref<100000x1024xf32, #tpu.memory_space<hbm>>
      tpu.enqueue_indirect_dma source(%dma_start3A_233 : memref<100000x1024xf32, #tpu.memory_space<hbm>>) target(%dma_start3A_228 : memref<16x1024xf32, #tpu.memory_space<vmem>>) offsets(%dma_start3A_230 : memref<16xi32, #tpu.memory_space<vmem>>) semaphore(%arg10 : memref<!tpu.dma_semaphore, #tpu.memory_space<semaphore_mem>>)
      %dma_wait3A_234 = arith.constant 64 : i32
      %dma_wait3A_235 = arith.constant 0 : i32
      %dma_wait3A_236 = tpu.memref_slice %arg6[%dma_wait3A_234, %dma_wait3A_235] : memref<96x1024xf32, #tpu.memory_space<vmem>> -> memref<16x1024xf32, #tpu.memory_space<vmem>>
      %dma_wait3A_237 = arith.constant 64 : i32
      %dma_wait3A_238 = tpu.memref_slice %arg5[%dma_wait3A_237] : memref<256xi32, #tpu.memory_space<vmem>> -> memref<16xi32, #tpu.memory_space<vmem>>
      %dma_wait3A_239 = arith.constant 0 : i32
      %dma_wait3A_240 = arith.constant 0 : i32
      %dma_wait3A_241 = tpu.memref_slice %arg2[%dma_wait3A_239, %dma_wait3A_240] : memref<100000x1024xf32, #tpu.memory_space<hbm>> -> memref<100000x1024xf32, #tpu.memory_space<hbm>>
      tpu.wait_indirect_dma semaphore(%arg11 : memref<!tpu.dma_semaphore, #tpu.memory_space<semaphore_mem>>) src(%dma_wait3A_241 : memref<100000x1024xf32, #tpu.memory_space<hbm>>) dst(%dma_wait3A_236 : memref<16x1024xf32, #tpu.memory_space<vmem>>)
      %add3A_242 = arith.constant 64 : i32
      %add3A_243 = arith.addi %mul3A_2, %add3A_242 : i32
      %dma_start3A_244 = arith.constant 64 : i32
      %dma_start3A_245 = arith.constant 0 : i32
      %dma_start3A_246 = tpu.memref_slice %arg6[%dma_start3A_244, %dma_start3A_245] : memref<96x1024xf32, #tpu.memory_space<vmem>> -> memref<16x1024xf32, #tpu.memory_space<vmem>>
      %dma_start3A_247 = arith.constant 0 : i32
      %dma_start3A_248 = tpu.memref_slice %arg4[%add3A_243, %dma_start3A_247] : memref<8192x1024xf32, #tpu.memory_space<hbm>> -> memref<16x1024xf32, #tpu.memory_space<hbm>>
      %dma_start3A_249 = arith.constant 0 : i32
      %dma_start3A_250 = tpu.memref_slice %arg4[%add3A_243, %dma_start3A_249] : memref<8192x1024xf32, #tpu.memory_space<hbm>> -> memref<16x1024xf32, #tpu.memory_space<hbm>>
      %dma_start3A_251 = arith.constant 64 : i32
      %dma_start3A_252 = arith.constant 0 : i32
      %dma_start3A_253 = tpu.memref_slice %arg6[%dma_start3A_251, %dma_start3A_252] : memref<96x1024xf32, #tpu.memory_space<vmem>> -> memref<16x1024xf32, #tpu.memory_space<vmem>>
      tpu.enqueue_dma source(%dma_start3A_253 : memref<16x1024xf32, #tpu.memory_space<vmem>>) target(%dma_start3A_250 : memref<16x1024xf32, #tpu.memory_space<hbm>>) target_semaphore(%arg17 : memref<!tpu.dma_semaphore, #tpu.memory_space<semaphore_mem>>)
      %dma_wait3A_254 = arith.constant 64 : i32
      %dma_wait3A_255 = arith.constant 0 : i32
      %dma_wait3A_256 = tpu.memref_slice %arg6[%dma_wait3A_254, %dma_wait3A_255] : memref<96x1024xf32, #tpu.memory_space<vmem>> -> memref<16x1024xf32, #tpu.memory_space<vmem>>
      %dma_wait3A_257 = arith.constant 0 : i32
      %dma_wait3A_258 = tpu.memref_slice %arg4[%add3A_243, %dma_wait3A_257] : memref<8192x1024xf32, #tpu.memory_space<hbm>> -> memref<16x1024xf32, #tpu.memory_space<hbm>>
      %dma_wait3A_259 = arith.constant 0 : i32
      %dma_wait3A_260 = tpu.memref_slice %arg4[%add3A_243, %dma_wait3A_259] : memref<8192x1024xf32, #tpu.memory_space<hbm>> -> memref<16x1024xf32, #tpu.memory_space<hbm>>
      %dma_wait3A_261 = arith.constant 64 : i32
      %dma_wait3A_262 = arith.constant 0 : i32
      %dma_wait3A_263 = tpu.memref_slice %arg6[%dma_wait3A_261, %dma_wait3A_262] : memref<96x1024xf32, #tpu.memory_space<vmem>> -> memref<16x1024xf32, #tpu.memory_space<vmem>>
      tpu.wait_dma2 semaphore(%arg17 : memref<!tpu.dma_semaphore, #tpu.memory_space<semaphore_mem>>) src(%dma_wait3A_263 : memref<16x1024xf32, #tpu.memory_space<vmem>>) dst(%dma_wait3A_260 : memref<16x1024xf32, #tpu.memory_space<hbm>>)
      %dma_start3A_264 = arith.constant 64 : i32
      %dma_start3A_265 = arith.constant 0 : i32
      %dma_start3A_266 = tpu.memref_slice %arg6[%dma_start3A_264, %dma_start3A_265] : memref<96x1024xf32, #tpu.memory_space<vmem>> -> memref<16x1024xf32, #tpu.memory_space<vmem>>
      %dma_start3A_267 = arith.constant 160 : i32
      %dma_start3A_268 = tpu.memref_slice %arg5[%dma_start3A_267] : memref<256xi32, #tpu.memory_space<vmem>> -> memref<16xi32, #tpu.memory_space<vmem>>
      %dma_start3A_269 = arith.constant 0 : i32
      %dma_start3A_270 = arith.constant 0 : i32
      %dma_start3A_271 = tpu.memref_slice %arg2[%dma_start3A_269, %dma_start3A_270] : memref<100000x1024xf32, #tpu.memory_space<hbm>> -> memref<100000x1024xf32, #tpu.memory_space<hbm>>
      tpu.enqueue_indirect_dma source(%dma_start3A_271 : memref<100000x1024xf32, #tpu.memory_space<hbm>>) target(%dma_start3A_266 : memref<16x1024xf32, #tpu.memory_space<vmem>>) offsets(%dma_start3A_268 : memref<16xi32, #tpu.memory_space<vmem>>) semaphore(%arg11 : memref<!tpu.dma_semaphore, #tpu.memory_space<semaphore_mem>>)
      %dma_wait3A_272 = arith.constant 80 : i32
      %dma_wait3A_273 = arith.constant 0 : i32
      %dma_wait3A_274 = tpu.memref_slice %arg6[%dma_wait3A_272, %dma_wait3A_273] : memref<96x1024xf32, #tpu.memory_space<vmem>> -> memref<16x1024xf32, #tpu.memory_space<vmem>>
      %dma_wait3A_275 = arith.constant 80 : i32
      %dma_wait3A_276 = tpu.memref_slice %arg5[%dma_wait3A_275] : memref<256xi32, #tpu.memory_space<vmem>> -> memref<16xi32, #tpu.memory_space<vmem>>
      %dma_wait3A_277 = arith.constant 0 : i32
      %dma_wait3A_278 = arith.constant 0 : i32
      %dma_wait3A_279 = tpu.memref_slice %arg2[%dma_wait3A_277, %dma_wait3A_278] : memref<100000x1024xf32, #tpu.memory_space<hbm>> -> memref<100000x1024xf32, #tpu.memory_space<hbm>>
      tpu.wait_indirect_dma semaphore(%arg12 : memref<!tpu.dma_semaphore, #tpu.memory_space<semaphore_mem>>) src(%dma_wait3A_279 : memref<100000x1024xf32, #tpu.memory_space<hbm>>) dst(%dma_wait3A_274 : memref<16x1024xf32, #tpu.memory_space<vmem>>)
      %add3A_280 = arith.constant 80 : i32
      %add3A_281 = arith.addi %mul3A_2, %add3A_280 : i32
      %dma_start3A_282 = arith.constant 80 : i32
      %dma_start3A_283 = arith.constant 0 : i32
      %dma_start3A_284 = tpu.memref_slice %arg6[%dma_start3A_282, %dma_start3A_283] : memref<96x1024xf32, #tpu.memory_space<vmem>> -> memref<16x1024xf32, #tpu.memory_space<vmem>>
      %dma_start3A_285 = arith.constant 0 : i32
      %dma_start3A_286 = tpu.memref_slice %arg4[%add3A_281, %dma_start3A_285] : memref<8192x1024xf32, #tpu.memory_space<hbm>> -> memref<16x1024xf32, #tpu.memory_space<hbm>>
      %dma_start3A_287 = arith.constant 0 : i32
      %dma_start3A_288 = tpu.memref_slice %arg4[%add3A_281, %dma_start3A_287] : memref<8192x1024xf32, #tpu.memory_space<hbm>> -> memref<16x1024xf32, #tpu.memory_space<hbm>>
      %dma_start3A_289 = arith.constant 80 : i32
      %dma_start3A_290 = arith.constant 0 : i32
      %dma_start3A_291 = tpu.memref_slice %arg6[%dma_start3A_289, %dma_start3A_290] : memref<96x1024xf32, #tpu.memory_space<vmem>> -> memref<16x1024xf32, #tpu.memory_space<vmem>>
      tpu.enqueue_dma source(%dma_start3A_291 : memref<16x1024xf32, #tpu.memory_space<vmem>>) target(%dma_start3A_288 : memref<16x1024xf32, #tpu.memory_space<hbm>>) target_semaphore(%arg18 : memref<!tpu.dma_semaphore, #tpu.memory_space<semaphore_mem>>)
      %dma_wait3A_292 = arith.constant 80 : i32
      %dma_wait3A_293 = arith.constant 0 : i32
      %dma_wait3A_294 = tpu.memref_slice %arg6[%dma_wait3A_292, %dma_wait3A_293] : memref<96x1024xf32, #tpu.memory_space<vmem>> -> memref<16x1024xf32, #tpu.memory_space<vmem>>
      %dma_wait3A_295 = arith.constant 0 : i32
      %dma_wait3A_296 = tpu.memref_slice %arg4[%add3A_281, %dma_wait3A_295] : memref<8192x1024xf32, #tpu.memory_space<hbm>> -> memref<16x1024xf32, #tpu.memory_space<hbm>>
      %dma_wait3A_297 = arith.constant 0 : i32
      %dma_wait3A_298 = tpu.memref_slice %arg4[%add3A_281, %dma_wait3A_297] : memref<8192x1024xf32, #tpu.memory_space<hbm>> -> memref<16x1024xf32, #tpu.memory_space<hbm>>
      %dma_wait3A_299 = arith.constant 80 : i32
      %dma_wait3A_300 = arith.constant 0 : i32
      %dma_wait3A_301 = tpu.memref_slice %arg6[%dma_wait3A_299, %dma_wait3A_300] : memref<96x1024xf32, #tpu.memory_space<vmem>> -> memref<16x1024xf32, #tpu.memory_space<vmem>>
      tpu.wait_dma2 semaphore(%arg18 : memref<!tpu.dma_semaphore, #tpu.memory_space<semaphore_mem>>) src(%dma_wait3A_301 : memref<16x1024xf32, #tpu.memory_space<vmem>>) dst(%dma_wait3A_298 : memref<16x1024xf32, #tpu.memory_space<hbm>>)
      %dma_start3A_302 = arith.constant 80 : i32
      %dma_start3A_303 = arith.constant 0 : i32
      %dma_start3A_304 = tpu.memref_slice %arg6[%dma_start3A_302, %dma_start3A_303] : memref<96x1024xf32, #tpu.memory_space<vmem>> -> memref<16x1024xf32, #tpu.memory_space<vmem>>
      %dma_start3A_305 = arith.constant 176 : i32
      %dma_start3A_306 = tpu.memref_slice %arg5[%dma_start3A_305] : memref<256xi32, #tpu.memory_space<vmem>> -> memref<16xi32, #tpu.memory_space<vmem>>
      %dma_start3A_307 = arith.constant 0 : i32
      %dma_start3A_308 = arith.constant 0 : i32
      %dma_start3A_309 = tpu.memref_slice %arg2[%dma_start3A_307, %dma_start3A_308] : memref<100000x1024xf32, #tpu.memory_space<hbm>> -> memref<100000x1024xf32, #tpu.memory_space<hbm>>
      tpu.enqueue_indirect_dma source(%dma_start3A_309 : memref<100000x1024xf32, #tpu.memory_space<hbm>>) target(%dma_start3A_304 : memref<16x1024xf32, #tpu.memory_space<vmem>>) offsets(%dma_start3A_306 : memref<16xi32, #tpu.memory_space<vmem>>) semaphore(%arg12 : memref<!tpu.dma_semaphore, #tpu.memory_space<semaphore_mem>>)
      %dma_wait3A_310 = arith.constant 0 : i32
      %dma_wait3A_311 = arith.constant 0 : i32
      %dma_wait3A_312 = tpu.memref_slice %arg6[%dma_wait3A_310, %dma_wait3A_311] : memref<96x1024xf32, #tpu.memory_space<vmem>> -> memref<16x1024xf32, #tpu.memory_space<vmem>>
      %dma_wait3A_313 = arith.constant 96 : i32
      %dma_wait3A_314 = tpu.memref_slice %arg5[%dma_wait3A_313] : memref<256xi32, #tpu.memory_space<vmem>> -> memref<16xi32, #tpu.memory_space<vmem>>
      %dma_wait3A_315 = arith.constant 0 : i32
      %dma_wait3A_316 = arith.constant 0 : i32
      %dma_wait3A_317 = tpu.memref_slice %arg2[%dma_wait3A_315, %dma_wait3A_316] : memref<100000x1024xf32, #tpu.memory_space<hbm>> -> memref<100000x1024xf32, #tpu.memory_space<hbm>>
      tpu.wait_indirect_dma semaphore(%arg7 : memref<!tpu.dma_semaphore, #tpu.memory_space<semaphore_mem>>) src(%dma_wait3A_317 : memref<100000x1024xf32, #tpu.memory_space<hbm>>) dst(%dma_wait3A_312 : memref<16x1024xf32, #tpu.memory_space<vmem>>)
      %add3A_318 = arith.constant 96 : i32
      %add3A_319 = arith.addi %mul3A_2, %add3A_318 : i32
      %dma_start3A_320 = arith.constant 0 : i32
      %dma_start3A_321 = arith.constant 0 : i32
      %dma_start3A_322 = tpu.memref_slice %arg6[%dma_start3A_320, %dma_start3A_321] : memref<96x1024xf32, #tpu.memory_space<vmem>> -> memref<16x1024xf32, #tpu.memory_space<vmem>>
      %dma_start3A_323 = arith.constant 0 : i32
      %dma_start3A_324 = tpu.memref_slice %arg4[%add3A_319, %dma_start3A_323] : memref<8192x1024xf32, #tpu.memory_space<hbm>> -> memref<16x1024xf32, #tpu.memory_space<hbm>>
      %dma_start3A_325 = arith.constant 0 : i32
      %dma_start3A_326 = tpu.memref_slice %arg4[%add3A_319, %dma_start3A_325] : memref<8192x1024xf32, #tpu.memory_space<hbm>> -> memref<16x1024xf32, #tpu.memory_space<hbm>>
      %dma_start3A_327 = arith.constant 0 : i32
      %dma_start3A_328 = arith.constant 0 : i32
      %dma_start3A_329 = tpu.memref_slice %arg6[%dma_start3A_327, %dma_start3A_328] : memref<96x1024xf32, #tpu.memory_space<vmem>> -> memref<16x1024xf32, #tpu.memory_space<vmem>>
      tpu.enqueue_dma source(%dma_start3A_329 : memref<16x1024xf32, #tpu.memory_space<vmem>>) target(%dma_start3A_326 : memref<16x1024xf32, #tpu.memory_space<hbm>>) target_semaphore(%arg13 : memref<!tpu.dma_semaphore, #tpu.memory_space<semaphore_mem>>)
      %dma_wait3A_330 = arith.constant 0 : i32
      %dma_wait3A_331 = arith.constant 0 : i32
      %dma_wait3A_332 = tpu.memref_slice %arg6[%dma_wait3A_330, %dma_wait3A_331] : memref<96x1024xf32, #tpu.memory_space<vmem>> -> memref<16x1024xf32, #tpu.memory_space<vmem>>
      %dma_wait3A_333 = arith.constant 0 : i32
      %dma_wait3A_334 = tpu.memref_slice %arg4[%add3A_319, %dma_wait3A_333] : memref<8192x1024xf32, #tpu.memory_space<hbm>> -> memref<16x1024xf32, #tpu.memory_space<hbm>>
      %dma_wait3A_335 = arith.constant 0 : i32
      %dma_wait3A_336 = tpu.memref_slice %arg4[%add3A_319, %dma_wait3A_335] : memref<8192x1024xf32, #tpu.memory_space<hbm>> -> memref<16x1024xf32, #tpu.memory_space<hbm>>
      %dma_wait3A_337 = arith.constant 0 : i32
      %dma_wait3A_338 = arith.constant 0 : i32
      %dma_wait3A_339 = tpu.memref_slice %arg6[%dma_wait3A_337, %dma_wait3A_338] : memref<96x1024xf32, #tpu.memory_space<vmem>> -> memref<16x1024xf32, #tpu.memory_space<vmem>>
      tpu.wait_dma2 semaphore(%arg13 : memref<!tpu.dma_semaphore, #tpu.memory_space<semaphore_mem>>) src(%dma_wait3A_339 : memref<16x1024xf32, #tpu.memory_space<vmem>>) dst(%dma_wait3A_336 : memref<16x1024xf32, #tpu.memory_space<hbm>>)
      %dma_start3A_340 = arith.constant 0 : i32
      %dma_start3A_341 = arith.constant 0 : i32
      %dma_start3A_342 = tpu.memref_slice %arg6[%dma_start3A_340, %dma_start3A_341] : memref<96x1024xf32, #tpu.memory_space<vmem>> -> memref<16x1024xf32, #tpu.memory_space<vmem>>
      %dma_start3A_343 = arith.constant 192 : i32
      %dma_start3A_344 = tpu.memref_slice %arg5[%dma_start3A_343] : memref<256xi32, #tpu.memory_space<vmem>> -> memref<16xi32, #tpu.memory_space<vmem>>
      %dma_start3A_345 = arith.constant 0 : i32
      %dma_start3A_346 = arith.constant 0 : i32
      %dma_start3A_347 = tpu.memref_slice %arg2[%dma_start3A_345, %dma_start3A_346] : memref<100000x1024xf32, #tpu.memory_space<hbm>> -> memref<100000x1024xf32, #tpu.memory_space<hbm>>
      tpu.enqueue_indirect_dma source(%dma_start3A_347 : memref<100000x1024xf32, #tpu.memory_space<hbm>>) target(%dma_start3A_342 : memref<16x1024xf32, #tpu.memory_space<vmem>>) offsets(%dma_start3A_344 : memref<16xi32, #tpu.memory_space<vmem>>) semaphore(%arg7 : memref<!tpu.dma_semaphore, #tpu.memory_space<semaphore_mem>>)
      %dma_wait3A_348 = arith.constant 16 : i32
      %dma_wait3A_349 = arith.constant 0 : i32
      %dma_wait3A_350 = tpu.memref_slice %arg6[%dma_wait3A_348, %dma_wait3A_349] : memref<96x1024xf32, #tpu.memory_space<vmem>> -> memref<16x1024xf32, #tpu.memory_space<vmem>>
      %dma_wait3A_351 = arith.constant 112 : i32
      %dma_wait3A_352 = tpu.memref_slice %arg5[%dma_wait3A_351] : memref<256xi32, #tpu.memory_space<vmem>> -> memref<16xi32, #tpu.memory_space<vmem>>
      %dma_wait3A_353 = arith.constant 0 : i32
      %dma_wait3A_354 = arith.constant 0 : i32
      %dma_wait3A_355 = tpu.memref_slice %arg2[%dma_wait3A_353, %dma_wait3A_354] : memref<100000x1024xf32, #tpu.memory_space<hbm>> -> memref<100000x1024xf32, #tpu.memory_space<hbm>>
      tpu.wait_indirect_dma semaphore(%arg8 : memref<!tpu.dma_semaphore, #tpu.memory_space<semaphore_mem>>) src(%dma_wait3A_355 : memref<100000x1024xf32, #tpu.memory_space<hbm>>) dst(%dma_wait3A_350 : memref<16x1024xf32, #tpu.memory_space<vmem>>)
      %add3A_356 = arith.constant 112 : i32
      %add3A_357 = arith.addi %mul3A_2, %add3A_356 : i32
      %dma_start3A_358 = arith.constant 16 : i32
      %dma_start3A_359 = arith.constant 0 : i32
      %dma_start3A_360 = tpu.memref_slice %arg6[%dma_start3A_358, %dma_start3A_359] : memref<96x1024xf32, #tpu.memory_space<vmem>> -> memref<16x1024xf32, #tpu.memory_space<vmem>>
      %dma_start3A_361 = arith.constant 0 : i32
      %dma_start3A_362 = tpu.memref_slice %arg4[%add3A_357, %dma_start3A_361] : memref<8192x1024xf32, #tpu.memory_space<hbm>> -> memref<16x1024xf32, #tpu.memory_space<hbm>>
      %dma_start3A_363 = arith.constant 0 : i32
      %dma_start3A_364 = tpu.memref_slice %arg4[%add3A_357, %dma_start3A_363] : memref<8192x1024xf32, #tpu.memory_space<hbm>> -> memref<16x1024xf32, #tpu.memory_space<hbm>>
      %dma_start3A_365 = arith.constant 16 : i32
      %dma_start3A_366 = arith.constant 0 : i32
      %dma_start3A_367 = tpu.memref_slice %arg6[%dma_start3A_365, %dma_start3A_366] : memref<96x1024xf32, #tpu.memory_space<vmem>> -> memref<16x1024xf32, #tpu.memory_space<vmem>>
      tpu.enqueue_dma source(%dma_start3A_367 : memref<16x1024xf32, #tpu.memory_space<vmem>>) target(%dma_start3A_364 : memref<16x1024xf32, #tpu.memory_space<hbm>>) target_semaphore(%arg14 : memref<!tpu.dma_semaphore, #tpu.memory_space<semaphore_mem>>)
      %dma_wait3A_368 = arith.constant 16 : i32
      %dma_wait3A_369 = arith.constant 0 : i32
      %dma_wait3A_370 = tpu.memref_slice %arg6[%dma_wait3A_368, %dma_wait3A_369] : memref<96x1024xf32, #tpu.memory_space<vmem>> -> memref<16x1024xf32, #tpu.memory_space<vmem>>
      %dma_wait3A_371 = arith.constant 0 : i32
      %dma_wait3A_372 = tpu.memref_slice %arg4[%add3A_357, %dma_wait3A_371] : memref<8192x1024xf32, #tpu.memory_space<hbm>> -> memref<16x1024xf32, #tpu.memory_space<hbm>>
      %dma_wait3A_373 = arith.constant 0 : i32
      %dma_wait3A_374 = tpu.memref_slice %arg4[%add3A_357, %dma_wait3A_373] : memref<8192x1024xf32, #tpu.memory_space<hbm>> -> memref<16x1024xf32, #tpu.memory_space<hbm>>
      %dma_wait3A_375 = arith.constant 16 : i32
      %dma_wait3A_376 = arith.constant 0 : i32
      %dma_wait3A_377 = tpu.memref_slice %arg6[%dma_wait3A_375, %dma_wait3A_376] : memref<96x1024xf32, #tpu.memory_space<vmem>> -> memref<16x1024xf32, #tpu.memory_space<vmem>>
      tpu.wait_dma2 semaphore(%arg14 : memref<!tpu.dma_semaphore, #tpu.memory_space<semaphore_mem>>) src(%dma_wait3A_377 : memref<16x1024xf32, #tpu.memory_space<vmem>>) dst(%dma_wait3A_374 : memref<16x1024xf32, #tpu.memory_space<hbm>>)
      %dma_start3A_378 = arith.constant 16 : i32
      %dma_start3A_379 = arith.constant 0 : i32
      %dma_start3A_380 = tpu.memref_slice %arg6[%dma_start3A_378, %dma_start3A_379] : memref<96x1024xf32, #tpu.memory_space<vmem>> -> memref<16x1024xf32, #tpu.memory_space<vmem>>
      %dma_start3A_381 = arith.constant 208 : i32
      %dma_start3A_382 = tpu.memref_slice %arg5[%dma_start3A_381] : memref<256xi32, #tpu.memory_space<vmem>> -> memref<16xi32, #tpu.memory_space<vmem>>
      %dma_start3A_383 = arith.constant 0 : i32
      %dma_start3A_384 = arith.constant 0 : i32
      %dma_start3A_385 = tpu.memref_slice %arg2[%dma_start3A_383, %dma_start3A_384] : memref<100000x1024xf32, #tpu.memory_space<hbm>> -> memref<100000x1024xf32, #tpu.memory_space<hbm>>
      tpu.enqueue_indirect_dma source(%dma_start3A_385 : memref<100000x1024xf32, #tpu.memory_space<hbm>>) target(%dma_start3A_380 : memref<16x1024xf32, #tpu.memory_space<vmem>>) offsets(%dma_start3A_382 : memref<16xi32, #tpu.memory_space<vmem>>) semaphore(%arg8 : memref<!tpu.dma_semaphore, #tpu.memory_space<semaphore_mem>>)
      %dma_wait3A_386 = arith.constant 32 : i32
      %dma_wait3A_387 = arith.constant 0 : i32
      %dma_wait3A_388 = tpu.memref_slice %arg6[%dma_wait3A_386, %dma_wait3A_387] : memref<96x1024xf32, #tpu.memory_space<vmem>> -> memref<16x1024xf32, #tpu.memory_space<vmem>>
      %dma_wait3A_389 = arith.constant 128 : i32
      %dma_wait3A_390 = tpu.memref_slice %arg5[%dma_wait3A_389] : memref<256xi32, #tpu.memory_space<vmem>> -> memref<16xi32, #tpu.memory_space<vmem>>
      %dma_wait3A_391 = arith.constant 0 : i32
      %dma_wait3A_392 = arith.constant 0 : i32
      %dma_wait3A_393 = tpu.memref_slice %arg2[%dma_wait3A_391, %dma_wait3A_392] : memref<100000x1024xf32, #tpu.memory_space<hbm>> -> memref<100000x1024xf32, #tpu.memory_space<hbm>>
      tpu.wait_indirect_dma semaphore(%arg9 : memref<!tpu.dma_semaphore, #tpu.memory_space<semaphore_mem>>) src(%dma_wait3A_393 : memref<100000x1024xf32, #tpu.memory_space<hbm>>) dst(%dma_wait3A_388 : memref<16x1024xf32, #tpu.memory_space<vmem>>)
      %add3A_394 = arith.constant 128 : i32
      %add3A_395 = arith.addi %mul3A_2, %add3A_394 : i32
      %dma_start3A_396 = arith.constant 32 : i32
      %dma_start3A_397 = arith.constant 0 : i32
      %dma_start3A_398 = tpu.memref_slice %arg6[%dma_start3A_396, %dma_start3A_397] : memref<96x1024xf32, #tpu.memory_space<vmem>> -> memref<16x1024xf32, #tpu.memory_space<vmem>>
      %dma_start3A_399 = arith.constant 0 : i32
      %dma_start3A_400 = tpu.memref_slice %arg4[%add3A_395, %dma_start3A_399] : memref<8192x1024xf32, #tpu.memory_space<hbm>> -> memref<16x1024xf32, #tpu.memory_space<hbm>>
      %dma_start3A_401 = arith.constant 0 : i32
      %dma_start3A_402 = tpu.memref_slice %arg4[%add3A_395, %dma_start3A_401] : memref<8192x1024xf32, #tpu.memory_space<hbm>> -> memref<16x1024xf32, #tpu.memory_space<hbm>>
      %dma_start3A_403 = arith.constant 32 : i32
      %dma_start3A_404 = arith.constant 0 : i32
      %dma_start3A_405 = tpu.memref_slice %arg6[%dma_start3A_403, %dma_start3A_404] : memref<96x1024xf32, #tpu.memory_space<vmem>> -> memref<16x1024xf32, #tpu.memory_space<vmem>>
      tpu.enqueue_dma source(%dma_start3A_405 : memref<16x1024xf32, #tpu.memory_space<vmem>>) target(%dma_start3A_402 : memref<16x1024xf32, #tpu.memory_space<hbm>>) target_semaphore(%arg15 : memref<!tpu.dma_semaphore, #tpu.memory_space<semaphore_mem>>)
      %dma_wait3A_406 = arith.constant 32 : i32
      %dma_wait3A_407 = arith.constant 0 : i32
      %dma_wait3A_408 = tpu.memref_slice %arg6[%dma_wait3A_406, %dma_wait3A_407] : memref<96x1024xf32, #tpu.memory_space<vmem>> -> memref<16x1024xf32, #tpu.memory_space<vmem>>
      %dma_wait3A_409 = arith.constant 0 : i32
      %dma_wait3A_410 = tpu.memref_slice %arg4[%add3A_395, %dma_wait3A_409] : memref<8192x1024xf32, #tpu.memory_space<hbm>> -> memref<16x1024xf32, #tpu.memory_space<hbm>>
      %dma_wait3A_411 = arith.constant 0 : i32
      %dma_wait3A_412 = tpu.memref_slice %arg4[%add3A_395, %dma_wait3A_411] : memref<8192x1024xf32, #tpu.memory_space<hbm>> -> memref<16x1024xf32, #tpu.memory_space<hbm>>
      %dma_wait3A_413 = arith.constant 32 : i32
      %dma_wait3A_414 = arith.constant 0 : i32
      %dma_wait3A_415 = tpu.memref_slice %arg6[%dma_wait3A_413, %dma_wait3A_414] : memref<96x1024xf32, #tpu.memory_space<vmem>> -> memref<16x1024xf32, #tpu.memory_space<vmem>>
      tpu.wait_dma2 semaphore(%arg15 : memref<!tpu.dma_semaphore, #tpu.memory_space<semaphore_mem>>) src(%dma_wait3A_415 : memref<16x1024xf32, #tpu.memory_space<vmem>>) dst(%dma_wait3A_412 : memref<16x1024xf32, #tpu.memory_space<hbm>>)
      %dma_start3A_416 = arith.constant 32 : i32
      %dma_start3A_417 = arith.constant 0 : i32
      %dma_start3A_418 = tpu.memref_slice %arg6[%dma_start3A_416, %dma_start3A_417] : memref<96x1024xf32, #tpu.memory_space<vmem>> -> memref<16x1024xf32, #tpu.memory_space<vmem>>
      %dma_start3A_419 = arith.constant 224 : i32
      %dma_start3A_420 = tpu.memref_slice %arg5[%dma_start3A_419] : memref<256xi32, #tpu.memory_space<vmem>> -> memref<16xi32, #tpu.memory_space<vmem>>
      %dma_start3A_421 = arith.constant 0 : i32
      %dma_start3A_422 = arith.constant 0 : i32
      %dma_start3A_423 = tpu.memref_slice %arg2[%dma_start3A_421, %dma_start3A_422] : memref<100000x1024xf32, #tpu.memory_space<hbm>> -> memref<100000x1024xf32, #tpu.memory_space<hbm>>
      tpu.enqueue_indirect_dma source(%dma_start3A_423 : memref<100000x1024xf32, #tpu.memory_space<hbm>>) target(%dma_start3A_418 : memref<16x1024xf32, #tpu.memory_space<vmem>>) offsets(%dma_start3A_420 : memref<16xi32, #tpu.memory_space<vmem>>) semaphore(%arg9 : memref<!tpu.dma_semaphore, #tpu.memory_space<semaphore_mem>>)
      %dma_wait3A_424 = arith.constant 48 : i32
      %dma_wait3A_425 = arith.constant 0 : i32
      %dma_wait3A_426 = tpu.memref_slice %arg6[%dma_wait3A_424, %dma_wait3A_425] : memref<96x1024xf32, #tpu.memory_space<vmem>> -> memref<16x1024xf32, #tpu.memory_space<vmem>>
      %dma_wait3A_427 = arith.constant 144 : i32
      %dma_wait3A_428 = tpu.memref_slice %arg5[%dma_wait3A_427] : memref<256xi32, #tpu.memory_space<vmem>> -> memref<16xi32, #tpu.memory_space<vmem>>
      %dma_wait3A_429 = arith.constant 0 : i32
      %dma_wait3A_430 = arith.constant 0 : i32
      %dma_wait3A_431 = tpu.memref_slice %arg2[%dma_wait3A_429, %dma_wait3A_430] : memref<100000x1024xf32, #tpu.memory_space<hbm>> -> memref<100000x1024xf32, #tpu.memory_space<hbm>>
      tpu.wait_indirect_dma semaphore(%arg10 : memref<!tpu.dma_semaphore, #tpu.memory_space<semaphore_mem>>) src(%dma_wait3A_431 : memref<100000x1024xf32, #tpu.memory_space<hbm>>) dst(%dma_wait3A_426 : memref<16x1024xf32, #tpu.memory_space<vmem>>)
      %add3A_432 = arith.constant 144 : i32
      %add3A_433 = arith.addi %mul3A_2, %add3A_432 : i32
      %dma_start3A_434 = arith.constant 48 : i32
      %dma_start3A_435 = arith.constant 0 : i32
      %dma_start3A_436 = tpu.memref_slice %arg6[%dma_start3A_434, %dma_start3A_435] : memref<96x1024xf32, #tpu.memory_space<vmem>> -> memref<16x1024xf32, #tpu.memory_space<vmem>>
      %dma_start3A_437 = arith.constant 0 : i32
      %dma_start3A_438 = tpu.memref_slice %arg4[%add3A_433, %dma_start3A_437] : memref<8192x1024xf32, #tpu.memory_space<hbm>> -> memref<16x1024xf32, #tpu.memory_space<hbm>>
      %dma_start3A_439 = arith.constant 0 : i32
      %dma_start3A_440 = tpu.memref_slice %arg4[%add3A_433, %dma_start3A_439] : memref<8192x1024xf32, #tpu.memory_space<hbm>> -> memref<16x1024xf32, #tpu.memory_space<hbm>>
      %dma_start3A_441 = arith.constant 48 : i32
      %dma_start3A_442 = arith.constant 0 : i32
      %dma_start3A_443 = tpu.memref_slice %arg6[%dma_start3A_441, %dma_start3A_442] : memref<96x1024xf32, #tpu.memory_space<vmem>> -> memref<16x1024xf32, #tpu.memory_space<vmem>>
      tpu.enqueue_dma source(%dma_start3A_443 : memref<16x1024xf32, #tpu.memory_space<vmem>>) target(%dma_start3A_440 : memref<16x1024xf32, #tpu.memory_space<hbm>>) target_semaphore(%arg16 : memref<!tpu.dma_semaphore, #tpu.memory_space<semaphore_mem>>)
      %dma_wait3A_444 = arith.constant 48 : i32
      %dma_wait3A_445 = arith.constant 0 : i32
      %dma_wait3A_446 = tpu.memref_slice %arg6[%dma_wait3A_444, %dma_wait3A_445] : memref<96x1024xf32, #tpu.memory_space<vmem>> -> memref<16x1024xf32, #tpu.memory_space<vmem>>
      %dma_wait3A_447 = arith.constant 0 : i32
      %dma_wait3A_448 = tpu.memref_slice %arg4[%add3A_433, %dma_wait3A_447] : memref<8192x1024xf32, #tpu.memory_space<hbm>> -> memref<16x1024xf32, #tpu.memory_space<hbm>>
      %dma_wait3A_449 = arith.constant 0 : i32
      %dma_wait3A_450 = tpu.memref_slice %arg4[%add3A_433, %dma_wait3A_449] : memref<8192x1024xf32, #tpu.memory_space<hbm>> -> memref<16x1024xf32, #tpu.memory_space<hbm>>
      %dma_wait3A_451 = arith.constant 48 : i32
      %dma_wait3A_452 = arith.constant 0 : i32
      %dma_wait3A_453 = tpu.memref_slice %arg6[%dma_wait3A_451, %dma_wait3A_452] : memref<96x1024xf32, #tpu.memory_space<vmem>> -> memref<16x1024xf32, #tpu.memory_space<vmem>>
      tpu.wait_dma2 semaphore(%arg16 : memref<!tpu.dma_semaphore, #tpu.memory_space<semaphore_mem>>) src(%dma_wait3A_453 : memref<16x1024xf32, #tpu.memory_space<vmem>>) dst(%dma_wait3A_450 : memref<16x1024xf32, #tpu.memory_space<hbm>>)
      %dma_start3A_454 = arith.constant 48 : i32
      %dma_start3A_455 = arith.constant 0 : i32
      %dma_start3A_456 = tpu.memref_slice %arg6[%dma_start3A_454, %dma_start3A_455] : memref<96x1024xf32, #tpu.memory_space<vmem>> -> memref<16x1024xf32, #tpu.memory_space<vmem>>
      %dma_start3A_457 = arith.constant 240 : i32
      %dma_start3A_458 = tpu.memref_slice %arg5[%dma_start3A_457] : memref<256xi32, #tpu.memory_space<vmem>> -> memref<16xi32, #tpu.memory_space<vmem>>
      %dma_start3A_459 = arith.constant 0 : i32
      %dma_start3A_460 = arith.constant 0 : i32
      %dma_start3A_461 = tpu.memref_slice %arg2[%dma_start3A_459, %dma_start3A_460] : memref<100000x1024xf32, #tpu.memory_space<hbm>> -> memref<100000x1024xf32, #tpu.memory_space<hbm>>
      tpu.enqueue_indirect_dma source(%dma_start3A_461 : memref<100000x1024xf32, #tpu.memory_space<hbm>>) target(%dma_start3A_456 : memref<16x1024xf32, #tpu.memory_space<vmem>>) offsets(%dma_start3A_458 : memref<16xi32, #tpu.memory_space<vmem>>) semaphore(%arg10 : memref<!tpu.dma_semaphore, #tpu.memory_space<semaphore_mem>>)
      %dma_wait3A_462 = arith.constant 64 : i32
      %dma_wait3A_463 = arith.constant 0 : i32
      %dma_wait3A_464 = tpu.memref_slice %arg6[%dma_wait3A_462, %dma_wait3A_463] : memref<96x1024xf32, #tpu.memory_space<vmem>> -> memref<16x1024xf32, #tpu.memory_space<vmem>>
      %dma_wait3A_465 = arith.constant 160 : i32
      %dma_wait3A_466 = tpu.memref_slice %arg5[%dma_wait3A_465] : memref<256xi32, #tpu.memory_space<vmem>> -> memref<16xi32, #tpu.memory_space<vmem>>
      %dma_wait3A_467 = arith.constant 0 : i32
      %dma_wait3A_468 = arith.constant 0 : i32
      %dma_wait3A_469 = tpu.memref_slice %arg2[%dma_wait3A_467, %dma_wait3A_468] : memref<100000x1024xf32, #tpu.memory_space<hbm>> -> memref<100000x1024xf32, #tpu.memory_space<hbm>>
      tpu.wait_indirect_dma semaphore(%arg11 : memref<!tpu.dma_semaphore, #tpu.memory_space<semaphore_mem>>) src(%dma_wait3A_469 : memref<100000x1024xf32, #tpu.memory_space<hbm>>) dst(%dma_wait3A_464 : memref<16x1024xf32, #tpu.memory_space<vmem>>)
      %add3A_470 = arith.constant 160 : i32
      %add3A_471 = arith.addi %mul3A_2, %add3A_470 : i32
      %dma_start3A_472 = arith.constant 64 : i32
      %dma_start3A_473 = arith.constant 0 : i32
      %dma_start3A_474 = tpu.memref_slice %arg6[%dma_start3A_472, %dma_start3A_473] : memref<96x1024xf32, #tpu.memory_space<vmem>> -> memref<16x1024xf32, #tpu.memory_space<vmem>>
      %dma_start3A_475 = arith.constant 0 : i32
      %dma_start3A_476 = tpu.memref_slice %arg4[%add3A_471, %dma_start3A_475] : memref<8192x1024xf32, #tpu.memory_space<hbm>> -> memref<16x1024xf32, #tpu.memory_space<hbm>>
      %dma_start3A_477 = arith.constant 0 : i32
      %dma_start3A_478 = tpu.memref_slice %arg4[%add3A_471, %dma_start3A_477] : memref<8192x1024xf32, #tpu.memory_space<hbm>> -> memref<16x1024xf32, #tpu.memory_space<hbm>>
      %dma_start3A_479 = arith.constant 64 : i32
      %dma_start3A_480 = arith.constant 0 : i32
      %dma_start3A_481 = tpu.memref_slice %arg6[%dma_start3A_479, %dma_start3A_480] : memref<96x1024xf32, #tpu.memory_space<vmem>> -> memref<16x1024xf32, #tpu.memory_space<vmem>>
      tpu.enqueue_dma source(%dma_start3A_481 : memref<16x1024xf32, #tpu.memory_space<vmem>>) target(%dma_start3A_478 : memref<16x1024xf32, #tpu.memory_space<hbm>>) target_semaphore(%arg17 : memref<!tpu.dma_semaphore, #tpu.memory_space<semaphore_mem>>)
      %dma_wait3A_482 = arith.constant 80 : i32
      %dma_wait3A_483 = arith.constant 0 : i32
      %dma_wait3A_484 = tpu.memref_slice %arg6[%dma_wait3A_482, %dma_wait3A_483] : memref<96x1024xf32, #tpu.memory_space<vmem>> -> memref<16x1024xf32, #tpu.memory_space<vmem>>
      %dma_wait3A_485 = arith.constant 176 : i32
      %dma_wait3A_486 = tpu.memref_slice %arg5[%dma_wait3A_485] : memref<256xi32, #tpu.memory_space<vmem>> -> memref<16xi32, #tpu.memory_space<vmem>>
      %dma_wait3A_487 = arith.constant 0 : i32
      %dma_wait3A_488 = arith.constant 0 : i32
      %dma_wait3A_489 = tpu.memref_slice %arg2[%dma_wait3A_487, %dma_wait3A_488] : memref<100000x1024xf32, #tpu.memory_space<hbm>> -> memref<100000x1024xf32, #tpu.memory_space<hbm>>
      tpu.wait_indirect_dma semaphore(%arg12 : memref<!tpu.dma_semaphore, #tpu.memory_space<semaphore_mem>>) src(%dma_wait3A_489 : memref<100000x1024xf32, #tpu.memory_space<hbm>>) dst(%dma_wait3A_484 : memref<16x1024xf32, #tpu.memory_space<vmem>>)
      %add3A_490 = arith.constant 176 : i32
      %add3A_491 = arith.addi %mul3A_2, %add3A_490 : i32
      %dma_start3A_492 = arith.constant 80 : i32
      %dma_start3A_493 = arith.constant 0 : i32
      %dma_start3A_494 = tpu.memref_slice %arg6[%dma_start3A_492, %dma_start3A_493] : memref<96x1024xf32, #tpu.memory_space<vmem>> -> memref<16x1024xf32, #tpu.memory_space<vmem>>
      %dma_start3A_495 = arith.constant 0 : i32
      %dma_start3A_496 = tpu.memref_slice %arg4[%add3A_491, %dma_start3A_495] : memref<8192x1024xf32, #tpu.memory_space<hbm>> -> memref<16x1024xf32, #tpu.memory_space<hbm>>
      %dma_start3A_497 = arith.constant 0 : i32
      %dma_start3A_498 = tpu.memref_slice %arg4[%add3A_491, %dma_start3A_497] : memref<8192x1024xf32, #tpu.memory_space<hbm>> -> memref<16x1024xf32, #tpu.memory_space<hbm>>
      %dma_start3A_499 = arith.constant 80 : i32
      %dma_start3A_500 = arith.constant 0 : i32
      %dma_start3A_501 = tpu.memref_slice %arg6[%dma_start3A_499, %dma_start3A_500] : memref<96x1024xf32, #tpu.memory_space<vmem>> -> memref<16x1024xf32, #tpu.memory_space<vmem>>
      tpu.enqueue_dma source(%dma_start3A_501 : memref<16x1024xf32, #tpu.memory_space<vmem>>) target(%dma_start3A_498 : memref<16x1024xf32, #tpu.memory_space<hbm>>) target_semaphore(%arg18 : memref<!tpu.dma_semaphore, #tpu.memory_space<semaphore_mem>>)
      %dma_wait3A_502 = arith.constant 0 : i32
      %dma_wait3A_503 = arith.constant 0 : i32
      %dma_wait3A_504 = tpu.memref_slice %arg6[%dma_wait3A_502, %dma_wait3A_503] : memref<96x1024xf32, #tpu.memory_space<vmem>> -> memref<16x1024xf32, #tpu.memory_space<vmem>>
      %dma_wait3A_505 = arith.constant 192 : i32
      %dma_wait3A_506 = tpu.memref_slice %arg5[%dma_wait3A_505] : memref<256xi32, #tpu.memory_space<vmem>> -> memref<16xi32, #tpu.memory_space<vmem>>
      %dma_wait3A_507 = arith.constant 0 : i32
      %dma_wait3A_508 = arith.constant 0 : i32
      %dma_wait3A_509 = tpu.memref_slice %arg2[%dma_wait3A_507, %dma_wait3A_508] : memref<100000x1024xf32, #tpu.memory_space<hbm>> -> memref<100000x1024xf32, #tpu.memory_space<hbm>>
      tpu.wait_indirect_dma semaphore(%arg7 : memref<!tpu.dma_semaphore, #tpu.memory_space<semaphore_mem>>) src(%dma_wait3A_509 : memref<100000x1024xf32, #tpu.memory_space<hbm>>) dst(%dma_wait3A_504 : memref<16x1024xf32, #tpu.memory_space<vmem>>)
      %add3A_510 = arith.constant 192 : i32
      %add3A_511 = arith.addi %mul3A_2, %add3A_510 : i32
      %dma_start3A_512 = arith.constant 0 : i32
      %dma_start3A_513 = arith.constant 0 : i32
      %dma_start3A_514 = tpu.memref_slice %arg6[%dma_start3A_512, %dma_start3A_513] : memref<96x1024xf32, #tpu.memory_space<vmem>> -> memref<16x1024xf32, #tpu.memory_space<vmem>>
      %dma_start3A_515 = arith.constant 0 : i32
      %dma_start3A_516 = tpu.memref_slice %arg4[%add3A_511, %dma_start3A_515] : memref<8192x1024xf32, #tpu.memory_space<hbm>> -> memref<16x1024xf32, #tpu.memory_space<hbm>>
      %dma_start3A_517 = arith.constant 0 : i32
      %dma_start3A_518 = tpu.memref_slice %arg4[%add3A_511, %dma_start3A_517] : memref<8192x1024xf32, #tpu.memory_space<hbm>> -> memref<16x1024xf32, #tpu.memory_space<hbm>>
      %dma_start3A_519 = arith.constant 0 : i32
      %dma_start3A_520 = arith.constant 0 : i32
      %dma_start3A_521 = tpu.memref_slice %arg6[%dma_start3A_519, %dma_start3A_520] : memref<96x1024xf32, #tpu.memory_space<vmem>> -> memref<16x1024xf32, #tpu.memory_space<vmem>>
      tpu.enqueue_dma source(%dma_start3A_521 : memref<16x1024xf32, #tpu.memory_space<vmem>>) target(%dma_start3A_518 : memref<16x1024xf32, #tpu.memory_space<hbm>>) target_semaphore(%arg13 : memref<!tpu.dma_semaphore, #tpu.memory_space<semaphore_mem>>)
      %dma_wait3A_522 = arith.constant 16 : i32
      %dma_wait3A_523 = arith.constant 0 : i32
      %dma_wait3A_524 = tpu.memref_slice %arg6[%dma_wait3A_522, %dma_wait3A_523] : memref<96x1024xf32, #tpu.memory_space<vmem>> -> memref<16x1024xf32, #tpu.memory_space<vmem>>
      %dma_wait3A_525 = arith.constant 208 : i32
      %dma_wait3A_526 = tpu.memref_slice %arg5[%dma_wait3A_525] : memref<256xi32, #tpu.memory_space<vmem>> -> memref<16xi32, #tpu.memory_space<vmem>>
      %dma_wait3A_527 = arith.constant 0 : i32
      %dma_wait3A_528 = arith.constant 0 : i32
      %dma_wait3A_529 = tpu.memref_slice %arg2[%dma_wait3A_527, %dma_wait3A_528] : memref<100000x1024xf32, #tpu.memory_space<hbm>> -> memref<100000x1024xf32, #tpu.memory_space<hbm>>
      tpu.wait_indirect_dma semaphore(%arg8 : memref<!tpu.dma_semaphore, #tpu.memory_space<semaphore_mem>>) src(%dma_wait3A_529 : memref<100000x1024xf32, #tpu.memory_space<hbm>>) dst(%dma_wait3A_524 : memref<16x1024xf32, #tpu.memory_space<vmem>>)
      %add3A_530 = arith.constant 208 : i32
      %add3A_531 = arith.addi %mul3A_2, %add3A_530 : i32
      %dma_start3A_532 = arith.constant 16 : i32
      %dma_start3A_533 = arith.constant 0 : i32
      %dma_start3A_534 = tpu.memref_slice %arg6[%dma_start3A_532, %dma_start3A_533] : memref<96x1024xf32, #tpu.memory_space<vmem>> -> memref<16x1024xf32, #tpu.memory_space<vmem>>
      %dma_start3A_535 = arith.constant 0 : i32
      %dma_start3A_536 = tpu.memref_slice %arg4[%add3A_531, %dma_start3A_535] : memref<8192x1024xf32, #tpu.memory_space<hbm>> -> memref<16x1024xf32, #tpu.memory_space<hbm>>
      %dma_start3A_537 = arith.constant 0 : i32
      %dma_start3A_538 = tpu.memref_slice %arg4[%add3A_531, %dma_start3A_537] : memref<8192x1024xf32, #tpu.memory_space<hbm>> -> memref<16x1024xf32, #tpu.memory_space<hbm>>
      %dma_start3A_539 = arith.constant 16 : i32
      %dma_start3A_540 = arith.constant 0 : i32
      %dma_start3A_541 = tpu.memref_slice %arg6[%dma_start3A_539, %dma_start3A_540] : memref<96x1024xf32, #tpu.memory_space<vmem>> -> memref<16x1024xf32, #tpu.memory_space<vmem>>
      tpu.enqueue_dma source(%dma_start3A_541 : memref<16x1024xf32, #tpu.memory_space<vmem>>) target(%dma_start3A_538 : memref<16x1024xf32, #tpu.memory_space<hbm>>) target_semaphore(%arg14 : memref<!tpu.dma_semaphore, #tpu.memory_space<semaphore_mem>>)
      %dma_wait3A_542 = arith.constant 32 : i32
      %dma_wait3A_543 = arith.constant 0 : i32
      %dma_wait3A_544 = tpu.memref_slice %arg6[%dma_wait3A_542, %dma_wait3A_543] : memref<96x1024xf32, #tpu.memory_space<vmem>> -> memref<16x1024xf32, #tpu.memory_space<vmem>>
      %dma_wait3A_545 = arith.constant 224 : i32
      %dma_wait3A_546 = tpu.memref_slice %arg5[%dma_wait3A_545] : memref<256xi32, #tpu.memory_space<vmem>> -> memref<16xi32, #tpu.memory_space<vmem>>
      %dma_wait3A_547 = arith.constant 0 : i32
      %dma_wait3A_548 = arith.constant 0 : i32
      %dma_wait3A_549 = tpu.memref_slice %arg2[%dma_wait3A_547, %dma_wait3A_548] : memref<100000x1024xf32, #tpu.memory_space<hbm>> -> memref<100000x1024xf32, #tpu.memory_space<hbm>>
      tpu.wait_indirect_dma semaphore(%arg9 : memref<!tpu.dma_semaphore, #tpu.memory_space<semaphore_mem>>) src(%dma_wait3A_549 : memref<100000x1024xf32, #tpu.memory_space<hbm>>) dst(%dma_wait3A_544 : memref<16x1024xf32, #tpu.memory_space<vmem>>)
      %add3A_550 = arith.constant 224 : i32
      %add3A_551 = arith.addi %mul3A_2, %add3A_550 : i32
      %dma_start3A_552 = arith.constant 32 : i32
      %dma_start3A_553 = arith.constant 0 : i32
      %dma_start3A_554 = tpu.memref_slice %arg6[%dma_start3A_552, %dma_start3A_553] : memref<96x1024xf32, #tpu.memory_space<vmem>> -> memref<16x1024xf32, #tpu.memory_space<vmem>>
      %dma_start3A_555 = arith.constant 0 : i32
      %dma_start3A_556 = tpu.memref_slice %arg4[%add3A_551, %dma_start3A_555] : memref<8192x1024xf32, #tpu.memory_space<hbm>> -> memref<16x1024xf32, #tpu.memory_space<hbm>>
      %dma_start3A_557 = arith.constant 0 : i32
      %dma_start3A_558 = tpu.memref_slice %arg4[%add3A_551, %dma_start3A_557] : memref<8192x1024xf32, #tpu.memory_space<hbm>> -> memref<16x1024xf32, #tpu.memory_space<hbm>>
      %dma_start3A_559 = arith.constant 32 : i32
      %dma_start3A_560 = arith.constant 0 : i32
      %dma_start3A_561 = tpu.memref_slice %arg6[%dma_start3A_559, %dma_start3A_560] : memref<96x1024xf32, #tpu.memory_space<vmem>> -> memref<16x1024xf32, #tpu.memory_space<vmem>>
      tpu.enqueue_dma source(%dma_start3A_561 : memref<16x1024xf32, #tpu.memory_space<vmem>>) target(%dma_start3A_558 : memref<16x1024xf32, #tpu.memory_space<hbm>>) target_semaphore(%arg15 : memref<!tpu.dma_semaphore, #tpu.memory_space<semaphore_mem>>)
      %dma_wait3A_562 = arith.constant 48 : i32
      %dma_wait3A_563 = arith.constant 0 : i32
      %dma_wait3A_564 = tpu.memref_slice %arg6[%dma_wait3A_562, %dma_wait3A_563] : memref<96x1024xf32, #tpu.memory_space<vmem>> -> memref<16x1024xf32, #tpu.memory_space<vmem>>
      %dma_wait3A_565 = arith.constant 240 : i32
      %dma_wait3A_566 = tpu.memref_slice %arg5[%dma_wait3A_565] : memref<256xi32, #tpu.memory_space<vmem>> -> memref<16xi32, #tpu.memory_space<vmem>>
      %dma_wait3A_567 = arith.constant 0 : i32
      %dma_wait3A_568 = arith.constant 0 : i32
      %dma_wait3A_569 = tpu.memref_slice %arg2[%dma_wait3A_567, %dma_wait3A_568] : memref<100000x1024xf32, #tpu.memory_space<hbm>> -> memref<100000x1024xf32, #tpu.memory_space<hbm>>
      tpu.wait_indirect_dma semaphore(%arg10 : memref<!tpu.dma_semaphore, #tpu.memory_space<semaphore_mem>>) src(%dma_wait3A_569 : memref<100000x1024xf32, #tpu.memory_space<hbm>>) dst(%dma_wait3A_564 : memref<16x1024xf32, #tpu.memory_space<vmem>>)
      %add3A_570 = arith.constant 240 : i32
      %add3A_571 = arith.addi %mul3A_2, %add3A_570 : i32
      %dma_start3A_572 = arith.constant 48 : i32
      %dma_start3A_573 = arith.constant 0 : i32
      %dma_start3A_574 = tpu.memref_slice %arg6[%dma_start3A_572, %dma_start3A_573] : memref<96x1024xf32, #tpu.memory_space<vmem>> -> memref<16x1024xf32, #tpu.memory_space<vmem>>
      %dma_start3A_575 = arith.constant 0 : i32
      %dma_start3A_576 = tpu.memref_slice %arg4[%add3A_571, %dma_start3A_575] : memref<8192x1024xf32, #tpu.memory_space<hbm>> -> memref<16x1024xf32, #tpu.memory_space<hbm>>
      %dma_start3A_577 = arith.constant 0 : i32
      %dma_start3A_578 = tpu.memref_slice %arg4[%add3A_571, %dma_start3A_577] : memref<8192x1024xf32, #tpu.memory_space<hbm>> -> memref<16x1024xf32, #tpu.memory_space<hbm>>
      %dma_start3A_579 = arith.constant 48 : i32
      %dma_start3A_580 = arith.constant 0 : i32
      %dma_start3A_581 = tpu.memref_slice %arg6[%dma_start3A_579, %dma_start3A_580] : memref<96x1024xf32, #tpu.memory_space<vmem>> -> memref<16x1024xf32, #tpu.memory_space<vmem>>
      tpu.enqueue_dma source(%dma_start3A_581 : memref<16x1024xf32, #tpu.memory_space<vmem>>) target(%dma_start3A_578 : memref<16x1024xf32, #tpu.memory_space<hbm>>) target_semaphore(%arg16 : memref<!tpu.dma_semaphore, #tpu.memory_space<semaphore_mem>>)
      %dma_wait3A_582 = arith.constant 64 : i32
      %dma_wait3A_583 = arith.constant 0 : i32
      %dma_wait3A_584 = tpu.memref_slice %arg6[%dma_wait3A_582, %dma_wait3A_583] : memref<96x1024xf32, #tpu.memory_space<vmem>> -> memref<16x1024xf32, #tpu.memory_space<vmem>>
      %dma_wait3A_585 = arith.constant 0 : i32
      %dma_wait3A_586 = tpu.memref_slice %arg4[%add3A_471, %dma_wait3A_585] : memref<8192x1024xf32, #tpu.memory_space<hbm>> -> memref<16x1024xf32, #tpu.memory_space<hbm>>
      %dma_wait3A_587 = arith.constant 0 : i32
      %dma_wait3A_588 = tpu.memref_slice %arg4[%add3A_471, %dma_wait3A_587] : memref<8192x1024xf32, #tpu.memory_space<hbm>> -> memref<16x1024xf32, #tpu.memory_space<hbm>>
      %dma_wait3A_589 = arith.constant 64 : i32
      %dma_wait3A_590 = arith.constant 0 : i32
      %dma_wait3A_591 = tpu.memref_slice %arg6[%dma_wait3A_589, %dma_wait3A_590] : memref<96x1024xf32, #tpu.memory_space<vmem>> -> memref<16x1024xf32, #tpu.memory_space<vmem>>
      tpu.wait_dma2 semaphore(%arg17 : memref<!tpu.dma_semaphore, #tpu.memory_space<semaphore_mem>>) src(%dma_wait3A_591 : memref<16x1024xf32, #tpu.memory_space<vmem>>) dst(%dma_wait3A_588 : memref<16x1024xf32, #tpu.memory_space<hbm>>)
      %dma_wait3A_592 = arith.constant 80 : i32
      %dma_wait3A_593 = arith.constant 0 : i32
      %dma_wait3A_594 = tpu.memref_slice %arg6[%dma_wait3A_592, %dma_wait3A_593] : memref<96x1024xf32, #tpu.memory_space<vmem>> -> memref<16x1024xf32, #tpu.memory_space<vmem>>
      %dma_wait3A_595 = arith.constant 0 : i32
      %dma_wait3A_596 = tpu.memref_slice %arg4[%add3A_491, %dma_wait3A_595] : memref<8192x1024xf32, #tpu.memory_space<hbm>> -> memref<16x1024xf32, #tpu.memory_space<hbm>>
      %dma_wait3A_597 = arith.constant 0 : i32
      %dma_wait3A_598 = tpu.memref_slice %arg4[%add3A_491, %dma_wait3A_597] : memref<8192x1024xf32, #tpu.memory_space<hbm>> -> memref<16x1024xf32, #tpu.memory_space<hbm>>
      %dma_wait3A_599 = arith.constant 80 : i32
      %dma_wait3A_600 = arith.constant 0 : i32
      %dma_wait3A_601 = tpu.memref_slice %arg6[%dma_wait3A_599, %dma_wait3A_600] : memref<96x1024xf32, #tpu.memory_space<vmem>> -> memref<16x1024xf32, #tpu.memory_space<vmem>>
      tpu.wait_dma2 semaphore(%arg18 : memref<!tpu.dma_semaphore, #tpu.memory_space<semaphore_mem>>) src(%dma_wait3A_601 : memref<16x1024xf32, #tpu.memory_space<vmem>>) dst(%dma_wait3A_598 : memref<16x1024xf32, #tpu.memory_space<hbm>>)
      %dma_wait3A_602 = arith.constant 0 : i32
      %dma_wait3A_603 = arith.constant 0 : i32
      %dma_wait3A_604 = tpu.memref_slice %arg6[%dma_wait3A_602, %dma_wait3A_603] : memref<96x1024xf32, #tpu.memory_space<vmem>> -> memref<16x1024xf32, #tpu.memory_space<vmem>>
      %dma_wait3A_605 = arith.constant 0 : i32
      %dma_wait3A_606 = tpu.memref_slice %arg4[%add3A_511, %dma_wait3A_605] : memref<8192x1024xf32, #tpu.memory_space<hbm>> -> memref<16x1024xf32, #tpu.memory_space<hbm>>
      %dma_wait3A_607 = arith.constant 0 : i32
      %dma_wait3A_608 = tpu.memref_slice %arg4[%add3A_511, %dma_wait3A_607] : memref<8192x1024xf32, #tpu.memory_space<hbm>> -> memref<16x1024xf32, #tpu.memory_space<hbm>>
      %dma_wait3A_609 = arith.constant 0 : i32
      %dma_wait3A_610 = arith.constant 0 : i32
      %dma_wait3A_611 = tpu.memref_slice %arg6[%dma_wait3A_609, %dma_wait3A_610] : memref<96x1024xf32, #tpu.memory_space<vmem>> -> memref<16x1024xf32, #tpu.memory_space<vmem>>
      tpu.wait_dma2 semaphore(%arg13 : memref<!tpu.dma_semaphore, #tpu.memory_space<semaphore_mem>>) src(%dma_wait3A_611 : memref<16x1024xf32, #tpu.memory_space<vmem>>) dst(%dma_wait3A_608 : memref<16x1024xf32, #tpu.memory_space<hbm>>)
      %dma_wait3A_612 = arith.constant 16 : i32
      %dma_wait3A_613 = arith.constant 0 : i32
      %dma_wait3A_614 = tpu.memref_slice %arg6[%dma_wait3A_612, %dma_wait3A_613] : memref<96x1024xf32, #tpu.memory_space<vmem>> -> memref<16x1024xf32, #tpu.memory_space<vmem>>
      %dma_wait3A_615 = arith.constant 0 : i32
      %dma_wait3A_616 = tpu.memref_slice %arg4[%add3A_531, %dma_wait3A_615] : memref<8192x1024xf32, #tpu.memory_space<hbm>> -> memref<16x1024xf32, #tpu.memory_space<hbm>>
      %dma_wait3A_617 = arith.constant 0 : i32
      %dma_wait3A_618 = tpu.memref_slice %arg4[%add3A_531, %dma_wait3A_617] : memref<8192x1024xf32, #tpu.memory_space<hbm>> -> memref<16x1024xf32, #tpu.memory_space<hbm>>
      %dma_wait3A_619 = arith.constant 16 : i32
      %dma_wait3A_620 = arith.constant 0 : i32
      %dma_wait3A_621 = tpu.memref_slice %arg6[%dma_wait3A_619, %dma_wait3A_620] : memref<96x1024xf32, #tpu.memory_space<vmem>> -> memref<16x1024xf32, #tpu.memory_space<vmem>>
      tpu.wait_dma2 semaphore(%arg14 : memref<!tpu.dma_semaphore, #tpu.memory_space<semaphore_mem>>) src(%dma_wait3A_621 : memref<16x1024xf32, #tpu.memory_space<vmem>>) dst(%dma_wait3A_618 : memref<16x1024xf32, #tpu.memory_space<hbm>>)
      %dma_wait3A_622 = arith.constant 32 : i32
      %dma_wait3A_623 = arith.constant 0 : i32
      %dma_wait3A_624 = tpu.memref_slice %arg6[%dma_wait3A_622, %dma_wait3A_623] : memref<96x1024xf32, #tpu.memory_space<vmem>> -> memref<16x1024xf32, #tpu.memory_space<vmem>>
      %dma_wait3A_625 = arith.constant 0 : i32
      %dma_wait3A_626 = tpu.memref_slice %arg4[%add3A_551, %dma_wait3A_625] : memref<8192x1024xf32, #tpu.memory_space<hbm>> -> memref<16x1024xf32, #tpu.memory_space<hbm>>
      %dma_wait3A_627 = arith.constant 0 : i32
      %dma_wait3A_628 = tpu.memref_slice %arg4[%add3A_551, %dma_wait3A_627] : memref<8192x1024xf32, #tpu.memory_space<hbm>> -> memref<16x1024xf32, #tpu.memory_space<hbm>>
      %dma_wait3A_629 = arith.constant 32 : i32
      %dma_wait3A_630 = arith.constant 0 : i32
      %dma_wait3A_631 = tpu.memref_slice %arg6[%dma_wait3A_629, %dma_wait3A_630] : memref<96x1024xf32, #tpu.memory_space<vmem>> -> memref<16x1024xf32, #tpu.memory_space<vmem>>
      tpu.wait_dma2 semaphore(%arg15 : memref<!tpu.dma_semaphore, #tpu.memory_space<semaphore_mem>>) src(%dma_wait3A_631 : memref<16x1024xf32, #tpu.memory_space<vmem>>) dst(%dma_wait3A_628 : memref<16x1024xf32, #tpu.memory_space<hbm>>)
      %dma_wait3A_632 = arith.constant 48 : i32
      %dma_wait3A_633 = arith.constant 0 : i32
      %dma_wait3A_634 = tpu.memref_slice %arg6[%dma_wait3A_632, %dma_wait3A_633] : memref<96x1024xf32, #tpu.memory_space<vmem>> -> memref<16x1024xf32, #tpu.memory_space<vmem>>
      %dma_wait3A_635 = arith.constant 0 : i32
      %dma_wait3A_636 = tpu.memref_slice %arg4[%add3A_571, %dma_wait3A_635] : memref<8192x1024xf32, #tpu.memory_space<hbm>> -> memref<16x1024xf32, #tpu.memory_space<hbm>>
      %dma_wait3A_637 = arith.constant 0 : i32
      %dma_wait3A_638 = tpu.memref_slice %arg4[%add3A_571, %dma_wait3A_637] : memref<8192x1024xf32, #tpu.memory_space<hbm>> -> memref<16x1024xf32, #tpu.memory_space<hbm>>
      %dma_wait3A_639 = arith.constant 48 : i32
      %dma_wait3A_640 = arith.constant 0 : i32
      %dma_wait3A_641 = tpu.memref_slice %arg6[%dma_wait3A_639, %dma_wait3A_640] : memref<96x1024xf32, #tpu.memory_space<vmem>> -> memref<16x1024xf32, #tpu.memory_space<vmem>>
      tpu.wait_dma2 semaphore(%arg16 : memref<!tpu.dma_semaphore, #tpu.memory_space<semaphore_mem>>) src(%dma_wait3A_641 : memref<16x1024xf32, #tpu.memory_space<vmem>>) dst(%dma_wait3A_638 : memref<16x1024xf32, #tpu.memory_space<hbm>>)
    } else {
    }
    %jit3A_15 = arith.constant 2 : i32
    %eq3A_16 = arith.constant 0 : i32
    %eq3A_17 = arith.cmpi eq, %jit3A_15, %eq3A_16 : i32
    %jit3A_18 = arith.constant 1 : i32
    %select_n3A_19 = arith.select %eq3A_17, %jit3A_18, %jit3A_15 : i32
    %rem3A_20 = arith.remsi %add3A, %select_n3A_19 : i32
    %ne3A_21 = arith.constant 0 : i32
    %ne3A_22 = arith.cmpi ne, %rem3A_20, %ne3A_21 : i32
    %lt3A_23 = arith.constant 0 : i32
    %lt3A_24 = arith.cmpi slt, %rem3A_20, %lt3A_23 : i32
    %lt3A_25 = arith.constant 0 : i32
    %lt3A_26 = arith.cmpi slt, %select_n3A_19, %lt3A_25 : i32
    %ne3A_27 = arith.xori %lt3A_24, %lt3A_26 : i1
    %and3A_28 = arith.andi %ne3A_27, %ne3A_22 : i1
    %add3A_29 = arith.addi %rem3A_20, %select_n3A_19 : i32
    %select_n3A_30 = arith.select %and3A_28, %add3A_29, %rem3A_20 : i32
    %ne3A_31 = arith.constant 0 : i32
    %ne3A_32 = arith.cmpi ne, %select_n3A_30, %ne3A_31 : i32
    %convert_element_type3A_33 = arith.extui %ne3A_32 : i1 to i32
    %cond3A_34 = arith.constant 0 : i32
    %cond3A_35 = arith.cmpi ne, %convert_element_type3A_33, %cond3A_34 : i32
    scf.if %cond3A_35 {
      %dma_start3A = arith.constant 0 : i32
      %dma_start3A_36 = arith.constant 0 : i32
      %dma_start3A_37 = tpu.memref_slice %arg6[%dma_start3A, %dma_start3A_36] : memref<96x1024xf32, #tpu.memory_space<vmem>> -> memref<32x1024xf32, #tpu.memory_space<vmem>>
      %dma_start3A_38 = arith.constant 0 : i32
      %dma_start3A_39 = tpu.memref_slice %arg5[%dma_start3A_38] : memref<256xi32, #tpu.memory_space<vmem>> -> memref<32xi32, #tpu.memory_space<vmem>>
      %dma_start3A_40 = arith.constant 0 : i32
      %dma_start3A_41 = arith.constant 0 : i32
      %dma_start3A_42 = tpu.memref_slice %arg2[%dma_start3A_40, %dma_start3A_41] : memref<100000x1024xf32, #tpu.memory_space<hbm>> -> memref<100000x1024xf32, #tpu.memory_space<hbm>>
      tpu.enqueue_indirect_dma source(%dma_start3A_42 : memref<100000x1024xf32, #tpu.memory_space<hbm>>) target(%dma_start3A_37 : memref<32x1024xf32, #tpu.memory_space<vmem>>) offsets(%dma_start3A_39 : memref<32xi32, #tpu.memory_space<vmem>>) semaphore(%arg7 : memref<!tpu.dma_semaphore, #tpu.memory_space<semaphore_mem>>)
      %dma_start3A_43 = arith.constant 32 : i32
      %dma_start3A_44 = arith.constant 0 : i32
      %dma_start3A_45 = tpu.memref_slice %arg6[%dma_start3A_43, %dma_start3A_44] : memref<96x1024xf32, #tpu.memory_space<vmem>> -> memref<32x1024xf32, #tpu.memory_space<vmem>>
      %dma_start3A_46 = arith.constant 32 : i32
      %dma_start3A_47 = tpu.memref_slice %arg5[%dma_start3A_46] : memref<256xi32, #tpu.memory_space<vmem>> -> memref<32xi32, #tpu.memory_space<vmem>>
      %dma_start3A_48 = arith.constant 0 : i32
      %dma_start3A_49 = arith.constant 0 : i32
      %dma_start3A_50 = tpu.memref_slice %arg2[%dma_start3A_48, %dma_start3A_49] : memref<100000x1024xf32, #tpu.memory_space<hbm>> -> memref<100000x1024xf32, #tpu.memory_space<hbm>>
      tpu.enqueue_indirect_dma source(%dma_start3A_50 : memref<100000x1024xf32, #tpu.memory_space<hbm>>) target(%dma_start3A_45 : memref<32x1024xf32, #tpu.memory_space<vmem>>) offsets(%dma_start3A_47 : memref<32xi32, #tpu.memory_space<vmem>>) semaphore(%arg8 : memref<!tpu.dma_semaphore, #tpu.memory_space<semaphore_mem>>)
      %dma_start3A_51 = arith.constant 64 : i32
      %dma_start3A_52 = arith.constant 0 : i32
      %dma_start3A_53 = tpu.memref_slice %arg6[%dma_start3A_51, %dma_start3A_52] : memref<96x1024xf32, #tpu.memory_space<vmem>> -> memref<32x1024xf32, #tpu.memory_space<vmem>>
      %dma_start3A_54 = arith.constant 64 : i32
      %dma_start3A_55 = tpu.memref_slice %arg5[%dma_start3A_54] : memref<256xi32, #tpu.memory_space<vmem>> -> memref<32xi32, #tpu.memory_space<vmem>>
      %dma_start3A_56 = arith.constant 0 : i32
      %dma_start3A_57 = arith.constant 0 : i32
      %dma_start3A_58 = tpu.memref_slice %arg2[%dma_start3A_56, %dma_start3A_57] : memref<100000x1024xf32, #tpu.memory_space<hbm>> -> memref<100000x1024xf32, #tpu.memory_space<hbm>>
      tpu.enqueue_indirect_dma source(%dma_start3A_58 : memref<100000x1024xf32, #tpu.memory_space<hbm>>) target(%dma_start3A_53 : memref<32x1024xf32, #tpu.memory_space<vmem>>) offsets(%dma_start3A_55 : memref<32xi32, #tpu.memory_space<vmem>>) semaphore(%arg9 : memref<!tpu.dma_semaphore, #tpu.memory_space<semaphore_mem>>)
      %dma_wait3A = arith.constant 0 : i32
      %dma_wait3A_59 = arith.constant 0 : i32
      %dma_wait3A_60 = tpu.memref_slice %arg6[%dma_wait3A, %dma_wait3A_59] : memref<96x1024xf32, #tpu.memory_space<vmem>> -> memref<32x1024xf32, #tpu.memory_space<vmem>>
      %dma_wait3A_61 = arith.constant 0 : i32
      %dma_wait3A_62 = tpu.memref_slice %arg5[%dma_wait3A_61] : memref<256xi32, #tpu.memory_space<vmem>> -> memref<32xi32, #tpu.memory_space<vmem>>
      %dma_wait3A_63 = arith.constant 0 : i32
      %dma_wait3A_64 = arith.constant 0 : i32
      %dma_wait3A_65 = tpu.memref_slice %arg2[%dma_wait3A_63, %dma_wait3A_64] : memref<100000x1024xf32, #tpu.memory_space<hbm>> -> memref<100000x1024xf32, #tpu.memory_space<hbm>>
      tpu.wait_indirect_dma semaphore(%arg7 : memref<!tpu.dma_semaphore, #tpu.memory_space<semaphore_mem>>) src(%dma_wait3A_65 : memref<100000x1024xf32, #tpu.memory_space<hbm>>) dst(%dma_wait3A_60 : memref<32x1024xf32, #tpu.memory_space<vmem>>)
      %add3A_66 = arith.constant 0 : i32
      %add3A_67 = arith.addi %mul3A_2, %add3A_66 : i32
      %dma_start3A_68 = arith.constant 0 : i32
      %dma_start3A_69 = arith.constant 0 : i32
      %dma_start3A_70 = tpu.memref_slice %arg6[%dma_start3A_68, %dma_start3A_69] : memref<96x1024xf32, #tpu.memory_space<vmem>> -> memref<32x1024xf32, #tpu.memory_space<vmem>>
      %dma_start3A_71 = arith.constant 0 : i32
      %dma_start3A_72 = tpu.memref_slice %arg4[%add3A_67, %dma_start3A_71] : memref<8192x1024xf32, #tpu.memory_space<hbm>> -> memref<32x1024xf32, #tpu.memory_space<hbm>>
      %dma_start3A_73 = arith.constant 0 : i32
      %dma_start3A_74 = tpu.memref_slice %arg4[%add3A_67, %dma_start3A_73] : memref<8192x1024xf32, #tpu.memory_space<hbm>> -> memref<32x1024xf32, #tpu.memory_space<hbm>>
      %dma_start3A_75 = arith.constant 0 : i32
      %dma_start3A_76 = arith.constant 0 : i32
      %dma_start3A_77 = tpu.memref_slice %arg6[%dma_start3A_75, %dma_start3A_76] : memref<96x1024xf32, #tpu.memory_space<vmem>> -> memref<32x1024xf32, #tpu.memory_space<vmem>>
      tpu.enqueue_dma source(%dma_start3A_77 : memref<32x1024xf32, #tpu.memory_space<vmem>>) target(%dma_start3A_74 : memref<32x1024xf32, #tpu.memory_space<hbm>>) target_semaphore(%arg13 : memref<!tpu.dma_semaphore, #tpu.memory_space<semaphore_mem>>)
      %dma_wait3A_78 = arith.constant 0 : i32
      %dma_wait3A_79 = arith.constant 0 : i32
      %dma_wait3A_80 = tpu.memref_slice %arg6[%dma_wait3A_78, %dma_wait3A_79] : memref<96x1024xf32, #tpu.memory_space<vmem>> -> memref<32x1024xf32, #tpu.memory_space<vmem>>
      %dma_wait3A_81 = arith.constant 0 : i32
      %dma_wait3A_82 = tpu.memref_slice %arg4[%add3A_67, %dma_wait3A_81] : memref<8192x1024xf32, #tpu.memory_space<hbm>> -> memref<32x1024xf32, #tpu.memory_space<hbm>>
      %dma_wait3A_83 = arith.constant 0 : i32
      %dma_wait3A_84 = tpu.memref_slice %arg4[%add3A_67, %dma_wait3A_83] : memref<8192x1024xf32, #tpu.memory_space<hbm>> -> memref<32x1024xf32, #tpu.memory_space<hbm>>
      %dma_wait3A_85 = arith.constant 0 : i32
      %dma_wait3A_86 = arith.constant 0 : i32
      %dma_wait3A_87 = tpu.memref_slice %arg6[%dma_wait3A_85, %dma_wait3A_86] : memref<96x1024xf32, #tpu.memory_space<vmem>> -> memref<32x1024xf32, #tpu.memory_space<vmem>>
      tpu.wait_dma2 semaphore(%arg13 : memref<!tpu.dma_semaphore, #tpu.memory_space<semaphore_mem>>) src(%dma_wait3A_87 : memref<32x1024xf32, #tpu.memory_space<vmem>>) dst(%dma_wait3A_84 : memref<32x1024xf32, #tpu.memory_space<hbm>>)
      %dma_start3A_88 = arith.constant 0 : i32
      %dma_start3A_89 = arith.constant 0 : i32
      %dma_start3A_90 = tpu.memref_slice %arg6[%dma_start3A_88, %dma_start3A_89] : memref<96x1024xf32, #tpu.memory_space<vmem>> -> memref<32x1024xf32, #tpu.memory_space<vmem>>
      %dma_start3A_91 = arith.constant 96 : i32
      %dma_start3A_92 = tpu.memref_slice %arg5[%dma_start3A_91] : memref<256xi32, #tpu.memory_space<vmem>> -> memref<32xi32, #tpu.memory_space<vmem>>
      %dma_start3A_93 = arith.constant 0 : i32
      %dma_start3A_94 = arith.constant 0 : i32
      %dma_start3A_95 = tpu.memref_slice %arg2[%dma_start3A_93, %dma_start3A_94] : memref<100000x1024xf32, #tpu.memory_space<hbm>> -> memref<100000x1024xf32, #tpu.memory_space<hbm>>
      tpu.enqueue_indirect_dma source(%dma_start3A_95 : memref<100000x1024xf32, #tpu.memory_space<hbm>>) target(%dma_start3A_90 : memref<32x1024xf32, #tpu.memory_space<vmem>>) offsets(%dma_start3A_92 : memref<32xi32, #tpu.memory_space<vmem>>) semaphore(%arg7 : memref<!tpu.dma_semaphore, #tpu.memory_space<semaphore_mem>>)
      %dma_wait3A_96 = arith.constant 32 : i32
      %dma_wait3A_97 = arith.constant 0 : i32
      %dma_wait3A_98 = tpu.memref_slice %arg6[%dma_wait3A_96, %dma_wait3A_97] : memref<96x1024xf32, #tpu.memory_space<vmem>> -> memref<32x1024xf32, #tpu.memory_space<vmem>>
      %dma_wait3A_99 = arith.constant 32 : i32
      %dma_wait3A_100 = tpu.memref_slice %arg5[%dma_wait3A_99] : memref<256xi32, #tpu.memory_space<vmem>> -> memref<32xi32, #tpu.memory_space<vmem>>
      %dma_wait3A_101 = arith.constant 0 : i32
      %dma_wait3A_102 = arith.constant 0 : i32
      %dma_wait3A_103 = tpu.memref_slice %arg2[%dma_wait3A_101, %dma_wait3A_102] : memref<100000x1024xf32, #tpu.memory_space<hbm>> -> memref<100000x1024xf32, #tpu.memory_space<hbm>>
      tpu.wait_indirect_dma semaphore(%arg8 : memref<!tpu.dma_semaphore, #tpu.memory_space<semaphore_mem>>) src(%dma_wait3A_103 : memref<100000x1024xf32, #tpu.memory_space<hbm>>) dst(%dma_wait3A_98 : memref<32x1024xf32, #tpu.memory_space<vmem>>)
      %add3A_104 = arith.constant 32 : i32
      %add3A_105 = arith.addi %mul3A_2, %add3A_104 : i32
      %dma_start3A_106 = arith.constant 32 : i32
      %dma_start3A_107 = arith.constant 0 : i32
      %dma_start3A_108 = tpu.memref_slice %arg6[%dma_start3A_106, %dma_start3A_107] : memref<96x1024xf32, #tpu.memory_space<vmem>> -> memref<32x1024xf32, #tpu.memory_space<vmem>>
      %dma_start3A_109 = arith.constant 0 : i32
      %dma_start3A_110 = tpu.memref_slice %arg4[%add3A_105, %dma_start3A_109] : memref<8192x1024xf32, #tpu.memory_space<hbm>> -> memref<32x1024xf32, #tpu.memory_space<hbm>>
      %dma_start3A_111 = arith.constant 0 : i32
      %dma_start3A_112 = tpu.memref_slice %arg4[%add3A_105, %dma_start3A_111] : memref<8192x1024xf32, #tpu.memory_space<hbm>> -> memref<32x1024xf32, #tpu.memory_space<hbm>>
      %dma_start3A_113 = arith.constant 32 : i32
      %dma_start3A_114 = arith.constant 0 : i32
      %dma_start3A_115 = tpu.memref_slice %arg6[%dma_start3A_113, %dma_start3A_114] : memref<96x1024xf32, #tpu.memory_space<vmem>> -> memref<32x1024xf32, #tpu.memory_space<vmem>>
      tpu.enqueue_dma source(%dma_start3A_115 : memref<32x1024xf32, #tpu.memory_space<vmem>>) target(%dma_start3A_112 : memref<32x1024xf32, #tpu.memory_space<hbm>>) target_semaphore(%arg14 : memref<!tpu.dma_semaphore, #tpu.memory_space<semaphore_mem>>)
      %dma_wait3A_116 = arith.constant 32 : i32
      %dma_wait3A_117 = arith.constant 0 : i32
      %dma_wait3A_118 = tpu.memref_slice %arg6[%dma_wait3A_116, %dma_wait3A_117] : memref<96x1024xf32, #tpu.memory_space<vmem>> -> memref<32x1024xf32, #tpu.memory_space<vmem>>
      %dma_wait3A_119 = arith.constant 0 : i32
      %dma_wait3A_120 = tpu.memref_slice %arg4[%add3A_105, %dma_wait3A_119] : memref<8192x1024xf32, #tpu.memory_space<hbm>> -> memref<32x1024xf32, #tpu.memory_space<hbm>>
      %dma_wait3A_121 = arith.constant 0 : i32
      %dma_wait3A_122 = tpu.memref_slice %arg4[%add3A_105, %dma_wait3A_121] : memref<8192x1024xf32, #tpu.memory_space<hbm>> -> memref<32x1024xf32, #tpu.memory_space<hbm>>
      %dma_wait3A_123 = arith.constant 32 : i32
      %dma_wait3A_124 = arith.constant 0 : i32
      %dma_wait3A_125 = tpu.memref_slice %arg6[%dma_wait3A_123, %dma_wait3A_124] : memref<96x1024xf32, #tpu.memory_space<vmem>> -> memref<32x1024xf32, #tpu.memory_space<vmem>>
      tpu.wait_dma2 semaphore(%arg14 : memref<!tpu.dma_semaphore, #tpu.memory_space<semaphore_mem>>) src(%dma_wait3A_125 : memref<32x1024xf32, #tpu.memory_space<vmem>>) dst(%dma_wait3A_122 : memref<32x1024xf32, #tpu.memory_space<hbm>>)
      %dma_start3A_126 = arith.constant 32 : i32
      %dma_start3A_127 = arith.constant 0 : i32
      %dma_start3A_128 = tpu.memref_slice %arg6[%dma_start3A_126, %dma_start3A_127] : memref<96x1024xf32, #tpu.memory_space<vmem>> -> memref<32x1024xf32, #tpu.memory_space<vmem>>
      %dma_start3A_129 = arith.constant 128 : i32
      %dma_start3A_130 = tpu.memref_slice %arg5[%dma_start3A_129] : memref<256xi32, #tpu.memory_space<vmem>> -> memref<32xi32, #tpu.memory_space<vmem>>
      %dma_start3A_131 = arith.constant 0 : i32
      %dma_start3A_132 = arith.constant 0 : i32
      %dma_start3A_133 = tpu.memref_slice %arg2[%dma_start3A_131, %dma_start3A_132] : memref<100000x1024xf32, #tpu.memory_space<hbm>> -> memref<100000x1024xf32, #tpu.memory_space<hbm>>
      tpu.enqueue_indirect_dma source(%dma_start3A_133 : memref<100000x1024xf32, #tpu.memory_space<hbm>>) target(%dma_start3A_128 : memref<32x1024xf32, #tpu.memory_space<vmem>>) offsets(%dma_start3A_130 : memref<32xi32, #tpu.memory_space<vmem>>) semaphore(%arg8 : memref<!tpu.dma_semaphore, #tpu.memory_space<semaphore_mem>>)
      %dma_wait3A_134 = arith.constant 64 : i32
      %dma_wait3A_135 = arith.constant 0 : i32
      %dma_wait3A_136 = tpu.memref_slice %arg6[%dma_wait3A_134, %dma_wait3A_135] : memref<96x1024xf32, #tpu.memory_space<vmem>> -> memref<32x1024xf32, #tpu.memory_space<vmem>>
      %dma_wait3A_137 = arith.constant 64 : i32
      %dma_wait3A_138 = tpu.memref_slice %arg5[%dma_wait3A_137] : memref<256xi32, #tpu.memory_space<vmem>> -> memref<32xi32, #tpu.memory_space<vmem>>
      %dma_wait3A_139 = arith.constant 0 : i32
      %dma_wait3A_140 = arith.constant 0 : i32
      %dma_wait3A_141 = tpu.memref_slice %arg2[%dma_wait3A_139, %dma_wait3A_140] : memref<100000x1024xf32, #tpu.memory_space<hbm>> -> memref<100000x1024xf32, #tpu.memory_space<hbm>>
      tpu.wait_indirect_dma semaphore(%arg9 : memref<!tpu.dma_semaphore, #tpu.memory_space<semaphore_mem>>) src(%dma_wait3A_141 : memref<100000x1024xf32, #tpu.memory_space<hbm>>) dst(%dma_wait3A_136 : memref<32x1024xf32, #tpu.memory_space<vmem>>)
      %add3A_142 = arith.constant 64 : i32
      %add3A_143 = arith.addi %mul3A_2, %add3A_142 : i32
      %dma_start3A_144 = arith.constant 64 : i32
      %dma_start3A_145 = arith.constant 0 : i32
      %dma_start3A_146 = tpu.memref_slice %arg6[%dma_start3A_144, %dma_start3A_145] : memref<96x1024xf32, #tpu.memory_space<vmem>> -> memref<32x1024xf32, #tpu.memory_space<vmem>>
      %dma_start3A_147 = arith.constant 0 : i32
      %dma_start3A_148 = tpu.memref_slice %arg4[%add3A_143, %dma_start3A_147] : memref<8192x1024xf32, #tpu.memory_space<hbm>> -> memref<32x1024xf32, #tpu.memory_space<hbm>>
      %dma_start3A_149 = arith.constant 0 : i32
      %dma_start3A_150 = tpu.memref_slice %arg4[%add3A_143, %dma_start3A_149] : memref<8192x1024xf32, #tpu.memory_space<hbm>> -> memref<32x1024xf32, #tpu.memory_space<hbm>>
      %dma_start3A_151 = arith.constant 64 : i32
      %dma_start3A_152 = arith.constant 0 : i32
      %dma_start3A_153 = tpu.memref_slice %arg6[%dma_start3A_151, %dma_start3A_152] : memref<96x1024xf32, #tpu.memory_space<vmem>> -> memref<32x1024xf32, #tpu.memory_space<vmem>>
      tpu.enqueue_dma source(%dma_start3A_153 : memref<32x1024xf32, #tpu.memory_space<vmem>>) target(%dma_start3A_150 : memref<32x1024xf32, #tpu.memory_space<hbm>>) target_semaphore(%arg15 : memref<!tpu.dma_semaphore, #tpu.memory_space<semaphore_mem>>)
      %dma_wait3A_154 = arith.constant 64 : i32
      %dma_wait3A_155 = arith.constant 0 : i32
      %dma_wait3A_156 = tpu.memref_slice %arg6[%dma_wait3A_154, %dma_wait3A_155] : memref<96x1024xf32, #tpu.memory_space<vmem>> -> memref<32x1024xf32, #tpu.memory_space<vmem>>
      %dma_wait3A_157 = arith.constant 0 : i32
      %dma_wait3A_158 = tpu.memref_slice %arg4[%add3A_143, %dma_wait3A_157] : memref<8192x1024xf32, #tpu.memory_space<hbm>> -> memref<32x1024xf32, #tpu.memory_space<hbm>>
      %dma_wait3A_159 = arith.constant 0 : i32
      %dma_wait3A_160 = tpu.memref_slice %arg4[%add3A_143, %dma_wait3A_159] : memref<8192x1024xf32, #tpu.memory_space<hbm>> -> memref<32x1024xf32, #tpu.memory_space<hbm>>
      %dma_wait3A_161 = arith.constant 64 : i32
      %dma_wait3A_162 = arith.constant 0 : i32
      %dma_wait3A_163 = tpu.memref_slice %arg6[%dma_wait3A_161, %dma_wait3A_162] : memref<96x1024xf32, #tpu.memory_space<vmem>> -> memref<32x1024xf32, #tpu.memory_space<vmem>>
      tpu.wait_dma2 semaphore(%arg15 : memref<!tpu.dma_semaphore, #tpu.memory_space<semaphore_mem>>) src(%dma_wait3A_163 : memref<32x1024xf32, #tpu.memory_space<vmem>>) dst(%dma_wait3A_160 : memref<32x1024xf32, #tpu.memory_space<hbm>>)
      %dma_start3A_164 = arith.constant 64 : i32
      %dma_start3A_165 = arith.constant 0 : i32
      %dma_start3A_166 = tpu.memref_slice %arg6[%dma_start3A_164, %dma_start3A_165] : memref<96x1024xf32, #tpu.memory_space<vmem>> -> memref<32x1024xf32, #tpu.memory_space<vmem>>
      %dma_start3A_167 = arith.constant 160 : i32
      %dma_start3A_168 = tpu.memref_slice %arg5[%dma_start3A_167] : memref<256xi32, #tpu.memory_space<vmem>> -> memref<32xi32, #tpu.memory_space<vmem>>
      %dma_start3A_169 = arith.constant 0 : i32
      %dma_start3A_170 = arith.constant 0 : i32
      %dma_start3A_171 = tpu.memref_slice %arg2[%dma_start3A_169, %dma_start3A_170] : memref<100000x1024xf32, #tpu.memory_space<hbm>> -> memref<100000x1024xf32, #tpu.memory_space<hbm>>
      tpu.enqueue_indirect_dma source(%dma_start3A_171 : memref<100000x1024xf32, #tpu.memory_space<hbm>>) target(%dma_start3A_166 : memref<32x1024xf32, #tpu.memory_space<vmem>>) offsets(%dma_start3A_168 : memref<32xi32, #tpu.memory_space<vmem>>) semaphore(%arg9 : memref<!tpu.dma_semaphore, #tpu.memory_space<semaphore_mem>>)
      %dma_wait3A_172 = arith.constant 0 : i32
      %dma_wait3A_173 = arith.constant 0 : i32
      %dma_wait3A_174 = tpu.memref_slice %arg6[%dma_wait3A_172, %dma_wait3A_173] : memref<96x1024xf32, #tpu.memory_space<vmem>> -> memref<32x1024xf32, #tpu.memory_space<vmem>>
      %dma_wait3A_175 = arith.constant 96 : i32
      %dma_wait3A_176 = tpu.memref_slice %arg5[%dma_wait3A_175] : memref<256xi32, #tpu.memory_space<vmem>> -> memref<32xi32, #tpu.memory_space<vmem>>
      %dma_wait3A_177 = arith.constant 0 : i32
      %dma_wait3A_178 = arith.constant 0 : i32
      %dma_wait3A_179 = tpu.memref_slice %arg2[%dma_wait3A_177, %dma_wait3A_178] : memref<100000x1024xf32, #tpu.memory_space<hbm>> -> memref<100000x1024xf32, #tpu.memory_space<hbm>>
      tpu.wait_indirect_dma semaphore(%arg7 : memref<!tpu.dma_semaphore, #tpu.memory_space<semaphore_mem>>) src(%dma_wait3A_179 : memref<100000x1024xf32, #tpu.memory_space<hbm>>) dst(%dma_wait3A_174 : memref<32x1024xf32, #tpu.memory_space<vmem>>)
      %add3A_180 = arith.constant 96 : i32
      %add3A_181 = arith.addi %mul3A_2, %add3A_180 : i32
      %dma_start3A_182 = arith.constant 0 : i32
      %dma_start3A_183 = arith.constant 0 : i32
      %dma_start3A_184 = tpu.memref_slice %arg6[%dma_start3A_182, %dma_start3A_183] : memref<96x1024xf32, #tpu.memory_space<vmem>> -> memref<32x1024xf32, #tpu.memory_space<vmem>>
      %dma_start3A_185 = arith.constant 0 : i32
      %dma_start3A_186 = tpu.memref_slice %arg4[%add3A_181, %dma_start3A_185] : memref<8192x1024xf32, #tpu.memory_space<hbm>> -> memref<32x1024xf32, #tpu.memory_space<hbm>>
      %dma_start3A_187 = arith.constant 0 : i32
      %dma_start3A_188 = tpu.memref_slice %arg4[%add3A_181, %dma_start3A_187] : memref<8192x1024xf32, #tpu.memory_space<hbm>> -> memref<32x1024xf32, #tpu.memory_space<hbm>>
      %dma_start3A_189 = arith.constant 0 : i32
      %dma_start3A_190 = arith.constant 0 : i32
      %dma_start3A_191 = tpu.memref_slice %arg6[%dma_start3A_189, %dma_start3A_190] : memref<96x1024xf32, #tpu.memory_space<vmem>> -> memref<32x1024xf32, #tpu.memory_space<vmem>>
      tpu.enqueue_dma source(%dma_start3A_191 : memref<32x1024xf32, #tpu.memory_space<vmem>>) target(%dma_start3A_188 : memref<32x1024xf32, #tpu.memory_space<hbm>>) target_semaphore(%arg13 : memref<!tpu.dma_semaphore, #tpu.memory_space<semaphore_mem>>)
      %dma_wait3A_192 = arith.constant 0 : i32
      %dma_wait3A_193 = arith.constant 0 : i32
      %dma_wait3A_194 = tpu.memref_slice %arg6[%dma_wait3A_192, %dma_wait3A_193] : memref<96x1024xf32, #tpu.memory_space<vmem>> -> memref<32x1024xf32, #tpu.memory_space<vmem>>
      %dma_wait3A_195 = arith.constant 0 : i32
      %dma_wait3A_196 = tpu.memref_slice %arg4[%add3A_181, %dma_wait3A_195] : memref<8192x1024xf32, #tpu.memory_space<hbm>> -> memref<32x1024xf32, #tpu.memory_space<hbm>>
      %dma_wait3A_197 = arith.constant 0 : i32
      %dma_wait3A_198 = tpu.memref_slice %arg4[%add3A_181, %dma_wait3A_197] : memref<8192x1024xf32, #tpu.memory_space<hbm>> -> memref<32x1024xf32, #tpu.memory_space<hbm>>
      %dma_wait3A_199 = arith.constant 0 : i32
      %dma_wait3A_200 = arith.constant 0 : i32
      %dma_wait3A_201 = tpu.memref_slice %arg6[%dma_wait3A_199, %dma_wait3A_200] : memref<96x1024xf32, #tpu.memory_space<vmem>> -> memref<32x1024xf32, #tpu.memory_space<vmem>>
      tpu.wait_dma2 semaphore(%arg13 : memref<!tpu.dma_semaphore, #tpu.memory_space<semaphore_mem>>) src(%dma_wait3A_201 : memref<32x1024xf32, #tpu.memory_space<vmem>>) dst(%dma_wait3A_198 : memref<32x1024xf32, #tpu.memory_space<hbm>>)
      %dma_start3A_202 = arith.constant 0 : i32
      %dma_start3A_203 = arith.constant 0 : i32
      %dma_start3A_204 = tpu.memref_slice %arg6[%dma_start3A_202, %dma_start3A_203] : memref<96x1024xf32, #tpu.memory_space<vmem>> -> memref<32x1024xf32, #tpu.memory_space<vmem>>
      %dma_start3A_205 = arith.constant 192 : i32
      %dma_start3A_206 = tpu.memref_slice %arg5[%dma_start3A_205] : memref<256xi32, #tpu.memory_space<vmem>> -> memref<32xi32, #tpu.memory_space<vmem>>
      %dma_start3A_207 = arith.constant 0 : i32
      %dma_start3A_208 = arith.constant 0 : i32
      %dma_start3A_209 = tpu.memref_slice %arg2[%dma_start3A_207, %dma_start3A_208] : memref<100000x1024xf32, #tpu.memory_space<hbm>> -> memref<100000x1024xf32, #tpu.memory_space<hbm>>
      tpu.enqueue_indirect_dma source(%dma_start3A_209 : memref<100000x1024xf32, #tpu.memory_space<hbm>>) target(%dma_start3A_204 : memref<32x1024xf32, #tpu.memory_space<vmem>>) offsets(%dma_start3A_206 : memref<32xi32, #tpu.memory_space<vmem>>) semaphore(%arg7 : memref<!tpu.dma_semaphore, #tpu.memory_space<semaphore_mem>>)
      %dma_wait3A_210 = arith.constant 32 : i32
      %dma_wait3A_211 = arith.constant 0 : i32
      %dma_wait3A_212 = tpu.memref_slice %arg6[%dma_wait3A_210, %dma_wait3A_211] : memref<96x1024xf32, #tpu.memory_space<vmem>> -> memref<32x1024xf32, #tpu.memory_space<vmem>>
      %dma_wait3A_213 = arith.constant 128 : i32
      %dma_wait3A_214 = tpu.memref_slice %arg5[%dma_wait3A_213] : memref<256xi32, #tpu.memory_space<vmem>> -> memref<32xi32, #tpu.memory_space<vmem>>
      %dma_wait3A_215 = arith.constant 0 : i32
      %dma_wait3A_216 = arith.constant 0 : i32
      %dma_wait3A_217 = tpu.memref_slice %arg2[%dma_wait3A_215, %dma_wait3A_216] : memref<100000x1024xf32, #tpu.memory_space<hbm>> -> memref<100000x1024xf32, #tpu.memory_space<hbm>>
      tpu.wait_indirect_dma semaphore(%arg8 : memref<!tpu.dma_semaphore, #tpu.memory_space<semaphore_mem>>) src(%dma_wait3A_217 : memref<100000x1024xf32, #tpu.memory_space<hbm>>) dst(%dma_wait3A_212 : memref<32x1024xf32, #tpu.memory_space<vmem>>)
      %add3A_218 = arith.constant 128 : i32
      %add3A_219 = arith.addi %mul3A_2, %add3A_218 : i32
      %dma_start3A_220 = arith.constant 32 : i32
      %dma_start3A_221 = arith.constant 0 : i32
      %dma_start3A_222 = tpu.memref_slice %arg6[%dma_start3A_220, %dma_start3A_221] : memref<96x1024xf32, #tpu.memory_space<vmem>> -> memref<32x1024xf32, #tpu.memory_space<vmem>>
      %dma_start3A_223 = arith.constant 0 : i32
      %dma_start3A_224 = tpu.memref_slice %arg4[%add3A_219, %dma_start3A_223] : memref<8192x1024xf32, #tpu.memory_space<hbm>> -> memref<32x1024xf32, #tpu.memory_space<hbm>>
      %dma_start3A_225 = arith.constant 0 : i32
      %dma_start3A_226 = tpu.memref_slice %arg4[%add3A_219, %dma_start3A_225] : memref<8192x1024xf32, #tpu.memory_space<hbm>> -> memref<32x1024xf32, #tpu.memory_space<hbm>>
      %dma_start3A_227 = arith.constant 32 : i32
      %dma_start3A_228 = arith.constant 0 : i32
      %dma_start3A_229 = tpu.memref_slice %arg6[%dma_start3A_227, %dma_start3A_228] : memref<96x1024xf32, #tpu.memory_space<vmem>> -> memref<32x1024xf32, #tpu.memory_space<vmem>>
      tpu.enqueue_dma source(%dma_start3A_229 : memref<32x1024xf32, #tpu.memory_space<vmem>>) target(%dma_start3A_226 : memref<32x1024xf32, #tpu.memory_space<hbm>>) target_semaphore(%arg14 : memref<!tpu.dma_semaphore, #tpu.memory_space<semaphore_mem>>)
      %dma_wait3A_230 = arith.constant 32 : i32
      %dma_wait3A_231 = arith.constant 0 : i32
      %dma_wait3A_232 = tpu.memref_slice %arg6[%dma_wait3A_230, %dma_wait3A_231] : memref<96x1024xf32, #tpu.memory_space<vmem>> -> memref<32x1024xf32, #tpu.memory_space<vmem>>
      %dma_wait3A_233 = arith.constant 0 : i32
      %dma_wait3A_234 = tpu.memref_slice %arg4[%add3A_219, %dma_wait3A_233] : memref<8192x1024xf32, #tpu.memory_space<hbm>> -> memref<32x1024xf32, #tpu.memory_space<hbm>>
      %dma_wait3A_235 = arith.constant 0 : i32
      %dma_wait3A_236 = tpu.memref_slice %arg4[%add3A_219, %dma_wait3A_235] : memref<8192x1024xf32, #tpu.memory_space<hbm>> -> memref<32x1024xf32, #tpu.memory_space<hbm>>
      %dma_wait3A_237 = arith.constant 32 : i32
      %dma_wait3A_238 = arith.constant 0 : i32
      %dma_wait3A_239 = tpu.memref_slice %arg6[%dma_wait3A_237, %dma_wait3A_238] : memref<96x1024xf32, #tpu.memory_space<vmem>> -> memref<32x1024xf32, #tpu.memory_space<vmem>>
      tpu.wait_dma2 semaphore(%arg14 : memref<!tpu.dma_semaphore, #tpu.memory_space<semaphore_mem>>) src(%dma_wait3A_239 : memref<32x1024xf32, #tpu.memory_space<vmem>>) dst(%dma_wait3A_236 : memref<32x1024xf32, #tpu.memory_space<hbm>>)
      %dma_start3A_240 = arith.constant 32 : i32
      %dma_start3A_241 = arith.constant 0 : i32
      %dma_start3A_242 = tpu.memref_slice %arg6[%dma_start3A_240, %dma_start3A_241] : memref<96x1024xf32, #tpu.memory_space<vmem>> -> memref<32x1024xf32, #tpu.memory_space<vmem>>
      %dma_start3A_243 = arith.constant 224 : i32
      %dma_start3A_244 = tpu.memref_slice %arg5[%dma_start3A_243] : memref<256xi32, #tpu.memory_space<vmem>> -> memref<32xi32, #tpu.memory_space<vmem>>
      %dma_start3A_245 = arith.constant 0 : i32
      %dma_start3A_246 = arith.constant 0 : i32
      %dma_start3A_247 = tpu.memref_slice %arg2[%dma_start3A_245, %dma_start3A_246] : memref<100000x1024xf32, #tpu.memory_space<hbm>> -> memref<100000x1024xf32, #tpu.memory_space<hbm>>
      tpu.enqueue_indirect_dma source(%dma_start3A_247 : memref<100000x1024xf32, #tpu.memory_space<hbm>>) target(%dma_start3A_242 : memref<32x1024xf32, #tpu.memory_space<vmem>>) offsets(%dma_start3A_244 : memref<32xi32, #tpu.memory_space<vmem>>) semaphore(%arg8 : memref<!tpu.dma_semaphore, #tpu.memory_space<semaphore_mem>>)
      %dma_wait3A_248 = arith.constant 64 : i32
      %dma_wait3A_249 = arith.constant 0 : i32
      %dma_wait3A_250 = tpu.memref_slice %arg6[%dma_wait3A_248, %dma_wait3A_249] : memref<96x1024xf32, #tpu.memory_space<vmem>> -> memref<32x1024xf32, #tpu.memory_space<vmem>>
      %dma_wait3A_251 = arith.constant 160 : i32
      %dma_wait3A_252 = tpu.memref_slice %arg5[%dma_wait3A_251] : memref<256xi32, #tpu.memory_space<vmem>> -> memref<32xi32, #tpu.memory_space<vmem>>
      %dma_wait3A_253 = arith.constant 0 : i32
      %dma_wait3A_254 = arith.constant 0 : i32
      %dma_wait3A_255 = tpu.memref_slice %arg2[%dma_wait3A_253, %dma_wait3A_254] : memref<100000x1024xf32, #tpu.memory_space<hbm>> -> memref<100000x1024xf32, #tpu.memory_space<hbm>>
      tpu.wait_indirect_dma semaphore(%arg9 : memref<!tpu.dma_semaphore, #tpu.memory_space<semaphore_mem>>) src(%dma_wait3A_255 : memref<100000x1024xf32, #tpu.memory_space<hbm>>) dst(%dma_wait3A_250 : memref<32x1024xf32, #tpu.memory_space<vmem>>)
      %add3A_256 = arith.constant 160 : i32
      %add3A_257 = arith.addi %mul3A_2, %add3A_256 : i32
      %dma_start3A_258 = arith.constant 64 : i32
      %dma_start3A_259 = arith.constant 0 : i32
      %dma_start3A_260 = tpu.memref_slice %arg6[%dma_start3A_258, %dma_start3A_259] : memref<96x1024xf32, #tpu.memory_space<vmem>> -> memref<32x1024xf32, #tpu.memory_space<vmem>>
      %dma_start3A_261 = arith.constant 0 : i32
      %dma_start3A_262 = tpu.memref_slice %arg4[%add3A_257, %dma_start3A_261] : memref<8192x1024xf32, #tpu.memory_space<hbm>> -> memref<32x1024xf32, #tpu.memory_space<hbm>>
      %dma_start3A_263 = arith.constant 0 : i32
      %dma_start3A_264 = tpu.memref_slice %arg4[%add3A_257, %dma_start3A_263] : memref<8192x1024xf32, #tpu.memory_space<hbm>> -> memref<32x1024xf32, #tpu.memory_space<hbm>>
      %dma_start3A_265 = arith.constant 64 : i32
      %dma_start3A_266 = arith.constant 0 : i32
      %dma_start3A_267 = tpu.memref_slice %arg6[%dma_start3A_265, %dma_start3A_266] : memref<96x1024xf32, #tpu.memory_space<vmem>> -> memref<32x1024xf32, #tpu.memory_space<vmem>>
      tpu.enqueue_dma source(%dma_start3A_267 : memref<32x1024xf32, #tpu.memory_space<vmem>>) target(%dma_start3A_264 : memref<32x1024xf32, #tpu.memory_space<hbm>>) target_semaphore(%arg15 : memref<!tpu.dma_semaphore, #tpu.memory_space<semaphore_mem>>)
      %dma_wait3A_268 = arith.constant 0 : i32
      %dma_wait3A_269 = arith.constant 0 : i32
      %dma_wait3A_270 = tpu.memref_slice %arg6[%dma_wait3A_268, %dma_wait3A_269] : memref<96x1024xf32, #tpu.memory_space<vmem>> -> memref<32x1024xf32, #tpu.memory_space<vmem>>
      %dma_wait3A_271 = arith.constant 192 : i32
      %dma_wait3A_272 = tpu.memref_slice %arg5[%dma_wait3A_271] : memref<256xi32, #tpu.memory_space<vmem>> -> memref<32xi32, #tpu.memory_space<vmem>>
      %dma_wait3A_273 = arith.constant 0 : i32
      %dma_wait3A_274 = arith.constant 0 : i32
      %dma_wait3A_275 = tpu.memref_slice %arg2[%dma_wait3A_273, %dma_wait3A_274] : memref<100000x1024xf32, #tpu.memory_space<hbm>> -> memref<100000x1024xf32, #tpu.memory_space<hbm>>
      tpu.wait_indirect_dma semaphore(%arg7 : memref<!tpu.dma_semaphore, #tpu.memory_space<semaphore_mem>>) src(%dma_wait3A_275 : memref<100000x1024xf32, #tpu.memory_space<hbm>>) dst(%dma_wait3A_270 : memref<32x1024xf32, #tpu.memory_space<vmem>>)
      %add3A_276 = arith.constant 192 : i32
      %add3A_277 = arith.addi %mul3A_2, %add3A_276 : i32
      %dma_start3A_278 = arith.constant 0 : i32
      %dma_start3A_279 = arith.constant 0 : i32
      %dma_start3A_280 = tpu.memref_slice %arg6[%dma_start3A_278, %dma_start3A_279] : memref<96x1024xf32, #tpu.memory_space<vmem>> -> memref<32x1024xf32, #tpu.memory_space<vmem>>
      %dma_start3A_281 = arith.constant 0 : i32
      %dma_start3A_282 = tpu.memref_slice %arg4[%add3A_277, %dma_start3A_281] : memref<8192x1024xf32, #tpu.memory_space<hbm>> -> memref<32x1024xf32, #tpu.memory_space<hbm>>
      %dma_start3A_283 = arith.constant 0 : i32
      %dma_start3A_284 = tpu.memref_slice %arg4[%add3A_277, %dma_start3A_283] : memref<8192x1024xf32, #tpu.memory_space<hbm>> -> memref<32x1024xf32, #tpu.memory_space<hbm>>
      %dma_start3A_285 = arith.constant 0 : i32
      %dma_start3A_286 = arith.constant 0 : i32
      %dma_start3A_287 = tpu.memref_slice %arg6[%dma_start3A_285, %dma_start3A_286] : memref<96x1024xf32, #tpu.memory_space<vmem>> -> memref<32x1024xf32, #tpu.memory_space<vmem>>
      tpu.enqueue_dma source(%dma_start3A_287 : memref<32x1024xf32, #tpu.memory_space<vmem>>) target(%dma_start3A_284 : memref<32x1024xf32, #tpu.memory_space<hbm>>) target_semaphore(%arg13 : memref<!tpu.dma_semaphore, #tpu.memory_space<semaphore_mem>>)
      %dma_wait3A_288 = arith.constant 32 : i32
      %dma_wait3A_289 = arith.constant 0 : i32
      %dma_wait3A_290 = tpu.memref_slice %arg6[%dma_wait3A_288, %dma_wait3A_289] : memref<96x1024xf32, #tpu.memory_space<vmem>> -> memref<32x1024xf32, #tpu.memory_space<vmem>>
      %dma_wait3A_291 = arith.constant 224 : i32
      %dma_wait3A_292 = tpu.memref_slice %arg5[%dma_wait3A_291] : memref<256xi32, #tpu.memory_space<vmem>> -> memref<32xi32, #tpu.memory_space<vmem>>
      %dma_wait3A_293 = arith.constant 0 : i32
      %dma_wait3A_294 = arith.constant 0 : i32
      %dma_wait3A_295 = tpu.memref_slice %arg2[%dma_wait3A_293, %dma_wait3A_294] : memref<100000x1024xf32, #tpu.memory_space<hbm>> -> memref<100000x1024xf32, #tpu.memory_space<hbm>>
      tpu.wait_indirect_dma semaphore(%arg8 : memref<!tpu.dma_semaphore, #tpu.memory_space<semaphore_mem>>) src(%dma_wait3A_295 : memref<100000x1024xf32, #tpu.memory_space<hbm>>) dst(%dma_wait3A_290 : memref<32x1024xf32, #tpu.memory_space<vmem>>)
      %add3A_296 = arith.constant 224 : i32
      %add3A_297 = arith.addi %mul3A_2, %add3A_296 : i32
      %dma_start3A_298 = arith.constant 32 : i32
      %dma_start3A_299 = arith.constant 0 : i32
      %dma_start3A_300 = tpu.memref_slice %arg6[%dma_start3A_298, %dma_start3A_299] : memref<96x1024xf32, #tpu.memory_space<vmem>> -> memref<32x1024xf32, #tpu.memory_space<vmem>>
      %dma_start3A_301 = arith.constant 0 : i32
      %dma_start3A_302 = tpu.memref_slice %arg4[%add3A_297, %dma_start3A_301] : memref<8192x1024xf32, #tpu.memory_space<hbm>> -> memref<32x1024xf32, #tpu.memory_space<hbm>>
      %dma_start3A_303 = arith.constant 0 : i32
      %dma_start3A_304 = tpu.memref_slice %arg4[%add3A_297, %dma_start3A_303] : memref<8192x1024xf32, #tpu.memory_space<hbm>> -> memref<32x1024xf32, #tpu.memory_space<hbm>>
      %dma_start3A_305 = arith.constant 32 : i32
      %dma_start3A_306 = arith.constant 0 : i32
      %dma_start3A_307 = tpu.memref_slice %arg6[%dma_start3A_305, %dma_start3A_306] : memref<96x1024xf32, #tpu.memory_space<vmem>> -> memref<32x1024xf32, #tpu.memory_space<vmem>>
      tpu.enqueue_dma source(%dma_start3A_307 : memref<32x1024xf32, #tpu.memory_space<vmem>>) target(%dma_start3A_304 : memref<32x1024xf32, #tpu.memory_space<hbm>>) target_semaphore(%arg14 : memref<!tpu.dma_semaphore, #tpu.memory_space<semaphore_mem>>)
      %dma_wait3A_308 = arith.constant 64 : i32
      %dma_wait3A_309 = arith.constant 0 : i32
      %dma_wait3A_310 = tpu.memref_slice %arg6[%dma_wait3A_308, %dma_wait3A_309] : memref<96x1024xf32, #tpu.memory_space<vmem>> -> memref<32x1024xf32, #tpu.memory_space<vmem>>
      %dma_wait3A_311 = arith.constant 0 : i32
      %dma_wait3A_312 = tpu.memref_slice %arg4[%add3A_257, %dma_wait3A_311] : memref<8192x1024xf32, #tpu.memory_space<hbm>> -> memref<32x1024xf32, #tpu.memory_space<hbm>>
      %dma_wait3A_313 = arith.constant 0 : i32
      %dma_wait3A_314 = tpu.memref_slice %arg4[%add3A_257, %dma_wait3A_313] : memref<8192x1024xf32, #tpu.memory_space<hbm>> -> memref<32x1024xf32, #tpu.memory_space<hbm>>
      %dma_wait3A_315 = arith.constant 64 : i32
      %dma_wait3A_316 = arith.constant 0 : i32
      %dma_wait3A_317 = tpu.memref_slice %arg6[%dma_wait3A_315, %dma_wait3A_316] : memref<96x1024xf32, #tpu.memory_space<vmem>> -> memref<32x1024xf32, #tpu.memory_space<vmem>>
      tpu.wait_dma2 semaphore(%arg15 : memref<!tpu.dma_semaphore, #tpu.memory_space<semaphore_mem>>) src(%dma_wait3A_317 : memref<32x1024xf32, #tpu.memory_space<vmem>>) dst(%dma_wait3A_314 : memref<32x1024xf32, #tpu.memory_space<hbm>>)
      %dma_wait3A_318 = arith.constant 0 : i32
      %dma_wait3A_319 = arith.constant 0 : i32
      %dma_wait3A_320 = tpu.memref_slice %arg6[%dma_wait3A_318, %dma_wait3A_319] : memref<96x1024xf32, #tpu.memory_space<vmem>> -> memref<32x1024xf32, #tpu.memory_space<vmem>>
      %dma_wait3A_321 = arith.constant 0 : i32
      %dma_wait3A_322 = tpu.memref_slice %arg4[%add3A_277, %dma_wait3A_321] : memref<8192x1024xf32, #tpu.memory_space<hbm>> -> memref<32x1024xf32, #tpu.memory_space<hbm>>
      %dma_wait3A_323 = arith.constant 0 : i32
      %dma_wait3A_324 = tpu.memref_slice %arg4[%add3A_277, %dma_wait3A_323] : memref<8192x1024xf32, #tpu.memory_space<hbm>> -> memref<32x1024xf32, #tpu.memory_space<hbm>>
      %dma_wait3A_325 = arith.constant 0 : i32
      %dma_wait3A_326 = arith.constant 0 : i32
      %dma_wait3A_327 = tpu.memref_slice %arg6[%dma_wait3A_325, %dma_wait3A_326] : memref<96x1024xf32, #tpu.memory_space<vmem>> -> memref<32x1024xf32, #tpu.memory_space<vmem>>
      tpu.wait_dma2 semaphore(%arg13 : memref<!tpu.dma_semaphore, #tpu.memory_space<semaphore_mem>>) src(%dma_wait3A_327 : memref<32x1024xf32, #tpu.memory_space<vmem>>) dst(%dma_wait3A_324 : memref<32x1024xf32, #tpu.memory_space<hbm>>)
      %dma_wait3A_328 = arith.constant 32 : i32
      %dma_wait3A_329 = arith.constant 0 : i32
      %dma_wait3A_330 = tpu.memref_slice %arg6[%dma_wait3A_328, %dma_wait3A_329] : memref<96x1024xf32, #tpu.memory_space<vmem>> -> memref<32x1024xf32, #tpu.memory_space<vmem>>
      %dma_wait3A_331 = arith.constant 0 : i32
      %dma_wait3A_332 = tpu.memref_slice %arg4[%add3A_297, %dma_wait3A_331] : memref<8192x1024xf32, #tpu.memory_space<hbm>> -> memref<32x1024xf32, #tpu.memory_space<hbm>>
      %dma_wait3A_333 = arith.constant 0 : i32
      %dma_wait3A_334 = tpu.memref_slice %arg4[%add3A_297, %dma_wait3A_333] : memref<8192x1024xf32, #tpu.memory_space<hbm>> -> memref<32x1024xf32, #tpu.memory_space<hbm>>
      %dma_wait3A_335 = arith.constant 32 : i32
      %dma_wait3A_336 = arith.constant 0 : i32
      %dma_wait3A_337 = tpu.memref_slice %arg6[%dma_wait3A_335, %dma_wait3A_336] : memref<96x1024xf32, #tpu.memory_space<vmem>> -> memref<32x1024xf32, #tpu.memory_space<vmem>>
      tpu.wait_dma2 semaphore(%arg14 : memref<!tpu.dma_semaphore, #tpu.memory_space<semaphore_mem>>) src(%dma_wait3A_337 : memref<32x1024xf32, #tpu.memory_space<vmem>>) dst(%dma_wait3A_334 : memref<32x1024xf32, #tpu.memory_space<hbm>>)
    } else {
    }
    return
  }
}

</mosaic_0001>

<sc_bundles>
// kernel: kernel.3.cloned.1.call-start
scs
__scs_entry_jumppad:
0x0: {  	(pc) =	sbr.rel $0x88, $3  }
0x1: {  	(tag) =	ssettag $0x0;
	lr =	simm.s32 $0x1  }
0x2: {  	[smem:$0x3F9F] =	sst lr;
	_ =	strace $0xD0000000  }
0x3: {  	_ = 	snop  }
0x4: {  	_ = 	snop  }
0x5: {  	_ = 	snop  }
0x6: {  	_ = 	snop  }
0x7: {  	_ = 	snop  }
__scs_overlays_trampoline_lowered:
0x8: {  	[smem:$0x3FAE] =	sst s0  }
0x9: {  	[smem:$0x3FAF] =	sst s1  }
0xa: {  	[smem:$0x3FB0] =	sst s2  }
0xb: {  	[smem:$0x3FB1] =	sst s3  }
0xc: {  	[smem:$0x3FB2] =	sst s4  }
0xd: {  	[smem:$0x3FB3] =	sst s5  }
0xe: {  	[smem:$0x3FB4] =	sst s6  }
0xf: {  	[smem:$0x3FB5] =	sst s7  }
0x10: {  	[smem:$0x3FB6] =	sst s8  }
0x11: {  	[smem:$0x3FB7] =	sst s9;
	s0 =	simm.s32 @!p0 $0x0  }
0x12: {  	s1 =	sld [smem:$0x3F9D];
	s0 =	simm.s32 @p0 $0x1  }
0x13: {  	[smem:$0x3FB8] =	sst s0;
	s0 =	simm.s32 @!p1 $0x0  }
0x14: {  	s2 =	sld [smem:$0x3F9C];
	s0 =	simm.s32 @p1 $0x1  }
0x15: {  	[smem:$0x3FB9] =	sst s0;
	s0 =	simm.s32 @!p2 $0x0  }
0x16: {  	s3 =	sld [smem:$0x3FDB];
	s0 =	simm.s32 @p2 $0x1  }
0x17: {  	s4 =	simm.s32 $0x1BF5;
	[smem:$0x3FBB] =	sst s0  }
0x18: {  	s0 =	sld [smem:$0x3F9E];
	_ =	swait.ge [sflag:s4], $0x0  }
0x19: {  	s7 =	sld [smem:$0x3F9F]  }
0x1a: {  	s8 =	sadd.s32 $0xFFFFE003, lr  }
0x1b: {  	s9 =	sadd.s32 $0xFFFFFEF7, lr;
	s5 =	simm.s32 $0xFFFFFFFF;
	p2 =	slt.u32 s8, $0xFFFFF086  }
0x1c: {  	p1 =	slt.u32 s9, $0xF7A;
	s5 =	simm.s32 @!p2 $0x0  }
0x1d: {  	s5 =	simm.s32 @p1 $0x1;
	p0 =	seq.s32 s7, s2  }
0x1e: {  	s7 =	smul.u32 @!p0 $0xF7A, s2;
	p2 =	seq.s32 @!p0 s5, $0x0  }
0x1f: {  	s9 =	smul.u32 $0xF7A, s1;
	s8 =	simm.s32 @!p0 $0x1BF5;
	p2 =	por !p2, p0  }
0x20: {  	[sflag:s8] =	ssyncset.s32 @!p0 $0xFFFFF086;
	s6 =	sadd.s32 @!p0 s3, s7;
	s7 =	simm.s32 @!p0 $0x108  }
0x21: {  	s3 =	sadd.s32 s3, s9;
	s6 =	sadd.s32 @!p0 $0x88, s6;
	s7 =	simm.s32 @p2 $0x1082  }
0x22: {  	[simem:s7], [sflag:s8] =	dma.local @!p0 [hbm:s6], $0xF7A  }
0x23: {  	s9 =	sor.u32 $0xD0000000, s2;
	s6 =	simm.s32 $0x108;
	_ =	swait.ge @!p0 [sflag:s8], $0x0  }
0x24: {  	s3 =	sadd.s32 $0x88, s3;
	s6 =	simm.s32 @!p1 $0x1082;
	[sflag:s4] =	ssyncset.s32 $0xFFFFF086  }
0x25: {  	[simem:s6], [sflag:s4] =	dma.local [hbm:s3], $0xF7A  }
0x26: {  	[smem:$0x3F9F] =	sst s1;
	(tag) =	ssettag s2;
	_ =	strace s9  }
0x27: {  	s1 =	sld [smem:$0x3FAF]  }
0x28: {  	s2 =	sld [smem:$0x3FB0]  }
0x29: {  	s4 =	sld [smem:$0x3FB2]  }
0x2a: {  	p0 =	seq.s32 s5, $0x0;
	s5 =	sld [smem:$0x3FB3]  }
0x2b: {  	s6 =	sld [smem:$0x3FB4]  }
0x2c: {  	s7 =	sld [smem:$0x3FB5]  }
0x2d: {  	s3 =	simm.s32 $0x108;
	s8 =	sld [smem:$0x3FB6]  }
0x2e: {  	s3 =	simm.s32 @!p0 $0x1082;
	s9 =	sld [smem:$0x3FB7]  }
0x2f: {  	lr =	sadd.s32 s0, s3;
	s0 =	sld [smem:$0x3FAE]  }
0x30: {  	s3 =	sld [smem:$0x3FB1]  }
0x31: {  	[smem:$0x3FBA] =	sst s10  }
0x32: {  	s10 =	sld [smem:$0x3FB8];
	_ =	sdelay $0x3  }
0x33: {  	p0 =	seq.s32 s10, $0x1;
	s10 =	sld [smem:$0x3FBA];
	_ =	sdelay $0x3  }
0x34: {  	[smem:$0x3FBA] =	sst s10  }
0x35: {  	s10 =	sld [smem:$0x3FB9];
	_ =	sdelay $0x3  }
0x36: {  	p1 =	seq.s32 s10, $0x1;
	s10 =	sld [smem:$0x3FBA];
	_ =	sdelay $0x3  }
0x37: {  	[smem:$0x3FBA] =	sst s10  }
0x38: {  	s10 =	sld [smem:$0x3FBB]  }
0x39: {  	_ = 	snop;
	(pc) =	sbr.ind lr, $3  }
0x3a: {  	_ = 	snop  }
0x3b: {  	_ = 	snop  }
0x3c: {  	p2 =	seq.s32 s10, $0x1;
	s10 =	sld [smem:$0x3FBA]  }
0x3d: {  	_ =	shalt  }
0x3e: {  	_ =	shalt  }
0x3f: {  	_ =	shalt  }
0x40: {  	_ =	shalt  }
0x41: {  	_ =	shalt  }
0x42: {  	_ =	shalt  }
0x43: {  	_ =	shalt  }
0x44: {  	_ =	shalt  }
0x45: {  	_ =	shalt  }
0x46: {  	_ =	shalt  }
0x47: {  	_ =	shalt  }
0x48: {  	_ =	shalt  }
0x49: {  	_ =	shalt  }
0x4a: {  	_ =	shalt  }
0x4b: {  	_ =	shalt  }
0x4c: {  	_ =	shalt  }
0x4d: {  	_ =	shalt  }
0x4e: {  	_ =	shalt  }
0x4f: {  	_ =	shalt  }
0x50: {  	_ =	shalt  }
0x51: {  	_ =	shalt  }
0x52: {  	_ =	shalt  }
0x53: {  	_ =	shalt  }
0x54: {  	_ =	shalt  }
0x55: {  	_ =	shalt  }
0x56: {  	_ =	shalt  }
0x57: {  	_ =	shalt  }
0x58: {  	_ =	shalt  }
0x59: {  	_ =	shalt  }
0x5a: {  	_ =	shalt  }
0x5b: {  	_ =	shalt  }
0x5c: {  	_ =	shalt  }
0x5d: {  	_ =	shalt  }
0x5e: {  	_ =	shalt  }
0x5f: {  	_ =	shalt  }
0x60: {  	_ =	shalt  }
0x61: {  	_ =	shalt  }
0x62: {  	_ =	shalt  }
0x63: {  	_ =	shalt  }
0x64: {  	_ =	shalt  }
0x65: {  	_ =	shalt  }
0x66: {  	_ =	shalt  }
0x67: {  	_ =	shalt  }
0x68: {  	_ =	shalt  }
0x69: {  	_ =	shalt  }
0x6a: {  	_ =	shalt  }
0x6b: {  	_ =	shalt  }
0x6c: {  	_ =	shalt  }
0x6d: {  	_ =	shalt  }
0x6e: {  	_ =	shalt  }
0x6f: {  	_ =	shalt  }
0x70: {  	_ =	shalt  }
0x71: {  	_ =	shalt  }
0x72: {  	_ =	shalt  }
0x73: {  	_ =	shalt  }
0x74: {  	_ =	shalt  }
0x75: {  	_ =	shalt  }
0x76: {  	_ =	shalt  }
0x77: {  	_ =	shalt  }
0x78: {  	_ =	shalt  }
0x79: {  	_ =	shalt  }
0x7a: {  	_ =	shalt  }
0x7b: {  	_ =	shalt  }
0x7c: {  	_ =	shalt  }
0x7d: {  	_ =	shalt  }
0x7e: {  	_ =	shalt  }
0x7f: {  	_ =	shalt  }
0x80: {  	_ =	shalt  }
0x81: {  	_ =	shalt  }
0x82: {  	_ =	shalt  }
0x83: {  	_ =	shalt  }
0x84: {  	_ =	shalt  }
0x85: {  	_ =	shalt  }
0x86: {  	_ =	shalt  }
0x87: {  	_ =	shalt  }
.Lfunc_end0:
.L_simem_size_0:
called_computation_lowered:
.L_overlay_start_0:
0x88: {  	s2 =	sld [smem:$0x3FD9]  }
0x89: {  	s3 =	sld [smem:$0x3FFE];
	_ =	sdelay $0x1  }
0x8a: {  	s1 =	srdreg.scid  }
0x8b: {  	s0 =	sand.u32 $0x1, s1  }
0x8c: {  	s17 =	sshll.u32 s0, $0xA;
	s2 =	sadd.s32 s3, s2  }
0x8d: {  	s2 =	sadd.s32 s2, s17  }
0x8e: {  	[smem:$0x3FC6] =	sst s2  }
0x8f: {  	_ = 	snop  }
0x90: {  	s2 =	sld [smem:$0x3FC8]  }
0x91: {  	s18 =	sld [smem:$0x3FD0];
	(tm) =	ssettm $0x1  }
0x92: {  	s4 =	sld [smem:$0x3FFB];
	_ =	sdelay $0x3  }
0x93: {  	_ =	strace s4  }
0x94: {  	s4 =	sld [smem:$0x3FFC];
	_ =	sdelay $0x3  }
0x95: {  	_ =	strace s4  }
0x96: {  	s4 =	sld [smem:$0x3FFD];
	_ =	sdelay $0x3  }
0x97: {  	_ =	strace s4  }
0x98: {  	_ =	strace $0x8FFFFFFF  }
0x99: {  	s19 =	sld [smem:$0x3FDB];
	_ =	sdelay $0x1  }
0x9a: {  	s5 =	simm.s32 $_scs_section_size  }
0x9b: {  	s6 =	simm.s32 $_size__tile_overlayer_lowered;
	s7 =	simm.s32 $_tile_overlayer_lowered  }
0x9c: {  	s22 =	simm.s32 $0x1BFF;
	s21 =	sshll.u32 s7, $0x1;
	s4 =	sadd.s32 s5, s19  }
0x9d: {  	s8 =	simm.s32 $0x0;
	s20 =	sshll.u32 s6, $0x1;
	s6 =	sadd.s32 s21, s4  }
0x9e: {  	[timem:s8], [sflag:s22] =	dma.local [hbm:s6], s20  }
0x9f: {  	_ =	swait.ge [sflag:s22], s20  }
0xa0: {  	s5 =	ssub.s32 $0x0, s20;
	[sflag:s22] =	ssyncset.done $0x0  }
0xa1: {  	[sflag:s22] =	ssyncadd.s32 s5;
	_ =	sdelay $0x1  }
0xa2: {  	s23 =	simm.s32 $0x1B8B  }
0xa3: {  	_ =	swait.ge [sflag:s23], $0x1  }
0xa4: {  	[sflag:s23] =	ssyncset.done $0x0  }
0xa5: {  	s25 =	simm.s32 $0x1B8E;
	s24 =	sld [smem:$0x3FFE];
	[sflag:s23] =	ssyncadd.s32 $0xFFFFFFFF  }
0xa6: {  	s26 =	simm.s32 $execute0_lowered;
	[smem:$0x3FD2] =	sst s25  }
0xa7: {  	s6 =	sshll.u32 s26, $0x1;
	_ =	strace $0x80000046;
	[dreg:$0x1] =	wrdreg $0xFFFFFFFF  }
0xa8: {  	s28 =	simm.s32 $_size_execute0_lowered;
	s4 =	sadd.s32 s4, s6;
	[dreg:$0x0] =	wrdreg $0x0  }
0xa9: {  	s6 =	sshll.u32 s28, $0x1;
	[dreg:$0x2] =	wrdreg s4  }
0xaa: {  	[dreg:$0x3] =	wrdreg s6  }
0xab: {  	[dreg:$0x4] =	wrdreg $0xC0  }
0xac: {  	_ =	task [dreg:s8], $0x5FFFF  }
0xad: {  	[dreg:$0x1] =	wrdreg $0xFFFFFFFF  }
0xae: {  	[dreg:$0x0] =	wrdreg $0x60  }
0xaf: {  	[dreg:$0x2] =	wrdreg s2  }
0xb0: {  	[dreg:$0x3] =	wrdreg s24  }
0xb1: {  	[dreg:$0x4] =	wrdreg s18  }
0xb2: {  	[dreg:$0x5] =	wrdreg $0x9  }
0xb3: {  	_ =	task.clear_ibuf [dreg:s8], $0x6FFFF;
	_ =	strace $0x90000046  }
0xb4: {  	s29 =	simm.s32 $0x9;
	_ =	strace $0x80000048  }
0xb5: {  	_ =	swait.ge [sflag:s29], $0x1  }
0xb6: {  	[sflag:s29] =	ssyncadd.s32 $0xFFFFFFFF  }
0xb7: {  	_ =	strace $0x90000048  }
0xb8: {  	_ =	sfence  }
0xb9: {  	s30 =	sld [smem:$0x0];
	_ =	sdelay $0x2  }
0xba: {  	s31 =	sshll.u32 s1, $0xD;
	s1 =	sshrl.u32 s1, $0x2  }
0xbb: {  	s3 =	sand.u32 $0x4000, s31;
	s1 =	sadd.s32 s1, s30  }
0xbc: {  	s0 =	sor.u32 s3, s0;
	s1 =	sshll.u32 s1, $0x11  }
0xbd: {  	s0 =	sor.u32 s1, s0  }
0xbe: {  	s0 =	sadd.s32 $0x8F2B, s0  }
0xbf: {  	[sflag:s0] =	ssyncadd.remote.s32 $0x1  }
0xc0: {  	_ =	sfence.sel $0xFFFF  }
0xc1: {  	[dreg:$0x0] =	wrdreg $0xFFFFFFFF;
	(pc) =	sbr.abs _section_cstart, $3  }
0xc2: {  	[dreg:$0x1] =	wrdreg $0xFFFFFFFF  }
0xc3: {  	_ =	task.clear_ibuf [dreg:s8], $0x2FFFF;
	_ =	strace $0x9FFFFFFF  }
0xc4: {  	(tm) =	ssettm $0x7FFFFFFF  }
0xc5: {  	_ =	shalt  }
tec
execute0_lowered:
.L_overlay_start_1:
0x0: {  	(tag) =	ssettag $0x1  }
0x1: {  	s1 =	rddreg [dreg:$0x0]  }
0x2: {  	s0 =	srdreg.scid;
	s2 =	rddreg [dreg:$0x1]  }
0x3: {  	s15 =	stileid.u32;
	s4 =	rddreg [dreg:$0x2];
	s0 =	sand.u32 $0x1, s0  }
0x4: {  	s3 =	sshll.u32 s15, $0x9;
	s12 =	sadd.s32 $0x5000, s4;
	s26 =	sadd.s32 $0x6000, s4  }
0x5: {  	s28 =	sadd.s32 $0x7000, s4;
	s15 =	sshll.u32 s15, $0x10;
	s5 =	sshll.u32 s0, $0x8  }
0x6: {  	s6 =	ssub.s32 $0x2, s0;
	s7 =	sor.u32 s5, s3;
	s3 =	simm.s32 $0x0  }
0x7: {  	s30 =	sadd.s32 s4, s15;
	s16 =	sadd.s32 s15, s12;
	[smem:$0x7FF] =	sst s3  }
0x8: {  	s17 =	sadd.s32 s15, s26;
	_ =	strace $0x80000047;
	[dreg:$0x12] =	wrdreg s16  }
0x9: {  	s18 =	sadd.s32 s15, s28;
	s19 =	sshrl.u32 s6, $0x1;
	[dreg:$0x13] =	wrdreg s17  }
0xa: {  	s8 =	ssub.s32 s6, s19;
	s19 =	sadd.s32 $0x800, s30;
	[dreg:$0x14] =	wrdreg s18  }
0xb: {  	s21 =	sadd.s32 $0x1000, s4;
	s20 =	sshll.u32 s7, $0x7;
	[dreg:$0x15] =	wrdreg s19  }
0xc: {  	s5 =	sshrl.u32 s7, $0x3;
	s7 =	sadd.s32 s4, s20;
	[dreg:$0xd] =	wrdreg s30  }
0xd: {  	s9 =	sadd.s32 $0x2000, s4;
	s10 =	sadd.s32 s20, s21;
	[dreg:$0x5] =	wrdreg s7  }
0xe: {  	s23 =	sadd.s32 $0x3000, s4;
	s22 =	sadd.s32 s20, s9;
	[dreg:$0x6] =	wrdreg s10  }
0xf: {  	s24 =	sadd.s32 $0x4000, s4;
	s11 =	sadd.s32 s20, s23;
	[dreg:$0x7] =	wrdreg s22  }
0x10: {  	s13 =	sadd.s32 s20, s24;
	[dreg:$0x8] =	wrdreg s11  }
0x11: {  	s25 =	sadd.s32 s20, s12;
	[dreg:$0x9] =	wrdreg s13  }
0x12: {  	s14 =	sadd.s32 s20, s26;
	[dreg:$0xa] =	wrdreg s25  }
0x13: {  	s9 =	sadd.s32 s15, s9;
	[dreg:$0xb] =	wrdreg s14  }
0x14: {  	s2 =	sadd.s32 s5, s2;
	s26 =	sadd.s32 $0x5800, s30;
	[dreg:$0xf] =	wrdreg s9  }
0x15: {  	s31 =	simm.s32 $0x3;
	s2 =	sadd.s32 $0x400, s2;
	[dreg:$0x1a] =	wrdreg s26  }
0x16: {  	s29 =	simm.s32 $0x9;
	s7 =	sadd.s32 s15, s21;
	[dreg:$0x4] =	wrdreg s2  }
0x17: {  	p0 =	sne.s32 s0, $0x0;
	s10 =	sadd.s32 s15, s23;
	[dreg:$0xe] =	wrdreg s7  }
0x18: {  	s0 =	simm.s32 $0x100;
	s11 =	sadd.s32 s15, s24;
	[dreg:$0x10] =	wrdreg s10  }
0x19: {  	s6 =	sadd.s32 $0x200, s1;
	s21 =	sadd.s32 $0x2800, s30;
	[dreg:$0x11] =	wrdreg s11  }
0x1a: {  	s5 =	sadd.s32 $0x100, s1;
	s22 =	sadd.s32 $0x3800, s30;
	[dreg:$0x17] =	wrdreg s21  }
0x1b: {  	s23 =	sadd.s32 $0x300, s1;
	s24 =	sadd.s32 $0x4800, s30;
	[dreg:$0x18] =	wrdreg s22  }
.Ltmp0:
0x1c: {  	s2 =	sadd.s32 s20, s28;
	[dreg:$0x19] =	wrdreg s24;
	(pc) =	sbr.rel .LBB2_1-.Ltmp0, $4  }
0x1d: {  	s25 =	smax.u32 s8, $0x1;
	s20 =	sadd.s32 $0x1800, s30;
	[dreg:$0xc] =	wrdreg s2  }
0x1e: {  	v2 =	vlaneseq.u32;
	s28 =	sadd.s32 $0x6800, s30;
	s30 =	sadd.s32 $0x7800, s30;
	[dreg:$0x16] =	wrdreg s20  }
0x1f: {  	vm0 =	vmmov $0xffff;
	v1 =	vshrl.u32 v2, $0x3;
	v0 =	vand.u32 $0x7, v2;
	s21 =	simm.s32 $0x7;
	s22 =	simm.s32 $0x2;
	[dreg:$0x1b] =	wrdreg s28  }
0x20: {  	v2 =	vor.u32 $0x8, v2;
	v1 =	vmul.u32 $0x8, v1;
	v3 =	vor.u32 $0x8, v0;
	s24 =	simm.s32 $0x8;
	[dreg:$0x1c] =	wrdreg s30;
	s20 =	simm.s32 $0x1  }
.LBB2_3:
0x21: {  	_ =	sdelay $0x2  }
0x22: {  	s0 =	simm.s32 $0x4100  }
0x23: {  	[tilespmem:s0], [sflag:$0x1] =	stream.indirect_vreg.gather [hbm4b:s1+s3], $0x80, v4, vm0, $0xb8;
	[tilespmem:$0x18100] =	vst v63  }
0x24: {  	v5 =	vperm.xlane v5, v3;
	s10 =	simm.s32 $0x4900  }
0x25: {  	[tilespmem:s10], [sflag:$0x1] =	stream.indirect_vreg.gather [hbm4b:s5+s3], $0x80, v4, vm0, $0xb8;
	[tilespmem:$0x18100] =	vst v63  }
0x26: {  	s11 =	simm.s32 $0x5100;
	v5 =	vadd.s32 v1, v5  }
0x27: {  	[tilespmem:s11], [sflag:$0x1] =	stream.indirect_vreg.gather [hbm4b:s6+s3], $0x80, v4, vm0, $0xb8;
	[tilespmem:$0x18100] =	vst v63  }
0x28: {  	s12 =	simm.s32 $0x5900  }
0x29: {  	[tilespmem:s12], [sflag:$0x1] =	stream.indirect_vreg.gather [hbm4b:s23+s3], $0x80, v4, vm0, $0xb8;
	[tilespmem:$0x18100] =	vst v63  }
0x2a: {  	s13 =	simm.s32 $0x6100  }
0x2b: {  	[tilespmem:s13], [sflag:$0x1] =	stream.indirect_vreg.gather [hbm4b:s1+s3], $0x80, v5, vm0, $0xb8;
	[tilespmem:$0x18100] =	vst v63  }
0x2c: {  	s15 =	simm.s32 $0x6900  }
0x2d: {  	[tilespmem:s15], [sflag:$0x1] =	stream.indirect_vreg.gather [hbm4b:s5+s3], $0x80, v5, vm0, $0xb8;
	[tilespmem:$0x18100] =	vst v63  }
0x2e: {  	s16 =	simm.s32 $0x7100  }
0x2f: {  	[tilespmem:s16], [sflag:$0x1] =	stream.indirect_vreg.gather [hbm4b:s6+s3], $0x80, v5, vm0, $0xb8;
	[tilespmem:$0x18100] =	vst v63  }
0x30: {  	s17 =	simm.s32 $0x7900  }
0x31: {  	[tilespmem:s17], [sflag:$0x1] =	stream.indirect_vreg.gather [hbm4b:s23+s3], $0x80, v5, vm0, $0xb8;
	[tilespmem:$0x18100] =	vst v63  }
0x32: {  	v4 =	vld [tilespmem:$0x20];
	_ =	sdelay $0x4  }
0x33: {  	v5 =	vshll.u32 v4, $0x3  }
0x34: {  	v4 =	vand.u32 $0x7, v4;
	v5 =	vand.u32 $0xFFFFFFC0, v5  }
0x35: {  	v4 =	vor.u32 v4, v5  }
0x36: {  	v5 =	vperm.xlane v4, v0;
	_ =	sdelay $0x1  }
0x37: {  	v5 =	vadd.s32 v1, v5;
	_ =	sdelay $0x3  }
0x38: {  	s19 =	simm.s32 $0x8100  }
0x39: {  	[tilespmem:s19], [sflag:$0x2] =	stream.indirect_vreg.gather [hbm4b:s1+s3], $0x80, v5, vm0, $0xb8;
	[tilespmem:$0x18100] =	vst v63  }
0x3a: {  	s18 =	simm.s32 $0x8900;
	v4 =	vperm.xlane v4, v3  }
0x3b: {  	[tilespmem:s18], [sflag:$0x2] =	stream.indirect_vreg.gather [hbm4b:s5+s3], $0x80, v5, vm0, $0xb8;
	[tilespmem:$0x18100] =	vst v63  }
0x3c: {  	s26 =	simm.s32 $0x9100;
	v4 =	vadd.s32 v1, v4  }
0x3d: {  	[tilespmem:s26], [sflag:$0x2] =	stream.indirect_vreg.gather [hbm4b:s6+s3], $0x80, v5, vm0, $0xb8;
	[tilespmem:$0x18100] =	vst v63  }
0x3e: {  	s28 =	simm.s32 $0x9900  }
0x3f: {  	[tilespmem:s28], [sflag:$0x2] =	stream.indirect_vreg.gather [hbm4b:s23+s3], $0x80, v5, vm0, $0xb8;
	[tilespmem:$0x18100] =	vst v63  }
0x40: {  	s30 =	simm.s32 $0xA100  }
0x41: {  	[tilespmem:s30], [sflag:$0x2] =	stream.indirect_vreg.gather [hbm4b:s1+s3], $0x80, v4, vm0, $0xb8;
	[tilespmem:$0x18100] =	vst v63  }
0x42: {  	s2 =	simm.s32 $0xA900  }
0x43: {  	[tilespmem:s2], [sflag:$0x2] =	stream.indirect_vreg.gather [hbm4b:s5+s3], $0x80, v4, vm0, $0xb8;
	[tilespmem:$0x18100] =	vst v63  }
0x44: {  	s4 =	simm.s32 $0xB100  }
0x45: {  	[tilespmem:s4], [sflag:$0x2] =	stream.indirect_vreg.gather [hbm4b:s6+s3], $0x80, v4, vm0, $0xb8;
	[tilespmem:$0x18100] =	vst v63  }
0x46: {  	s7 =	simm.s32 $0xB900  }
0x47: {  	[tilespmem:s7], [sflag:$0x2] =	stream.indirect_vreg.gather [hbm4b:s23+s3], $0x80, v4, vm0, $0xb8;
	[tilespmem:$0x18100] =	vst v63  }
0x48: {  	v4 =	vld [tilespmem:$0x30];
	_ =	sdelay $0x4  }
0x49: {  	v5 =	vshll.u32 v4, $0x3  }
0x4a: {  	v4 =	vand.u32 $0x7, v4;
	v5 =	vand.u32 $0xFFFFFFC0, v5  }
0x4b: {  	v4 =	vor.u32 v4, v5  }
0x4c: {  	v5 =	vperm.xlane v4, v0;
	_ =	sdelay $0x1  }
0x4d: {  	v5 =	vadd.s32 v1, v5;
	_ =	sdelay $0x3  }
0x4e: {  	s8 =	simm.s32 $0xC100  }
0x4f: {  	[tilespmem:s8], [sflag:$0x2] =	stream.indirect_vreg.gather [hbm4b:s1+s3], $0x80, v5, vm0, $0xb8;
	[tilespmem:$0x18100] =	vst v63  }
0x50: {  	s9 =	simm.s32 $0xC900;
	v4 =	vperm.xlane v4, v3  }
0x51: {  	[tilespmem:s9], [sflag:$0x2] =	stream.indirect_vreg.gather [hbm4b:s5+s3], $0x80, v5, vm0, $0xb8;
	[tilespmem:$0x18100] =	vst v63  }
0x52: {  	s10 =	simm.s32 $0xD100;
	v4 =	vadd.s32 v1, v4  }
0x53: {  	[tilespmem:s10], [sflag:$0x2] =	stream.indirect_vreg.gather [hbm4b:s6+s3], $0x80, v5, vm0, $0xb8;
	[tilespmem:$0x18100] =	vst v63  }
0x54: {  	s11 =	simm.s32 $0xD900  }
0x55: {  	[tilespmem:s11], [sflag:$0x2] =	stream.indirect_vreg.gather [hbm4b:s23+s3], $0x80, v5, vm0, $0xb8;
	[tilespmem:$0x18100] =	vst v63  }
0x56: {  	s12 =	simm.s32 $0xE100  }
0x57: {  	[tilespmem:s12], [sflag:$0x2] =	stream.indirect_vreg.gather [hbm4b:s1+s3], $0x80, v4, vm0, $0xb8;
	[tilespmem:$0x18100] =	vst v63  }
0x58: {  	s13 =	simm.s32 $0xE900  }
0x59: {  	[tilespmem:s13], [sflag:$0x2] =	stream.indirect_vreg.gather [hbm4b:s5+s3], $0x80, v4, vm0, $0xb8;
	[tilespmem:$0x18100] =	vst v63  }
0x5a: {  	s15 =	simm.s32 $0xF100  }
0x5b: {  	[tilespmem:s15], [sflag:$0x2] =	stream.indirect_vreg.gather [hbm4b:s6+s3], $0x80, v4, vm0, $0xb8;
	[tilespmem:$0x18100] =	vst v63  }
0x5c: {  	s16 =	simm.s32 $0xF900  }
0x5d: {  	[tilespmem:s16], [sflag:$0x2] =	stream.indirect_vreg.gather [hbm4b:s23+s3], $0x80, v4, vm0, $0xb8;
	[tilespmem:$0x18100] =	vst v63  }
0x5e: {  	v4 =	vld [tilespmem:$0x40];
	_ =	sdelay $0x4  }
0x5f: {  	v5 =	vshll.u32 v4, $0x3  }
0x60: {  	v4 =	vand.u32 $0x7, v4;
	v5 =	vand.u32 $0xFFFFFFC0, v5  }
0x61: {  	v4 =	vor.u32 v4, v5  }
0x62: {  	v5 =	vperm.xlane v4, v0;
	_ =	sdelay $0x1  }
0x63: {  	v5 =	vadd.s32 v1, v5;
	_ =	sdelay $0x3  }
0x64: {  	s17 =	simm.s32 $0x10100  }
0x65: {  	[tilespmem:s17], [sflag:$0x3] =	stream.indirect_vreg.gather [hbm4b:s1+s3], $0x80, v5, vm0, $0xb8;
	[tilespmem:$0x18100] =	vst v63  }
0x66: {  	s18 =	simm.s32 $0x10900;
	v4 =	vperm.xlane v4, v3  }
0x67: {  	[tilespmem:s18], [sflag:$0x3] =	stream.indirect_vreg.gather [hbm4b:s5+s3], $0x80, v5, vm0, $0xb8;
	[tilespmem:$0x18100] =	vst v63  }
0x68: {  	v4 =	vadd.s32 v1, v4;
	s18 =	simm.s32 $0x11100  }
0x69: {  	[tilespmem:s18], [sflag:$0x3] =	stream.indirect_vreg.gather [hbm4b:s6+s3], $0x80, v5, vm0, $0xb8;
	[tilespmem:$0x18100] =	vst v63  }
0x6a: {  	s8 =	simm.s32 $0x11900  }
0x6b: {  	[tilespmem:s8], [sflag:$0x3] =	stream.indirect_vreg.gather [hbm4b:s23+s3], $0x80, v5, vm0, $0xb8;
	[tilespmem:$0x18100] =	vst v63  }
0x6c: {  	s2 =	simm.s32 $0x12100  }
0x6d: {  	[tilespmem:s2], [sflag:$0x3] =	stream.indirect_vreg.gather [hbm4b:s1+s3], $0x80, v4, vm0, $0xb8;
	[tilespmem:$0x18100] =	vst v63  }
0x6e: {  	s4 =	simm.s32 $0x12900  }
0x6f: {  	[tilespmem:s4], [sflag:$0x3] =	stream.indirect_vreg.gather [hbm4b:s5+s3], $0x80, v4, vm0, $0xb8;
	[tilespmem:$0x18100] =	vst v63  }
0x70: {  	s7 =	simm.s32 $0x13100  }
0x71: {  	[tilespmem:s7], [sflag:$0x3] =	stream.indirect_vreg.gather [hbm4b:s6+s3], $0x80, v4, vm0, $0xb8;
	[tilespmem:$0x18100] =	vst v63  }
0x72: {  	s26 =	simm.s32 $0x13900  }
0x73: {  	[tilespmem:s26], [sflag:$0x3] =	stream.indirect_vreg.gather [hbm4b:s23+s3], $0x80, v4, vm0, $0xb8;
	[tilespmem:$0x18100] =	vst v63  }
0x74: {  	v4 =	vld [tilespmem:$0x50];
	_ =	sdelay $0x4  }
0x75: {  	v5 =	vshll.u32 v4, $0x3  }
0x76: {  	v4 =	vand.u32 $0x7, v4;
	v5 =	vand.u32 $0xFFFFFFC0, v5  }
0x77: {  	v4 =	vor.u32 v4, v5  }
0x78: {  	v5 =	vperm.xlane v4, v0;
	_ =	sdelay $0x1  }
0x79: {  	v5 =	vadd.s32 v1, v5;
	_ =	sdelay $0x3  }
0x7a: {  	s13 =	simm.s32 $0x14100  }
0x7b: {  	[tilespmem:s13], [sflag:$0x3] =	stream.indirect_vreg.gather [hbm4b:s1+s3], $0x80, v5, vm0, $0xb8;
	[tilespmem:$0x18100] =	vst v63  }
0x7c: {  	s12 =	simm.s32 $0x14900;
	v4 =	vperm.xlane v4, v3  }
0x7d: {  	[tilespmem:s12], [sflag:$0x3] =	stream.indirect_vreg.gather [hbm4b:s5+s3], $0x80, v5, vm0, $0xb8;
	[tilespmem:$0x18100] =	vst v63  }
0x7e: {  	s11 =	simm.s32 $0x15100;
	v4 =	vadd.s32 v1, v4  }
0x7f: {  	[tilespmem:s11], [sflag:$0x3] =	stream.indirect_vreg.gather [hbm4b:s6+s3], $0x80, v5, vm0, $0xb8;
	[tilespmem:$0x18100] =	vst v63  }
0x80: {  	s7 =	simm.s32 $0x15900  }
0x81: {  	[tilespmem:s7], [sflag:$0x3] =	stream.indirect_vreg.gather [hbm4b:s23+s3], $0x80, v5, vm0, $0xb8;
	[tilespmem:$0x18100] =	vst v63  }
0x82: {  	s9 =	simm.s32 $0x16100  }
0x83: {  	[tilespmem:s9], [sflag:$0x3] =	stream.indirect_vreg.gather [hbm4b:s1+s3], $0x80, v4, vm0, $0xb8;
	[tilespmem:$0x18100] =	vst v63  }
0x84: {  	s17 =	simm.s32 $0x16900  }
0x85: {  	[tilespmem:s17], [sflag:$0x3] =	stream.indirect_vreg.gather [hbm4b:s5+s3], $0x80, v4, vm0, $0xb8;
	[tilespmem:$0x18100] =	vst v63  }
0x86: {  	s15 =	simm.s32 $0x17100  }
0x87: {  	[tilespmem:s15], [sflag:$0x3] =	stream.indirect_vreg.gather [hbm4b:s6+s3], $0x80, v4, vm0, $0xb8;
	[tilespmem:$0x18100] =	vst v63  }
0x88: {  	s16 =	simm.s32 $0x17900  }
0x89: {  	[tilespmem:s16], [sflag:$0x3] =	stream.indirect_vreg.gather [hbm4b:s23+s3], $0x80, v4, vm0, $0xb8;
	[tilespmem:$0x18100] =	vst v63  }
0x8a: {  	_ =	swait.ge [sflag:s20], $0x8000  }
0x8b: {  	[sflag:s20] =	ssyncset.done $0x0  }
0x8c: {  	s9 =	rddreg [dreg:$0x5];
	[sflag:s20] =	ssyncadd.s32 $0xFFFF8000  }
0x8d: {  	[hbm4b:s9+s3] =	stream.linear.scatter [tilespmem:s14], [sflag:$0x7], $0x8000, $0x38;
	[tilespmem:$0x18100] =	vst v63  }
0x8e: {  	_ =	swait.ge [sflag:s21], $0x8000  }
0x8f: {  	[sflag:s21] =	ssyncset.done $0x0  }
0x90: {  	[sflag:s21] =	ssyncadd.s32 $0xFFFF8000  }
0x91: {  	v4 =	vld [tilespmem:$0x60];
	_ =	sdelay $0x4  }
0x92: {  	v5 =	vshll.u32 v4, $0x3  }
0x93: {  	v4 =	vand.u32 $0x7, v4;
	v5 =	vand.u32 $0xFFFFFFC0, v5  }
0x94: {  	v4 =	vor.u32 v4, v5  }
0x95: {  	v5 =	vperm.xlane v4, v0;
	_ =	sdelay $0x1  }
0x96: {  	v5 =	vadd.s32 v1, v5;
	_ =	sdelay $0x4  }
0x97: {  	[tilespmem:s14], [sflag:$0x1] =	stream.indirect_vreg.gather [hbm4b:s1+s3], $0x80, v5, vm0, $0xb8;
	[tilespmem:$0x18100] =	vst v63  }
0x98: {  	s26 =	simm.s32 $0x900;
	v4 =	vperm.xlane v4, v3  }
0x99: {  	[tilespmem:s26], [sflag:$0x1] =	stream.indirect_vreg.gather [hbm4b:s5+s3], $0x80, v5, vm0, $0xb8;
	[tilespmem:$0x18100] =	vst v63  }
0x9a: {  	s29 =	simm.s32 $0x1100;
	v4 =	vadd.s32 v1, v4  }
0x9b: {  	[tilespmem:s29], [sflag:$0x1] =	stream.indirect_vreg.gather [hbm4b:s6+s3], $0x80, v5, vm0, $0xb8;
	[tilespmem:$0x18100] =	vst v63  }
0x9c: {  	s10 =	simm.s32 $0x1900  }
0x9d: {  	[tilespmem:s10], [sflag:$0x1] =	stream.indirect_vreg.gather [hbm4b:s23+s3], $0x80, v5, vm0, $0xb8;
	[tilespmem:$0x18100] =	vst v63  }
0x9e: {  	s30 =	simm.s32 $0x2100  }
0x9f: {  	[tilespmem:s30], [sflag:$0x1] =	stream.indirect_vreg.gather [hbm4b:s1+s3], $0x80, v4, vm0, $0xb8;
	[tilespmem:$0x18100] =	vst v63  }
0xa0: {  	s31 =	simm.s32 $0x2900  }
0xa1: {  	[tilespmem:s31], [sflag:$0x1] =	stream.indirect_vreg.gather [hbm4b:s5+s3], $0x80, v4, vm0, $0xb8;
	[tilespmem:$0x18100] =	vst v63  }
0xa2: {  	s28 =	simm.s32 $0x3100  }
0xa3: {  	[tilespmem:s28], [sflag:$0x1] =	stream.indirect_vreg.gather [hbm4b:s6+s3], $0x80, v4, vm0, $0xb8;
	[tilespmem:$0x18100] =	vst v63  }
0xa4: {  	s0 =	simm.s32 $0x3900  }
0xa5: {  	[tilespmem:s0], [sflag:$0x1] =	stream.indirect_vreg.gather [hbm4b:s23+s3], $0x80, v4, vm0, $0xb8;
	[tilespmem:$0x18100] =	vst v63  }
0xa6: {  	v4 =	vld [tilespmem:$0x70];
	_ =	sdelay $0x4  }
0xa7: {  	v5 =	vshll.u32 v4, $0x3  }
0xa8: {  	v4 =	vand.u32 $0x7, v4;
	v5 =	vand.u32 $0xFFFFFFC0, v5  }
0xa9: {  	v4 =	vor.u32 v4, v5  }
0xaa: {  	v5 =	vperm.xlane v4, v0;
	_ =	sdelay $0x1  }
0xab: {  	v5 =	vadd.s32 v1, v5;
	_ =	sdelay $0x3  }
0xac: {  	s0 =	simm.s32 $0x4100  }
0xad: {  	[tilespmem:s0], [sflag:$0x1] =	stream.indirect_vreg.gather [hbm4b:s1+s3], $0x80, v5, vm0, $0xb8;
	[tilespmem:$0x18100] =	vst v63  }
0xae: {  	s10 =	simm.s32 $0x4900;
	v4 =	vperm.xlane v4, v3  }
0xaf: {  	[tilespmem:s10], [sflag:$0x1] =	stream.indirect_vreg.gather [hbm4b:s5+s3], $0x80, v5, vm0, $0xb8;
	[tilespmem:$0x18100] =	vst v63  }
0xb0: {  	s28 =	simm.s32 $0x5100;
	v4 =	vadd.s32 v1, v4  }
0xb1: {  	[tilespmem:s28], [sflag:$0x1] =	stream.indirect_vreg.gather [hbm4b:s6+s3], $0x80, v5, vm0, $0xb8;
	[tilespmem:$0x18100] =	vst v63  }
0xb2: {  	s0 =	simm.s32 $0x5900  }
0xb3: {  	[tilespmem:s0], [sflag:$0x1] =	stream.indirect_vreg.gather [hbm4b:s23+s3], $0x80, v5, vm0, $0xb8;
	[tilespmem:$0x18100] =	vst v63  }
0xb4: {  	s10 =	simm.s32 $0x6100  }
0xb5: {  	[tilespmem:s10], [sflag:$0x1] =	stream.indirect_vreg.gather [hbm4b:s1+s3], $0x80, v4, vm0, $0xb8;
	[tilespmem:$0x18100] =	vst v63  }
0xb6: {  	s28 =	simm.s32 $0x6900  }
0xb7: {  	[tilespmem:s28], [sflag:$0x1] =	stream.indirect_vreg.gather [hbm4b:s5+s3], $0x80, v4, vm0, $0xb8;
	[tilespmem:$0x18100] =	vst v63  }
0xb8: {  	s0 =	simm.s32 $0x7100  }
0xb9: {  	[tilespmem:s0], [sflag:$0x1] =	stream.indirect_vreg.gather [hbm4b:s6+s3], $0x80, v4, vm0, $0xb8;
	[tilespmem:$0x18100] =	vst v63  }
0xba: {  	s10 =	simm.s32 $0x7900  }
0xbb: {  	[tilespmem:s10], [sflag:$0x1] =	stream.indirect_vreg.gather [hbm4b:s23+s3], $0x80, v4, vm0, $0xb8;
	[tilespmem:$0x18100] =	vst v63  }
0xbc: {  	_ =	swait.ge [sflag:s22], $0x8000  }
0xbd: {  	[sflag:s22] =	ssyncset.done $0x0  }
0xbe: {  	s28 =	rddreg [dreg:$0x6];
	[sflag:s22] =	ssyncadd.s32 $0xFFFF8000  }
0xbf: {  	[hbm4b:s28+s3] =	stream.linear.scatter [tilespmem:s19], [sflag:$0x8], $0x8000, $0x38;
	[tilespmem:$0x18100] =	vst v63  }
0xc0: {  	_ =	swait.ge [sflag:s24], $0x8000  }
0xc1: {  	[sflag:s24] =	ssyncset.done $0x0  }
0xc2: {  	[sflag:s24] =	ssyncadd.s32 $0xFFFF8000  }
0xc3: {  	v4 =	vld [tilespmem:$0x80];
	_ =	sdelay $0x4  }
0xc4: {  	v5 =	vshll.u32 v4, $0x3  }
0xc5: {  	v4 =	vand.u32 $0x7, v4;
	v5 =	vand.u32 $0xFFFFFFC0, v5  }
0xc6: {  	v4 =	vor.u32 v4, v5  }
0xc7: {  	v5 =	vperm.xlane v4, v0;
	_ =	sdelay $0x1  }
0xc8: {  	v5 =	vadd.s32 v1, v5;
	_ =	sdelay $0x4  }
0xc9: {  	[tilespmem:s19], [sflag:$0x2] =	stream.indirect_vreg.gather [hbm4b:s1+s3], $0x80, v5, vm0, $0xb8;
	[tilespmem:$0x18100] =	vst v63  }
0xca: {  	s0 =	simm.s32 $0x8900;
	v4 =	vperm.xlane v4, v3  }
0xcb: {  	[tilespmem:s0], [sflag:$0x2] =	stream.indirect_vreg.gather [hbm4b:s5+s3], $0x80, v5, vm0, $0xb8;
	[tilespmem:$0x18100] =	vst v63  }
0xcc: {  	s10 =	simm.s32 $0x9100;
	v4 =	vadd.s32 v1, v4  }
0xcd: {  	[tilespmem:s10], [sflag:$0x2] =	stream.indirect_vreg.gather [hbm4b:s6+s3], $0x80, v5, vm0, $0xb8;
	[tilespmem:$0x18100] =	vst v63  }
0xce: {  	s28 =	simm.s32 $0x9900  }
0xcf: {  	[tilespmem:s28], [sflag:$0x2] =	stream.indirect_vreg.gather [hbm4b:s23+s3], $0x80, v5, vm0, $0xb8;
	[tilespmem:$0x18100] =	vst v63  }
0xd0: {  	s0 =	simm.s32 $0xA100  }
0xd1: {  	[tilespmem:s0], [sflag:$0x2] =	stream.indirect_vreg.gather [hbm4b:s1+s3], $0x80, v4, vm0, $0xb8;
	[tilespmem:$0x18100] =	vst v63  }
0xd2: {  	s0 =	simm.s32 $0xA900  }
0xd3: {  	[tilespmem:s0], [sflag:$0x2] =	stream.indirect_vreg.gather [hbm4b:s5+s3], $0x80, v4, vm0, $0xb8;
	[tilespmem:$0x18100] =	vst v63  }
0xd4: {  	s0 =	simm.s32 $0xB100  }
0xd5: {  	[tilespmem:s0], [sflag:$0x2] =	stream.indirect_vreg.gather [hbm4b:s6+s3], $0x80, v4, vm0, $0xb8;
	[tilespmem:$0x18100] =	vst v63  }
0xd6: {  	s0 =	simm.s32 $0xB900  }
0xd7: {  	[tilespmem:s0], [sflag:$0x2] =	stream.indirect_vreg.gather [hbm4b:s23+s3], $0x80, v4, vm0, $0xb8;
	[tilespmem:$0x18100] =	vst v63  }
0xd8: {  	v4 =	vld [tilespmem:$0x90];
	_ =	sdelay $0x4  }
0xd9: {  	v5 =	vshll.u32 v4, $0x3  }
0xda: {  	v4 =	vand.u32 $0x7, v4;
	v5 =	vand.u32 $0xFFFFFFC0, v5  }
0xdb: {  	v4 =	vor.u32 v4, v5  }
0xdc: {  	v5 =	vperm.xlane v4, v0;
	_ =	sdelay $0x1  }
0xdd: {  	v5 =	vadd.s32 v1, v5;
	_ =	sdelay $0x3  }
0xde: {  	s0 =	simm.s32 $0xC100  }
0xdf: {  	[tilespmem:s0], [sflag:$0x2] =	stream.indirect_vreg.gather [hbm4b:s1+s3], $0x80, v5, vm0, $0xb8;
	[tilespmem:$0x18100] =	vst v63  }
0xe0: {  	v4 =	vperm.xlane v4, v3;
	s0 =	simm.s32 $0xC900  }
0xe1: {  	[tilespmem:s0], [sflag:$0x2] =	stream.indirect_vreg.gather [hbm4b:s5+s3], $0x80, v5, vm0, $0xb8;
	[tilespmem:$0x18100] =	vst v63  }
0xe2: {  	v4 =	vadd.s32 v1, v4;
	s0 =	simm.s32 $0xD100  }
0xe3: {  	[tilespmem:s0], [sflag:$0x2] =	stream.indirect_vreg.gather [hbm4b:s6+s3], $0x80, v5, vm0, $0xb8;
	[tilespmem:$0x18100] =	vst v63  }
0xe4: {  	s0 =	simm.s32 $0xD900  }
0xe5: {  	[tilespmem:s0], [sflag:$0x2] =	stream.indirect_vreg.gather [hbm4b:s23+s3], $0x80, v5, vm0, $0xb8;
	[tilespmem:$0x18100] =	vst v63  }
0xe6: {  	s0 =	simm.s32 $0xE100  }
0xe7: {  	[tilespmem:s0], [sflag:$0x2] =	stream.indirect_vreg.gather [hbm4b:s1+s3], $0x80, v4, vm0, $0xb8;
	[tilespmem:$0x18100] =	vst v63  }
0xe8: {  	s0 =	simm.s32 $0xE900  }
0xe9: {  	[tilespmem:s0], [sflag:$0x2] =	stream.indirect_vreg.gather [hbm4b:s5+s3], $0x80, v4, vm0, $0xb8;
	[tilespmem:$0x18100] =	vst v63  }
0xea: {  	s0 =	simm.s32 $0xF100  }
0xeb: {  	[tilespmem:s0], [sflag:$0x2] =	stream.indirect_vreg.gather [hbm4b:s6+s3], $0x80, v4, vm0, $0xb8;
	[tilespmem:$0x18100] =	vst v63  }
0xec: {  	s31 =	simm.s32 $0x3;
	s0 =	simm.s32 $0xF900  }
0xed: {  	[tilespmem:s0], [sflag:$0x2] =	stream.indirect_vreg.gather [hbm4b:s23+s3], $0x80, v4, vm0, $0xb8;
	[tilespmem:$0x18100] =	vst v63  }
0xee: {  	_ =	swait.ge [sflag:s31], $0x8000  }
0xef: {  	s29 =	simm.s32 $0x9;
	[sflag:s31] =	ssyncset.done $0x0  }
0xf0: {  	s0 =	simm.s32 $0x10100;
	s9 =	rddreg [dreg:$0x7];
	[sflag:s31] =	ssyncadd.s32 $0xFFFF8000  }
0xf1: {  	[hbm4b:s9+s3] =	stream.linear.scatter [tilespmem:s0], [sflag:$0x9], $0x8000, $0x38;
	[tilespmem:$0x18100] =	vst v63  }
0xf2: {  	_ =	swait.ge [sflag:s29], $0x8000  }
0xf3: {  	[sflag:s29] =	ssyncset.done $0x0  }
0xf4: {  	[sflag:s29] =	ssyncadd.s32 $0xFFFF8000  }
0xf5: {  	v4 =	vld [tilespmem:$0xA0];
	_ =	sdelay $0x4  }
0xf6: {  	v5 =	vshll.u32 v4, $0x3  }
0xf7: {  	v4 =	vand.u32 $0x7, v4;
	v5 =	vand.u32 $0xFFFFFFC0, v5  }
0xf8: {  	v4 =	vor.u32 v4, v5  }
0xf9: {  	v5 =	vperm.xlane v4, v0;
	_ =	sdelay $0x1  }
0xfa: {  	v5 =	vadd.s32 v1, v5;
	_ =	sdelay $0x4  }
0xfb: {  	[tilespmem:s0], [sflag:$0x3] =	stream.indirect_vreg.gather [hbm4b:s1+s3], $0x80, v5, vm0, $0xb8;
	[tilespmem:$0x18100] =	vst v63  }
0xfc: {  	s9 =	simm.s32 $0x10900;
	v4 =	vperm.xlane v4, v3  }
0xfd: {  	[tilespmem:s9], [sflag:$0x3] =	stream.indirect_vreg.gather [hbm4b:s5+s3], $0x80, v5, vm0, $0xb8;
	[tilespmem:$0x18100] =	vst v63  }
0xfe: {  	v4 =	vadd.s32 v1, v4  }
0xff: {  	[tilespmem:s18], [sflag:$0x3] =	stream.indirect_vreg.gather [hbm4b:s6+s3], $0x80, v5, vm0, $0xb8;
	[tilespmem:$0x18100] =	vst v63  }
0x100: {  	_ = 	snop  }
0x101: {  	[tilespmem:s8], [sflag:$0x3] =	stream.indirect_vreg.gather [hbm4b:s23+s3], $0x80, v5, vm0, $0xb8;
	[tilespmem:$0x18100] =	vst v63  }
0x102: {  	_ = 	snop  }
0x103: {  	[tilespmem:s2], [sflag:$0x3] =	stream.indirect_vreg.gather [hbm4b:s1+s3], $0x80, v4, vm0, $0xb8;
	[tilespmem:$0x18100] =	vst v63  }
0x104: {  	_ = 	snop  }
0x105: {  	[tilespmem:s4], [sflag:$0x3] =	stream.indirect_vreg.gather [hbm4b:s5+s3], $0x80, v4, vm0, $0xb8;
	[tilespmem:$0x18100] =	vst v63  }
0x106: {  	s8 =	simm.s32 $0x13100  }
0x107: {  	[tilespmem:s8], [sflag:$0x3] =	stream.indirect_vreg.gather [hbm4b:s6+s3], $0x80, v4, vm0, $0xb8;
	[tilespmem:$0x18100] =	vst v63  }
0x108: {  	s9 =	simm.s32 $0x13900  }
0x109: {  	[tilespmem:s9], [sflag:$0x3] =	stream.indirect_vreg.gather [hbm4b:s23+s3], $0x80, v4, vm0, $0xb8;
	[tilespmem:$0x18100] =	vst v63  }
0x10a: {  	v4 =	vld [tilespmem:$0xB0];
	_ =	sdelay $0x4  }
0x10b: {  	v5 =	vshll.u32 v4, $0x3  }
0x10c: {  	v4 =	vand.u32 $0x7, v4;
	v5 =	vand.u32 $0xFFFFFFC0, v5  }
0x10d: {  	v4 =	vor.u32 v4, v5  }
0x10e: {  	v5 =	vperm.xlane v4, v0;
	_ =	sdelay $0x1  }
0x10f: {  	v5 =	vadd.s32 v1, v5;
	_ =	sdelay $0x4  }
0x110: {  	[tilespmem:s13], [sflag:$0x3] =	stream.indirect_vreg.gather [hbm4b:s1+s3], $0x80, v5, vm0, $0xb8;
	[tilespmem:$0x18100] =	vst v63  }
0x111: {  	v4 =	vperm.xlane v4, v3  }
0x112: {  	[tilespmem:s12], [sflag:$0x3] =	stream.indirect_vreg.gather [hbm4b:s5+s3], $0x80, v5, vm0, $0xb8;
	[tilespmem:$0x18100] =	vst v63  }
0x113: {  	v4 =	vadd.s32 v1, v4  }
0x114: {  	[tilespmem:s11], [sflag:$0x3] =	stream.indirect_vreg.gather [hbm4b:s6+s3], $0x80, v5, vm0, $0xb8;
	[tilespmem:$0x18100] =	vst v63  }
0x115: {  	_ = 	snop  }
0x116: {  	[tilespmem:s7], [sflag:$0x3] =	stream.indirect_vreg.gather [hbm4b:s23+s3], $0x80, v5, vm0, $0xb8;
	[tilespmem:$0x18100] =	vst v63  }
0x117: {  	s13 =	simm.s32 $0x16100  }
0x118: {  	[tilespmem:s13], [sflag:$0x3] =	stream.indirect_vreg.gather [hbm4b:s1+s3], $0x80, v4, vm0, $0xb8;
	[tilespmem:$0x18100] =	vst v63  }
0x119: {  	_ = 	snop  }
0x11a: {  	[tilespmem:s17], [sflag:$0x3] =	stream.indirect_vreg.gather [hbm4b:s5+s3], $0x80, v4, vm0, $0xb8;
	[tilespmem:$0x18100] =	vst v63  }
0x11b: {  	_ = 	snop  }
0x11c: {  	[tilespmem:s15], [sflag:$0x3] =	stream.indirect_vreg.gather [hbm4b:s6+s3], $0x80, v4, vm0, $0xb8;
	[tilespmem:$0x18100] =	vst v63  }
0x11d: {  	_ = 	snop  }
0x11e: {  	[tilespmem:s16], [sflag:$0x3] =	stream.indirect_vreg.gather [hbm4b:s23+s3], $0x80, v4, vm0, $0xb8;
	[tilespmem:$0x18100] =	vst v63  }
0x11f: {  	_ =	swait.ge [sflag:s20], $0x8000  }
0x120: {  	[sflag:s20] =	ssyncset.done $0x0  }
0x121: {  	s16 =	rddreg [dreg:$0x8];
	[sflag:s20] =	ssyncadd.s32 $0xFFFF8000  }
0x122: {  	[hbm4b:s16+s3] =	stream.linear.scatter [tilespmem:s14], [sflag:$0x7], $0x8000, $0x38;
	[tilespmem:$0x18100] =	vst v63  }
0x123: {  	_ =	swait.ge [sflag:s21], $0x8000  }
0x124: {  	[sflag:s21] =	ssyncset.done $0x0  }
0x125: {  	[sflag:s21] =	ssyncadd.s32 $0xFFFF8000  }
0x126: {  	v4 =	vld [tilespmem:$0xC0];
	_ =	sdelay $0x4  }
0x127: {  	v5 =	vshll.u32 v4, $0x3  }
0x128: {  	v4 =	vand.u32 $0x7, v4;
	v5 =	vand.u32 $0xFFFFFFC0, v5  }
0x129: {  	v4 =	vor.u32 v4, v5  }
0x12a: {  	v5 =	vperm.xlane v4, v0;
	_ =	sdelay $0x1  }
0x12b: {  	v5 =	vadd.s32 v1, v5;
	_ =	sdelay $0x4  }
0x12c: {  	[tilespmem:s14], [sflag:$0x1] =	stream.indirect_vreg.gather [hbm4b:s1+s3], $0x80, v5, vm0, $0xb8;
	[tilespmem:$0x18100] =	vst v63  }
0x12d: {  	s17 =	simm.s32 $0x900;
	v4 =	vperm.xlane v4, v3  }
0x12e: {  	[tilespmem:s17], [sflag:$0x1] =	stream.indirect_vreg.gather [hbm4b:s5+s3], $0x80, v5, vm0, $0xb8;
	[tilespmem:$0x18100] =	vst v63  }
0x12f: {  	s18 =	simm.s32 $0x1100;
	v4 =	vadd.s32 v1, v4  }
0x130: {  	[tilespmem:s18], [sflag:$0x1] =	stream.indirect_vreg.gather [hbm4b:s6+s3], $0x80, v5, vm0, $0xb8;
	[tilespmem:$0x18100] =	vst v63  }
0x131: {  	s26 =	simm.s32 $0x1900  }
0x132: {  	[tilespmem:s26], [sflag:$0x1] =	stream.indirect_vreg.gather [hbm4b:s23+s3], $0x80, v5, vm0, $0xb8;
	[tilespmem:$0x18100] =	vst v63  }
0x133: {  	s4 =	simm.s32 $0x2100  }
0x134: {  	[tilespmem:s4], [sflag:$0x1] =	stream.indirect_vreg.gather [hbm4b:s1+s3], $0x80, v4, vm0, $0xb8;
	[tilespmem:$0x18100] =	vst v63  }
0x135: {  	s30 =	simm.s32 $0x2900  }
0x136: {  	[tilespmem:s30], [sflag:$0x1] =	stream.indirect_vreg.gather [hbm4b:s5+s3], $0x80, v4, vm0, $0xb8;
	[tilespmem:$0x18100] =	vst v63  }
0x137: {  	s7 =	simm.s32 $0x3100  }
0x138: {  	[tilespmem:s7], [sflag:$0x1] =	stream.indirect_vreg.gather [hbm4b:s6+s3], $0x80, v4, vm0, $0xb8;
	[tilespmem:$0x18100] =	vst v63  }
0x139: {  	s8 =	simm.s32 $0x3900  }
0x13a: {  	[tilespmem:s8], [sflag:$0x1] =	stream.indirect_vreg.gather [hbm4b:s23+s3], $0x80, v4, vm0, $0xb8;
	[tilespmem:$0x18100] =	vst v63  }
0x13b: {  	v4 =	vld [tilespmem:$0xD0];
	_ =	sdelay $0x4  }
0x13c: {  	v5 =	vshll.u32 v4, $0x3  }
0x13d: {  	v4 =	vand.u32 $0x7, v4;
	v5 =	vand.u32 $0xFFFFFFC0, v5  }
0x13e: {  	v4 =	vor.u32 v4, v5  }
0x13f: {  	v5 =	vperm.xlane v4, v0;
	_ =	sdelay $0x1  }
0x140: {  	v5 =	vadd.s32 v1, v5;
	_ =	sdelay $0x3  }
0x141: {  	s9 =	simm.s32 $0x4100  }
0x142: {  	[tilespmem:s9], [sflag:$0x1] =	stream.indirect_vreg.gather [hbm4b:s1+s3], $0x80, v5, vm0, $0xb8;
	[tilespmem:$0x18100] =	vst v63  }
0x143: {  	s11 =	simm.s32 $0x4900;
	v4 =	vperm.xlane v4, v3  }
0x144: {  	[tilespmem:s11], [sflag:$0x1] =	stream.indirect_vreg.gather [hbm4b:s5+s3], $0x80, v5, vm0, $0xb8;
	[tilespmem:$0x18100] =	vst v63  }
0x145: {  	s12 =	simm.s32 $0x5100;
	v4 =	vadd.s32 v1, v4  }
0x146: {  	[tilespmem:s12], [sflag:$0x1] =	stream.indirect_vreg.gather [hbm4b:s6+s3], $0x80, v5, vm0, $0xb8;
	[tilespmem:$0x18100] =	vst v63  }
0x147: {  	s13 =	simm.s32 $0x5900  }
0x148: {  	[tilespmem:s13], [sflag:$0x1] =	stream.indirect_vreg.gather [hbm4b:s23+s3], $0x80, v5, vm0, $0xb8;
	[tilespmem:$0x18100] =	vst v63  }
0x149: {  	s15 =	simm.s32 $0x6100  }
0x14a: {  	[tilespmem:s15], [sflag:$0x1] =	stream.indirect_vreg.gather [hbm4b:s1+s3], $0x80, v4, vm0, $0xb8;
	[tilespmem:$0x18100] =	vst v63  }
0x14b: {  	s16 =	simm.s32 $0x6900  }
0x14c: {  	[tilespmem:s16], [sflag:$0x1] =	stream.indirect_vreg.gather [hbm4b:s5+s3], $0x80, v4, vm0, $0xb8;
	[tilespmem:$0x18100] =	vst v63  }
0x14d: {  	s17 =	simm.s32 $0x7100  }
0x14e: {  	[tilespmem:s17], [sflag:$0x1] =	stream.indirect_vreg.gather [hbm4b:s6+s3], $0x80, v4, vm0, $0xb8;
	[tilespmem:$0x18100] =	vst v63  }
0x14f: {  	s18 =	simm.s32 $0x7900  }
0x150: {  	[tilespmem:s18], [sflag:$0x1] =	stream.indirect_vreg.gather [hbm4b:s23+s3], $0x80, v4, vm0, $0xb8;
	[tilespmem:$0x18100] =	vst v63  }
0x151: {  	_ =	swait.ge [sflag:s22], $0x8000  }
0x152: {  	[sflag:s22] =	ssyncset.done $0x0  }
0x153: {  	s26 =	rddreg [dreg:$0x9];
	[sflag:s22] =	ssyncadd.s32 $0xFFFF8000  }
0x154: {  	[hbm4b:s26+s3] =	stream.linear.scatter [tilespmem:s19], [sflag:$0x8], $0x8000, $0x38;
	[tilespmem:$0x18100] =	vst v63  }
0x155: {  	_ =	swait.ge [sflag:s24], $0x8000  }
0x156: {  	[sflag:s24] =	ssyncset.done $0x0  }
0x157: {  	[sflag:s24] =	ssyncadd.s32 $0xFFFF8000  }
0x158: {  	v4 =	vld [tilespmem:$0xE0];
	_ =	sdelay $0x4  }
0x159: {  	v5 =	vshll.u32 v4, $0x3  }
0x15a: {  	v4 =	vand.u32 $0x7, v4;
	v5 =	vand.u32 $0xFFFFFFC0, v5  }
0x15b: {  	v4 =	vor.u32 v4, v5  }
0x15c: {  	v5 =	vperm.xlane v4, v0;
	_ =	sdelay $0x1  }
0x15d: {  	v5 =	vadd.s32 v1, v5;
	_ =	sdelay $0x4  }
0x15e: {  	[tilespmem:s19], [sflag:$0x2] =	stream.indirect_vreg.gather [hbm4b:s1+s3], $0x80, v5, vm0, $0xb8;
	[tilespmem:$0x18100] =	vst v63  }
0x15f: {  	s30 =	simm.s32 $0x8900;
	v4 =	vperm.xlane v4, v3  }
0x160: {  	[tilespmem:s30], [sflag:$0x2] =	stream.indirect_vreg.gather [hbm4b:s5+s3], $0x80, v5, vm0, $0xb8;
	[tilespmem:$0x18100] =	vst v63  }
0x161: {  	s10 =	simm.s32 $0x9100;
	v4 =	vadd.s32 v1, v4  }
0x162: {  	[tilespmem:s10], [sflag:$0x2] =	stream.indirect_vreg.gather [hbm4b:s6+s3], $0x80, v5, vm0, $0xb8;
	[tilespmem:$0x18100] =	vst v63  }
0x163: {  	s28 =	simm.s32 $0x9900  }
0x164: {  	[tilespmem:s28], [sflag:$0x2] =	stream.indirect_vreg.gather [hbm4b:s23+s3], $0x80, v5, vm0, $0xb8;
	[tilespmem:$0x18100] =	vst v63  }
0x165: {  	s4 =	simm.s32 $0xA100  }
0x166: {  	[tilespmem:s4], [sflag:$0x2] =	stream.indirect_vreg.gather [hbm4b:s1+s3], $0x80, v4, vm0, $0xb8;
	[tilespmem:$0x18100] =	vst v63  }
0x167: {  	s7 =	simm.s32 $0xA900  }
0x168: {  	[tilespmem:s7], [sflag:$0x2] =	stream.indirect_vreg.gather [hbm4b:s5+s3], $0x80, v4, vm0, $0xb8;
	[tilespmem:$0x18100] =	vst v63  }
0x169: {  	s8 =	simm.s32 $0xB100  }
0x16a: {  	[tilespmem:s8], [sflag:$0x2] =	stream.indirect_vreg.gather [hbm4b:s6+s3], $0x80, v4, vm0, $0xb8;
	[tilespmem:$0x18100] =	vst v63  }
0x16b: {  	s9 =	simm.s32 $0xB900  }
0x16c: {  	[tilespmem:s9], [sflag:$0x2] =	stream.indirect_vreg.gather [hbm4b:s23+s3], $0x80, v4, vm0, $0xb8;
	[tilespmem:$0x18100] =	vst v63  }
0x16d: {  	v4 =	vld [tilespmem:$0xF0];
	_ =	sdelay $0x4  }
0x16e: {  	v5 =	vshll.u32 v4, $0x3  }
0x16f: {  	v4 =	vand.u32 $0x7, v4;
	v5 =	vand.u32 $0xFFFFFFC0, v5  }
0x170: {  	v4 =	vor.u32 v4, v5  }
0x171: {  	v5 =	vperm.xlane v4, v0;
	_ =	sdelay $0x1  }
0x172: {  	v5 =	vadd.s32 v1, v5;
	_ =	sdelay $0x3  }
0x173: {  	s10 =	simm.s32 $0xC100  }
0x174: {  	[tilespmem:s10], [sflag:$0x2] =	stream.indirect_vreg.gather [hbm4b:s1+s3], $0x80, v5, vm0, $0xb8;
	[tilespmem:$0x18100] =	vst v63  }
0x175: {  	s11 =	simm.s32 $0xC900;
	v4 =	vperm.xlane v4, v3  }
0x176: {  	[tilespmem:s11], [sflag:$0x2] =	stream.indirect_vreg.gather [hbm4b:s5+s3], $0x80, v5, vm0, $0xb8;
	[tilespmem:$0x18100] =	vst v63  }
0x177: {  	s12 =	simm.s32 $0xD100;
	v4 =	vadd.s32 v1, v4  }
0x178: {  	[tilespmem:s12], [sflag:$0x2] =	stream.indirect_vreg.gather [hbm4b:s6+s3], $0x80, v5, vm0, $0xb8;
	[tilespmem:$0x18100] =	vst v63  }
0x179: {  	s13 =	simm.s32 $0xD900  }
0x17a: {  	[tilespmem:s13], [sflag:$0x2] =	stream.indirect_vreg.gather [hbm4b:s23+s3], $0x80, v5, vm0, $0xb8;
	[tilespmem:$0x18100] =	vst v63  }
0x17b: {  	s15 =	simm.s32 $0xE100  }
0x17c: {  	[tilespmem:s15], [sflag:$0x2] =	stream.indirect_vreg.gather [hbm4b:s1+s3], $0x80, v4, vm0, $0xb8;
	[tilespmem:$0x18100] =	vst v63  }
0x17d: {  	s16 =	simm.s32 $0xE900  }
0x17e: {  	[tilespmem:s16], [sflag:$0x2] =	stream.indirect_vreg.gather [hbm4b:s5+s3], $0x80, v4, vm0, $0xb8;
	[tilespmem:$0x18100] =	vst v63  }
0x17f: {  	s17 =	simm.s32 $0xF100  }
0x180: {  	[tilespmem:s17], [sflag:$0x2] =	stream.indirect_vreg.gather [hbm4b:s6+s3], $0x80, v4, vm0, $0xb8;
	[tilespmem:$0x18100] =	vst v63  }
0x181: {  	s18 =	simm.s32 $0xF900  }
0x182: {  	[tilespmem:s18], [sflag:$0x2] =	stream.indirect_vreg.gather [hbm4b:s23+s3], $0x80, v4, vm0, $0xb8;
	[tilespmem:$0x18100] =	vst v63  }
0x183: {  	_ =	swait.ge [sflag:s31], $0x8000  }
0x184: {  	[sflag:s31] =	ssyncset.done $0x0  }
0x185: {  	s0 =	simm.s32 $0x10100;
	s26 =	rddreg [dreg:$0xa];
	[sflag:s31] =	ssyncadd.s32 $0xFFFF8000  }
0x186: {  	[hbm4b:s26+s3] =	stream.linear.scatter [tilespmem:s0], [sflag:$0x9], $0x8000, $0x38;
	[tilespmem:$0x18100] =	vst v63  }
0x187: {  	_ =	swait.ge [sflag:s20], $0x8000  }
0x188: {  	[sflag:s20] =	ssyncset.done $0x0  }
0x189: {  	s28 =	rddreg [dreg:$0xb];
	[sflag:s20] =	ssyncadd.s32 $0xFFFF8000  }
0x18a: {  	[hbm4b:s28+s3] =	stream.linear.scatter [tilespmem:s14], [sflag:$0x7], $0x8000, $0x38;
	[tilespmem:$0x18100] =	vst v63  }
0x18b: {  	_ =	swait.ge [sflag:s22], $0x8000  }
0x18c: {  	[sflag:s22] =	ssyncset.done $0x0  }
0x18d: {  	s30 =	rddreg [dreg:$0xc];
	[sflag:s22] =	ssyncadd.s32 $0xFFFF8000  }
0x18e: {  	[hbm4b:s30+s3] =	stream.linear.scatter [tilespmem:s19], [sflag:$0x8], $0x8000, $0x38;
	[tilespmem:$0x18100] =	vst v63  }
0x18f: {  	_ =	swait.ge [sflag:s29], $0x8000  }
0x190: {  	[sflag:s29] =	ssyncset.done $0x0  }
0x191: {  	[sflag:s29] =	ssyncadd.s32 $0xFFFF8000  }
0x192: {  	_ =	swait.ge [sflag:s21], $0x8000  }
0x193: {  	[sflag:s21] =	ssyncset.done $0x0  }
0x194: {  	[sflag:s21] =	ssyncadd.s32 $0xFFFF8000  }
0x195: {  	_ =	swait.ge [sflag:s24], $0x8000  }
0x196: {  	[sflag:s24] =	ssyncset.done $0x0  }
0x197: {  	s0 =	simm.s32 $0x100;
	[sflag:s24] =	ssyncadd.s32 $0xFFFF8000  }
.LBB2_4:
0x198: {  	s25 =	sadd.s32 $0xFFFFFFFF, s25  }
0x199: {  	p1 =	sne.s32 s25, $0x0  }
.Ltmp1:
0x19a: {  	_ = 	snop;
	(pc) =	sbr.rel @!p1 .LBB2_5-.Ltmp1, $1  }
0x19b: {  	_ =	sdelay $0x3  }
.LBB2_1:
0x19c: {  	s9 =	rddreg [dreg:$0x4];
	s30 =	simm.s32 $0xD  }
0x19d: {  	[tilespmem:s3], [sflag:$0xD] =	stream.linear.gather [hbm4b:s9+s3], $0x100, $0x38;
	[tilespmem:$0x18100] =	vst v63  }
0x19e: {  	_ =	swait.ge [sflag:s30], $0x100  }
0x19f: {  	[sflag:s30] =	ssyncset.done $0x0  }
0x1a0: {  	[sflag:s30] =	ssyncadd.s32 $0xFFFFFF00  }
0x1a1: {  	v4 =	vld [tilespmem:$0x0];
	_ =	sdelay $0x4  }
0x1a2: {  	v5 =	vshll.u32 v4, $0x3  }
0x1a3: {  	v4 =	vand.u32 $0x7, v4;
	v5 =	vand.u32 $0xFFFFFFC0, v5  }
0x1a4: {  	v4 =	vor.u32 v4, v5  }
0x1a5: {  	v5 =	vperm.xlane v4, v0;
	_ =	sdelay $0x1  }
0x1a6: {  	v5 =	vadd.s32 v1, v5;
	_ =	sdelay $0x4  }
0x1a7: {  	[tilespmem:s0], [sflag:$0x1] =	stream.indirect_vreg.gather [hbm4b:s1+s3], $0x80, v5, vm0, $0xb8;
	[tilespmem:$0x18100] =	vst v63  }
0x1a8: {  	s13 =	simm.s32 $0x900;
	v4 =	vperm.xlane v4, v2  }
0x1a9: {  	[tilespmem:s13], [sflag:$0x1] =	stream.indirect_vreg.gather [hbm4b:s5+s3], $0x80, v5, vm0, $0xb8;
	[tilespmem:$0x18100] =	vst v63  }
0x1aa: {  	s12 =	simm.s32 $0x1100;
	v4 =	vadd.s32 v1, v4  }
0x1ab: {  	[tilespmem:s12], [sflag:$0x1] =	stream.indirect_vreg.gather [hbm4b:s6+s3], $0x80, v5, vm0, $0xb8;
	[tilespmem:$0x18100] =	vst v63  }
0x1ac: {  	s11 =	simm.s32 $0x1900  }
0x1ad: {  	[tilespmem:s11], [sflag:$0x1] =	stream.indirect_vreg.gather [hbm4b:s23+s3], $0x80, v5, vm0, $0xb8;
	[tilespmem:$0x18100] =	vst v63  }
0x1ae: {  	s8 =	simm.s32 $0x2100  }
0x1af: {  	[tilespmem:s8], [sflag:$0x1] =	stream.indirect_vreg.gather [hbm4b:s1+s3], $0x80, v4, vm0, $0xb8;
	[tilespmem:$0x18100] =	vst v63  }
0x1b0: {  	s7 =	simm.s32 $0x2900  }
0x1b1: {  	[tilespmem:s7], [sflag:$0x1] =	stream.indirect_vreg.gather [hbm4b:s5+s3], $0x80, v4, vm0, $0xb8;
	[tilespmem:$0x18100] =	vst v63  }
0x1b2: {  	s4 =	simm.s32 $0x3100  }
0x1b3: {  	[tilespmem:s4], [sflag:$0x1] =	stream.indirect_vreg.gather [hbm4b:s6+s3], $0x80, v4, vm0, $0xb8;
	[tilespmem:$0x18100] =	vst v63  }
0x1b4: {  	s2 =	simm.s32 $0x3900  }
0x1b5: {  	[tilespmem:s2], [sflag:$0x1] =	stream.indirect_vreg.gather [hbm4b:s23+s3], $0x80, v4, vm0, $0xb8;
	[tilespmem:$0x18100] =	vst v63  }
0x1b6: {  	v4 =	vld [tilespmem:$0x10];
	_ =	sdelay $0x4  }
0x1b7: {  	v5 =	vshll.u32 v4, $0x3  }
.Ltmp2:
0x1b8: {  	v4 =	vand.u32 $0x7, v4;
	v5 =	vand.u32 $0xFFFFFFC0, v5;
	(pc) =	sbr.rel @p0 .LBB2_3-.Ltmp2, $3  }
0x1b9: {  	v5 =	vor.u32 v4, v5  }
0x1ba: {  	v4 =	vperm.xlane v5, v0;
	_ =	sdelay $0x1  }
0x1bb: {  	s14 =	simm.s32 $0x100;
	v4 =	vadd.s32 v1, v4  }
0x1bc: {  	_ =	sdelay $0x2  }
0x1bd: {  	s30 =	simm.s32 $0x4100  }
0x1be: {  	[tilespmem:s30], [sflag:$0x2] =	stream.indirect_vreg.gather [hbm4b:s1+s3], $0x80, v4, vm0, $0xb8;
	[tilespmem:$0x18100] =	vst v63  }
0x1bf: {  	v5 =	vperm.xlane v5, v3;
	s0 =	simm.s32 $0x4900  }
0x1c0: {  	[tilespmem:s0], [sflag:$0x2] =	stream.indirect_vreg.gather [hbm4b:s5+s3], $0x80, v4, vm0, $0xb8;
	[tilespmem:$0x18100] =	vst v63  }
0x1c1: {  	s17 =	simm.s32 $0x5100;
	v5 =	vadd.s32 v1, v5  }
0x1c2: {  	[tilespmem:s17], [sflag:$0x2] =	stream.indirect_vreg.gather [hbm4b:s6+s3], $0x80, v4, vm0, $0xb8;
	[tilespmem:$0x18100] =	vst v63  }
0x1c3: {  	s18 =	simm.s32 $0x5900  }
0x1c4: {  	[tilespmem:s18], [sflag:$0x2] =	stream.indirect_vreg.gather [hbm4b:s23+s3], $0x80, v4, vm0, $0xb8;
	[tilespmem:$0x18100] =	vst v63  }
0x1c5: {  	s19 =	simm.s32 $0x6100  }
0x1c6: {  	[tilespmem:s19], [sflag:$0x2] =	stream.indirect_vreg.gather [hbm4b:s1+s3], $0x80, v5, vm0, $0xb8;
	[tilespmem:$0x18100] =	vst v63  }
0x1c7: {  	s26 =	simm.s32 $0x6900  }
0x1c8: {  	[tilespmem:s26], [sflag:$0x2] =	stream.indirect_vreg.gather [hbm4b:s5+s3], $0x80, v5, vm0, $0xb8;
	[tilespmem:$0x18100] =	vst v63  }
0x1c9: {  	s28 =	simm.s32 $0x7100  }
0x1ca: {  	[tilespmem:s28], [sflag:$0x2] =	stream.indirect_vreg.gather [hbm4b:s6+s3], $0x80, v5, vm0, $0xb8;
	[tilespmem:$0x18100] =	vst v63  }
0x1cb: {  	s9 =	simm.s32 $0x7900  }
0x1cc: {  	[tilespmem:s9], [sflag:$0x2] =	stream.indirect_vreg.gather [hbm4b:s23+s3], $0x80, v5, vm0, $0xb8;
	[tilespmem:$0x18100] =	vst v63  }
0x1cd: {  	v4 =	vld [tilespmem:$0x20];
	_ =	sdelay $0x4  }
0x1ce: {  	v5 =	vshll.u32 v4, $0x3  }
0x1cf: {  	v4 =	vand.u32 $0x7, v4;
	v5 =	vand.u32 $0xFFFFFFC0, v5  }
0x1d0: {  	v4 =	vor.u32 v4, v5  }
0x1d1: {  	v5 =	vperm.xlane v4, v0;
	_ =	sdelay $0x1  }
0x1d2: {  	v5 =	vadd.s32 v1, v5;
	_ =	sdelay $0x3  }
0x1d3: {  	s19 =	simm.s32 $0x8100  }
0x1d4: {  	[tilespmem:s19], [sflag:$0x3] =	stream.indirect_vreg.gather [hbm4b:s1+s3], $0x80, v5, vm0, $0xb8;
	[tilespmem:$0x18100] =	vst v63  }
0x1d5: {  	s15 =	simm.s32 $0x8900;
	v4 =	vperm.xlane v4, v3  }
0x1d6: {  	[tilespmem:s15], [sflag:$0x3] =	stream.indirect_vreg.gather [hbm4b:s5+s3], $0x80, v5, vm0, $0xb8;
	[tilespmem:$0x18100] =	vst v63  }
0x1d7: {  	s26 =	simm.s32 $0x9100;
	v4 =	vadd.s32 v1, v4  }
0x1d8: {  	[tilespmem:s26], [sflag:$0x3] =	stream.indirect_vreg.gather [hbm4b:s6+s3], $0x80, v5, vm0, $0xb8;
	[tilespmem:$0x18100] =	vst v63  }
0x1d9: {  	s9 =	simm.s32 $0x9900  }
0x1da: {  	[tilespmem:s9], [sflag:$0x3] =	stream.indirect_vreg.gather [hbm4b:s23+s3], $0x80, v5, vm0, $0xb8;
	[tilespmem:$0x18100] =	vst v63  }
0x1db: {  	s15 =	simm.s32 $0xA100  }
0x1dc: {  	[tilespmem:s15], [sflag:$0x3] =	stream.indirect_vreg.gather [hbm4b:s1+s3], $0x80, v4, vm0, $0xb8;
	[tilespmem:$0x18100] =	vst v63  }
0x1dd: {  	s26 =	simm.s32 $0xA900  }
0x1de: {  	[tilespmem:s26], [sflag:$0x3] =	stream.indirect_vreg.gather [hbm4b:s5+s3], $0x80, v4, vm0, $0xb8;
	[tilespmem:$0x18100] =	vst v63  }
0x1df: {  	s9 =	simm.s32 $0xB100  }
0x1e0: {  	[tilespmem:s9], [sflag:$0x3] =	stream.indirect_vreg.gather [hbm4b:s6+s3], $0x80, v4, vm0, $0xb8;
	[tilespmem:$0x18100] =	vst v63  }
0x1e1: {  	s15 =	simm.s32 $0xB900  }
0x1e2: {  	[tilespmem:s15], [sflag:$0x3] =	stream.indirect_vreg.gather [hbm4b:s23+s3], $0x80, v4, vm0, $0xb8;
	[tilespmem:$0x18100] =	vst v63  }
0x1e3: {  	v4 =	vld [tilespmem:$0x30];
	_ =	sdelay $0x4  }
0x1e4: {  	v5 =	vshll.u32 v4, $0x3  }
0x1e5: {  	v4 =	vand.u32 $0x7, v4;
	v5 =	vand.u32 $0xFFFFFFC0, v5  }
0x1e6: {  	v4 =	vor.u32 v4, v5  }
0x1e7: {  	v5 =	vperm.xlane v4, v0;
	_ =	sdelay $0x1  }
0x1e8: {  	v5 =	vadd.s32 v1, v5;
	_ =	sdelay $0x3  }
0x1e9: {  	s0 =	simm.s32 $0xC100  }
0x1ea: {  	[tilespmem:s0], [sflag:$0x4] =	stream.indirect_vreg.gather [hbm4b:s1+s3], $0x80, v5, vm0, $0xb8;
	[tilespmem:$0x18100] =	vst v63  }
0x1eb: {  	s9 =	simm.s32 $0xC900;
	v4 =	vperm.xlane v4, v3  }
0x1ec: {  	[tilespmem:s9], [sflag:$0x4] =	stream.indirect_vreg.gather [hbm4b:s5+s3], $0x80, v5, vm0, $0xb8;
	[tilespmem:$0x18100] =	vst v63  }
0x1ed: {  	s26 =	simm.s32 $0xD100;
	v4 =	vadd.s32 v1, v4  }
0x1ee: {  	[tilespmem:s26], [sflag:$0x4] =	stream.indirect_vreg.gather [hbm4b:s6+s3], $0x80, v5, vm0, $0xb8;
	[tilespmem:$0x18100] =	vst v63  }
0x1ef: {  	s15 =	simm.s32 $0xD900  }
0x1f0: {  	[tilespmem:s15], [sflag:$0x4] =	stream.indirect_vreg.gather [hbm4b:s23+s3], $0x80, v5, vm0, $0xb8;
	[tilespmem:$0x18100] =	vst v63  }
0x1f1: {  	s26 =	simm.s32 $0xE100  }
0x1f2: {  	[tilespmem:s26], [sflag:$0x4] =	stream.indirect_vreg.gather [hbm4b:s1+s3], $0x80, v4, vm0, $0xb8;
	[tilespmem:$0x18100] =	vst v63  }
0x1f3: {  	s15 =	simm.s32 $0xE900  }
0x1f4: {  	[tilespmem:s15], [sflag:$0x4] =	stream.indirect_vreg.gather [hbm4b:s5+s3], $0x80, v4, vm0, $0xb8;
	[tilespmem:$0x18100] =	vst v63  }
0x1f5: {  	s26 =	simm.s32 $0xF100  }
0x1f6: {  	[tilespmem:s26], [sflag:$0x4] =	stream.indirect_vreg.gather [hbm4b:s6+s3], $0x80, v4, vm0, $0xb8;
	[tilespmem:$0x18100] =	vst v63  }
0x1f7: {  	s15 =	simm.s32 $0xF900  }
0x1f8: {  	[tilespmem:s15], [sflag:$0x4] =	stream.indirect_vreg.gather [hbm4b:s23+s3], $0x80, v4, vm0, $0xb8;
	[tilespmem:$0x18100] =	vst v63  }
0x1f9: {  	v4 =	vld [tilespmem:$0x40];
	_ =	sdelay $0x4  }
0x1fa: {  	v5 =	vshll.u32 v4, $0x3  }
0x1fb: {  	v4 =	vand.u32 $0x7, v4;
	v5 =	vand.u32 $0xFFFFFFC0, v5  }
0x1fc: {  	v4 =	vor.u32 v4, v5  }
0x1fd: {  	v5 =	vperm.xlane v4, v0;
	_ =	sdelay $0x1  }
0x1fe: {  	v5 =	vadd.s32 v1, v5;
	_ =	sdelay $0x3  }
0x1ff: {  	s26 =	simm.s32 $0x10100  }
0x200: {  	[tilespmem:s26], [sflag:$0x5] =	stream.indirect_vreg.gather [hbm4b:s1+s3], $0x80, v5, vm0, $0xb8;
	[tilespmem:$0x18100] =	vst v63  }
0x201: {  	s15 =	simm.s32 $0x10900;
	v4 =	vperm.xlane v4, v3  }
0x202: {  	[tilespmem:s15], [sflag:$0x5] =	stream.indirect_vreg.gather [hbm4b:s5+s3], $0x80, v5, vm0, $0xb8;
	[tilespmem:$0x18100] =	vst v63  }
0x203: {  	v4 =	vadd.s32 v1, v4;
	s26 =	simm.s32 $0x11100  }
0x204: {  	[tilespmem:s26], [sflag:$0x5] =	stream.indirect_vreg.gather [hbm4b:s6+s3], $0x80, v5, vm0, $0xb8;
	[tilespmem:$0x18100] =	vst v63  }
0x205: {  	s15 =	simm.s32 $0x11900  }
0x206: {  	[tilespmem:s15], [sflag:$0x5] =	stream.indirect_vreg.gather [hbm4b:s23+s3], $0x80, v5, vm0, $0xb8;
	[tilespmem:$0x18100] =	vst v63  }
0x207: {  	s15 =	simm.s32 $0x12100  }
0x208: {  	[tilespmem:s15], [sflag:$0x5] =	stream.indirect_vreg.gather [hbm4b:s1+s3], $0x80, v4, vm0, $0xb8;
	[tilespmem:$0x18100] =	vst v63  }
0x209: {  	s26 =	simm.s32 $0x12900  }
0x20a: {  	[tilespmem:s26], [sflag:$0x5] =	stream.indirect_vreg.gather [hbm4b:s5+s3], $0x80, v4, vm0, $0xb8;
	[tilespmem:$0x18100] =	vst v63  }
0x20b: {  	s26 =	simm.s32 $0x13100  }
0x20c: {  	[tilespmem:s26], [sflag:$0x5] =	stream.indirect_vreg.gather [hbm4b:s6+s3], $0x80, v4, vm0, $0xb8;
	[tilespmem:$0x18100] =	vst v63  }
0x20d: {  	s26 =	simm.s32 $0x13900  }
0x20e: {  	[tilespmem:s26], [sflag:$0x5] =	stream.indirect_vreg.gather [hbm4b:s23+s3], $0x80, v4, vm0, $0xb8;
	[tilespmem:$0x18100] =	vst v63  }
0x20f: {  	v4 =	vld [tilespmem:$0x50];
	_ =	sdelay $0x4  }
0x210: {  	v5 =	vshll.u32 v4, $0x3  }
0x211: {  	v4 =	vand.u32 $0x7, v4;
	v5 =	vand.u32 $0xFFFFFFC0, v5  }
0x212: {  	v4 =	vor.u32 v4, v5  }
0x213: {  	v5 =	vperm.xlane v4, v0;
	_ =	sdelay $0x1  }
0x214: {  	v5 =	vadd.s32 v1, v5;
	_ =	sdelay $0x3  }
0x215: {  	s26 =	simm.s32 $0x14100  }
0x216: {  	[tilespmem:s26], [sflag:$0x6] =	stream.indirect_vreg.gather [hbm4b:s1+s3], $0x80, v5, vm0, $0xb8;
	[tilespmem:$0x18100] =	vst v63  }
0x217: {  	v4 =	vperm.xlane v4, v3;
	s26 =	simm.s32 $0x14900  }
0x218: {  	[tilespmem:s26], [sflag:$0x6] =	stream.indirect_vreg.gather [hbm4b:s5+s3], $0x80, v5, vm0, $0xb8;
	[tilespmem:$0x18100] =	vst v63  }
0x219: {  	v4 =	vadd.s32 v1, v4;
	s26 =	simm.s32 $0x15100  }
0x21a: {  	[tilespmem:s26], [sflag:$0x6] =	stream.indirect_vreg.gather [hbm4b:s6+s3], $0x80, v5, vm0, $0xb8;
	[tilespmem:$0x18100] =	vst v63  }
0x21b: {  	s26 =	simm.s32 $0x15900  }
0x21c: {  	[tilespmem:s26], [sflag:$0x6] =	stream.indirect_vreg.gather [hbm4b:s23+s3], $0x80, v5, vm0, $0xb8;
	[tilespmem:$0x18100] =	vst v63  }
0x21d: {  	s26 =	simm.s32 $0x16100  }
0x21e: {  	[tilespmem:s26], [sflag:$0x6] =	stream.indirect_vreg.gather [hbm4b:s1+s3], $0x80, v4, vm0, $0xb8;
	[tilespmem:$0x18100] =	vst v63  }
0x21f: {  	s26 =	simm.s32 $0x16900  }
0x220: {  	[tilespmem:s26], [sflag:$0x6] =	stream.indirect_vreg.gather [hbm4b:s5+s3], $0x80, v4, vm0, $0xb8;
	[tilespmem:$0x18100] =	vst v63  }
0x221: {  	s26 =	simm.s32 $0x17100  }
0x222: {  	[tilespmem:s26], [sflag:$0x6] =	stream.indirect_vreg.gather [hbm4b:s6+s3], $0x80, v4, vm0, $0xb8;
	[tilespmem:$0x18100] =	vst v63  }
0x223: {  	s26 =	simm.s32 $0x17900  }
0x224: {  	[tilespmem:s26], [sflag:$0x6] =	stream.indirect_vreg.gather [hbm4b:s23+s3], $0x80, v4, vm0, $0xb8;
	[tilespmem:$0x18100] =	vst v63  }
0x225: {  	_ =	swait.ge [sflag:s20], $0x4000  }
0x226: {  	[sflag:s20] =	ssyncset.done $0x0  }
0x227: {  	s26 =	rddreg [dreg:$0xd];
	[sflag:s20] =	ssyncadd.s32 $0xFFFFC000  }
0x228: {  	[hbm4b:s26+s3] =	stream.linear.scatter [tilespmem:s14], [sflag:$0x7], $0x4000, $0x38;
	[tilespmem:$0x18100] =	vst v63  }
0x229: {  	_ =	swait.ge [sflag:s21], $0x4000  }
0x22a: {  	[sflag:s21] =	ssyncset.done $0x0  }
0x22b: {  	[sflag:s21] =	ssyncadd.s32 $0xFFFFC000  }
0x22c: {  	v4 =	vld [tilespmem:$0x60];
	_ =	sdelay $0x4  }
0x22d: {  	v5 =	vshll.u32 v4, $0x3  }
0x22e: {  	v4 =	vand.u32 $0x7, v4;
	v5 =	vand.u32 $0xFFFFFFC0, v5  }
0x22f: {  	v4 =	vor.u32 v4, v5  }
0x230: {  	v5 =	vperm.xlane v4, v0;
	_ =	sdelay $0x1  }
0x231: {  	v5 =	vadd.s32 v1, v5;
	_ =	sdelay $0x4  }
0x232: {  	[tilespmem:s14], [sflag:$0x1] =	stream.indirect_vreg.gather [hbm4b:s1+s3], $0x80, v5, vm0, $0xb8;
	[tilespmem:$0x18100] =	vst v63  }
0x233: {  	v4 =	vperm.xlane v4, v3  }
0x234: {  	[tilespmem:s13], [sflag:$0x1] =	stream.indirect_vreg.gather [hbm4b:s5+s3], $0x80, v5, vm0, $0xb8;
	[tilespmem:$0x18100] =	vst v63  }
0x235: {  	v4 =	vadd.s32 v1, v4  }
0x236: {  	[tilespmem:s12], [sflag:$0x1] =	stream.indirect_vreg.gather [hbm4b:s6+s3], $0x80, v5, vm0, $0xb8;
	[tilespmem:$0x18100] =	vst v63  }
0x237: {  	_ = 	snop  }
0x238: {  	[tilespmem:s11], [sflag:$0x1] =	stream.indirect_vreg.gather [hbm4b:s23+s3], $0x80, v5, vm0, $0xb8;
	[tilespmem:$0x18100] =	vst v63  }
0x239: {  	_ = 	snop  }
0x23a: {  	[tilespmem:s8], [sflag:$0x1] =	stream.indirect_vreg.gather [hbm4b:s1+s3], $0x80, v4, vm0, $0xb8;
	[tilespmem:$0x18100] =	vst v63  }
0x23b: {  	_ = 	snop  }
0x23c: {  	[tilespmem:s7], [sflag:$0x1] =	stream.indirect_vreg.gather [hbm4b:s5+s3], $0x80, v4, vm0, $0xb8;
	[tilespmem:$0x18100] =	vst v63  }
0x23d: {  	_ = 	snop  }
0x23e: {  	[tilespmem:s4], [sflag:$0x1] =	stream.indirect_vreg.gather [hbm4b:s6+s3], $0x80, v4, vm0, $0xb8;
	[tilespmem:$0x18100] =	vst v63  }
0x23f: {  	_ = 	snop  }
0x240: {  	[tilespmem:s2], [sflag:$0x1] =	stream.indirect_vreg.gather [hbm4b:s23+s3], $0x80, v4, vm0, $0xb8;
	[tilespmem:$0x18100] =	vst v63  }
0x241: {  	_ =	swait.ge [sflag:s22], $0x4000  }
0x242: {  	[sflag:s22] =	ssyncset.done $0x0  }
0x243: {  	s12 =	rddreg [dreg:$0x15];
	[sflag:s22] =	ssyncadd.s32 $0xFFFFC000  }
0x244: {  	[hbm4b:s12+s3] =	stream.linear.scatter [tilespmem:s30], [sflag:$0x8], $0x4000, $0x38;
	[tilespmem:$0x18100] =	vst v63  }
0x245: {  	_ =	swait.ge [sflag:s24], $0x4000  }
0x246: {  	[sflag:s24] =	ssyncset.done $0x0  }
0x247: {  	[sflag:s24] =	ssyncadd.s32 $0xFFFFC000  }
0x248: {  	v4 =	vld [tilespmem:$0x70];
	_ =	sdelay $0x4  }
0x249: {  	v5 =	vshll.u32 v4, $0x3  }
0x24a: {  	v4 =	vand.u32 $0x7, v4;
	v5 =	vand.u32 $0xFFFFFFC0, v5  }
0x24b: {  	v4 =	vor.u32 v4, v5  }
0x24c: {  	v5 =	vperm.xlane v4, v0;
	_ =	sdelay $0x1  }
0x24d: {  	v5 =	vadd.s32 v1, v5;
	_ =	sdelay $0x4  }
0x24e: {  	[tilespmem:s30], [sflag:$0x2] =	stream.indirect_vreg.gather [hbm4b:s1+s3], $0x80, v5, vm0, $0xb8;
	[tilespmem:$0x18100] =	vst v63  }
0x24f: {  	s10 =	simm.s32 $0x4900;
	v4 =	vperm.xlane v4, v3  }
0x250: {  	[tilespmem:s10], [sflag:$0x2] =	stream.indirect_vreg.gather [hbm4b:s5+s3], $0x80, v5, vm0, $0xb8;
	[tilespmem:$0x18100] =	vst v63  }
0x251: {  	s13 =	simm.s32 $0x5100;
	v4 =	vadd.s32 v1, v4  }
0x252: {  	[tilespmem:s13], [sflag:$0x2] =	stream.indirect_vreg.gather [hbm4b:s6+s3], $0x80, v5, vm0, $0xb8;
	[tilespmem:$0x18100] =	vst v63  }
0x253: {  	s14 =	simm.s32 $0x5900  }
0x254: {  	[tilespmem:s14], [sflag:$0x2] =	stream.indirect_vreg.gather [hbm4b:s23+s3], $0x80, v5, vm0, $0xb8;
	[tilespmem:$0x18100] =	vst v63  }
0x255: {  	s17 =	simm.s32 $0x6100  }
0x256: {  	[tilespmem:s17], [sflag:$0x2] =	stream.indirect_vreg.gather [hbm4b:s1+s3], $0x80, v4, vm0, $0xb8;
	[tilespmem:$0x18100] =	vst v63  }
0x257: {  	s18 =	simm.s32 $0x6900  }
0x258: {  	[tilespmem:s18], [sflag:$0x2] =	stream.indirect_vreg.gather [hbm4b:s5+s3], $0x80, v4, vm0, $0xb8;
	[tilespmem:$0x18100] =	vst v63  }
0x259: {  	s28 =	simm.s32 $0x7100  }
0x25a: {  	[tilespmem:s28], [sflag:$0x2] =	stream.indirect_vreg.gather [hbm4b:s6+s3], $0x80, v4, vm0, $0xb8;
	[tilespmem:$0x18100] =	vst v63  }
0x25b: {  	s16 =	simm.s32 $0x7900  }
0x25c: {  	[tilespmem:s16], [sflag:$0x2] =	stream.indirect_vreg.gather [hbm4b:s23+s3], $0x80, v4, vm0, $0xb8;
	[tilespmem:$0x18100] =	vst v63  }
0x25d: {  	_ =	swait.ge [sflag:s31], $0x4000  }
0x25e: {  	[sflag:s31] =	ssyncset.done $0x0  }
0x25f: {  	s17 =	rddreg [dreg:$0xe];
	[sflag:s31] =	ssyncadd.s32 $0xFFFFC000  }
0x260: {  	[hbm4b:s17+s3] =	stream.linear.scatter [tilespmem:s19], [sflag:$0x9], $0x4000, $0x38;
	[tilespmem:$0x18100] =	vst v63  }
0x261: {  	_ =	swait.ge [sflag:s29], $0x4000  }
0x262: {  	[sflag:s29] =	ssyncset.done $0x0  }
0x263: {  	[sflag:s29] =	ssyncadd.s32 $0xFFFFC000  }
0x264: {  	v4 =	vld [tilespmem:$0x80];
	_ =	sdelay $0x4  }
0x265: {  	v5 =	vshll.u32 v4, $0x3  }
0x266: {  	v4 =	vand.u32 $0x7, v4;
	v5 =	vand.u32 $0xFFFFFFC0, v5  }
0x267: {  	v4 =	vor.u32 v4, v5  }
0x268: {  	v5 =	vperm.xlane v4, v0;
	_ =	sdelay $0x1  }
0x269: {  	v5 =	vadd.s32 v1, v5;
	_ =	sdelay $0x4  }
0x26a: {  	[tilespmem:s19], [sflag:$0x3] =	stream.indirect_vreg.gather [hbm4b:s1+s3], $0x80, v5, vm0, $0xb8;
	[tilespmem:$0x18100] =	vst v63  }
0x26b: {  	s18 =	simm.s32 $0x8900;
	v4 =	vperm.xlane v4, v3  }
0x26c: {  	[tilespmem:s18], [sflag:$0x3] =	stream.indirect_vreg.gather [hbm4b:s5+s3], $0x80, v5, vm0, $0xb8;
	[tilespmem:$0x18100] =	vst v63  }
0x26d: {  	s26 =	simm.s32 $0x9100;
	v4 =	vadd.s32 v1, v4  }
0x26e: {  	[tilespmem:s26], [sflag:$0x3] =	stream.indirect_vreg.gather [hbm4b:s6+s3], $0x80, v5, vm0, $0xb8;
	[tilespmem:$0x18100] =	vst v63  }
0x26f: {  	s28 =	simm.s32 $0x9900  }
0x270: {  	[tilespmem:s28], [sflag:$0x3] =	stream.indirect_vreg.gather [hbm4b:s23+s3], $0x80, v5, vm0, $0xb8;
	[tilespmem:$0x18100] =	vst v63  }
0x271: {  	s4 =	simm.s32 $0xA100  }
0x272: {  	[tilespmem:s4], [sflag:$0x3] =	stream.indirect_vreg.gather [hbm4b:s1+s3], $0x80, v4, vm0, $0xb8;
	[tilespmem:$0x18100] =	vst v63  }
0x273: {  	s7 =	simm.s32 $0xA900  }
0x274: {  	[tilespmem:s7], [sflag:$0x3] =	stream.indirect_vreg.gather [hbm4b:s5+s3], $0x80, v4, vm0, $0xb8;
	[tilespmem:$0x18100] =	vst v63  }
0x275: {  	s8 =	simm.s32 $0xB100  }
0x276: {  	[tilespmem:s8], [sflag:$0x3] =	stream.indirect_vreg.gather [hbm4b:s6+s3], $0x80, v4, vm0, $0xb8;
	[tilespmem:$0x18100] =	vst v63  }
0x277: {  	s9 =	simm.s32 $0xB900;
	s18 =	simm.s32 $0x4  }
0x278: {  	[tilespmem:s9], [sflag:$0x3] =	stream.indirect_vreg.gather [hbm4b:s23+s3], $0x80, v4, vm0, $0xb8;
	[tilespmem:$0x18100] =	vst v63  }
0x279: {  	_ =	swait.ge [sflag:s18], $0x4000  }
0x27a: {  	[sflag:s18] =	ssyncset.done $0x0  }
0x27b: {  	s26 =	simm.s32 $0xA;
	s10 =	rddreg [dreg:$0x16];
	[sflag:s18] =	ssyncadd.s32 $0xFFFFC000  }
0x27c: {  	[hbm4b:s10+s3] =	stream.linear.scatter [tilespmem:s0], [sflag:$0xA], $0x4000, $0x38;
	[tilespmem:$0x18100] =	vst v63  }
0x27d: {  	_ =	swait.ge [sflag:s26], $0x4000  }
0x27e: {  	[sflag:s26] =	ssyncset.done $0x0  }
0x27f: {  	[sflag:s26] =	ssyncadd.s32 $0xFFFFC000  }
0x280: {  	v4 =	vld [tilespmem:$0x90];
	_ =	sdelay $0x4  }
0x281: {  	v5 =	vshll.u32 v4, $0x3  }
0x282: {  	v4 =	vand.u32 $0x7, v4;
	v5 =	vand.u32 $0xFFFFFFC0, v5  }
0x283: {  	v4 =	vor.u32 v4, v5  }
0x284: {  	v5 =	vperm.xlane v4, v0;
	_ =	sdelay $0x1  }
0x285: {  	v5 =	vadd.s32 v1, v5;
	_ =	sdelay $0x4  }
0x286: {  	[tilespmem:s0], [sflag:$0x4] =	stream.indirect_vreg.gather [hbm4b:s1+s3], $0x80, v5, vm0, $0xb8;
	[tilespmem:$0x18100] =	vst v63  }
0x287: {  	s11 =	simm.s32 $0xC900;
	v4 =	vperm.xlane v4, v3  }
0x288: {  	[tilespmem:s11], [sflag:$0x4] =	stream.indirect_vreg.gather [hbm4b:s5+s3], $0x80, v5, vm0, $0xb8;
	[tilespmem:$0x18100] =	vst v63  }
0x289: {  	s12 =	simm.s32 $0xD100;
	v4 =	vadd.s32 v1, v4  }
0x28a: {  	[tilespmem:s12], [sflag:$0x4] =	stream.indirect_vreg.gather [hbm4b:s6+s3], $0x80, v5, vm0, $0xb8;
	[tilespmem:$0x18100] =	vst v63  }
0x28b: {  	s13 =	simm.s32 $0xD900  }
0x28c: {  	[tilespmem:s13], [sflag:$0x4] =	stream.indirect_vreg.gather [hbm4b:s23+s3], $0x80, v5, vm0, $0xb8;
	[tilespmem:$0x18100] =	vst v63  }
0x28d: {  	s14 =	simm.s32 $0xE100  }
0x28e: {  	[tilespmem:s14], [sflag:$0x4] =	stream.indirect_vreg.gather [hbm4b:s1+s3], $0x80, v4, vm0, $0xb8;
	[tilespmem:$0x18100] =	vst v63  }
0x28f: {  	s16 =	simm.s32 $0xE900  }
0x290: {  	[tilespmem:s16], [sflag:$0x4] =	stream.indirect_vreg.gather [hbm4b:s5+s3], $0x80, v4, vm0, $0xb8;
	[tilespmem:$0x18100] =	vst v63  }
0x291: {  	s17 =	simm.s32 $0xF100  }
0x292: {  	[tilespmem:s17], [sflag:$0x4] =	stream.indirect_vreg.gather [hbm4b:s6+s3], $0x80, v4, vm0, $0xb8;
	[tilespmem:$0x18100] =	vst v63  }
0x293: {  	s4 =	simm.s32 $0xF900;
	s8 =	simm.s32 $0x5  }
0x294: {  	[tilespmem:s4], [sflag:$0x4] =	stream.indirect_vreg.gather [hbm4b:s23+s3], $0x80, v4, vm0, $0xb8;
	[tilespmem:$0x18100] =	vst v63  }
0x295: {  	_ =	swait.ge [sflag:s8], $0x4000  }
0x296: {  	s2 =	simm.s32 $0xB;
	[sflag:s8] =	ssyncset.done $0x0  }
0x297: {  	s10 =	simm.s32 $0x10100;
	s7 =	rddreg [dreg:$0xf];
	[sflag:s8] =	ssyncadd.s32 $0xFFFFC000  }
0x298: {  	[hbm4b:s7+s3] =	stream.linear.scatter [tilespmem:s10], [sflag:$0xB], $0x4000, $0x38;
	[tilespmem:$0x18100] =	vst v63  }
0x299: {  	_ =	swait.ge [sflag:s2], $0x4000  }
0x29a: {  	[sflag:s2] =	ssyncset.done $0x0  }
0x29b: {  	[sflag:s2] =	ssyncadd.s32 $0xFFFFC000  }
0x29c: {  	v4 =	vld [tilespmem:$0xA0];
	_ =	sdelay $0x4  }
0x29d: {  	v5 =	vshll.u32 v4, $0x3  }
0x29e: {  	v4 =	vand.u32 $0x7, v4;
	v5 =	vand.u32 $0xFFFFFFC0, v5  }
0x29f: {  	v4 =	vor.u32 v4, v5  }
0x2a0: {  	v5 =	vperm.xlane v4, v0;
	_ =	sdelay $0x1  }
0x2a1: {  	v5 =	vadd.s32 v1, v5;
	_ =	sdelay $0x4  }
0x2a2: {  	[tilespmem:s10], [sflag:$0x5] =	stream.indirect_vreg.gather [hbm4b:s1+s3], $0x80, v5, vm0, $0xb8;
	[tilespmem:$0x18100] =	vst v63  }
0x2a3: {  	v4 =	vperm.xlane v4, v3;
	s10 =	simm.s32 $0x10900  }
0x2a4: {  	[tilespmem:s10], [sflag:$0x5] =	stream.indirect_vreg.gather [hbm4b:s5+s3], $0x80, v5, vm0, $0xb8;
	[tilespmem:$0x18100] =	vst v63  }
0x2a5: {  	s17 =	simm.s32 $0x11100;
	v4 =	vadd.s32 v1, v4  }
0x2a6: {  	[tilespmem:s17], [sflag:$0x5] =	stream.indirect_vreg.gather [hbm4b:s6+s3], $0x80, v5, vm0, $0xb8;
	[tilespmem:$0x18100] =	vst v63  }
0x2a7: {  	s10 =	simm.s32 $0x11900  }
0x2a8: {  	[tilespmem:s10], [sflag:$0x5] =	stream.indirect_vreg.gather [hbm4b:s23+s3], $0x80, v5, vm0, $0xb8;
	[tilespmem:$0x18100] =	vst v63  }
0x2a9: {  	_ = 	snop  }
0x2aa: {  	[tilespmem:s15], [sflag:$0x5] =	stream.indirect_vreg.gather [hbm4b:s1+s3], $0x80, v4, vm0, $0xb8;
	[tilespmem:$0x18100] =	vst v63  }
0x2ab: {  	s15 =	simm.s32 $0x12900  }
0x2ac: {  	[tilespmem:s15], [sflag:$0x5] =	stream.indirect_vreg.gather [hbm4b:s5+s3], $0x80, v4, vm0, $0xb8;
	[tilespmem:$0x18100] =	vst v63  }
0x2ad: {  	s17 =	simm.s32 $0x13100  }
0x2ae: {  	[tilespmem:s17], [sflag:$0x5] =	stream.indirect_vreg.gather [hbm4b:s6+s3], $0x80, v4, vm0, $0xb8;
	[tilespmem:$0x18100] =	vst v63  }
0x2af: {  	s10 =	simm.s32 $0x13900  }
0x2b0: {  	[tilespmem:s10], [sflag:$0x5] =	stream.indirect_vreg.gather [hbm4b:s23+s3], $0x80, v4, vm0, $0xb8;
	[tilespmem:$0x18100] =	vst v63  }
0x2b1: {  	s10 =	simm.s32 $0x6  }
0x2b2: {  	_ =	swait.ge [sflag:s10], $0x4000  }
0x2b3: {  	[sflag:s10] =	ssyncset.done $0x0  }
0x2b4: {  	s17 =	simm.s32 $0x14100;
	s15 =	rddreg [dreg:$0x17];
	[sflag:s10] =	ssyncadd.s32 $0xFFFFC000  }
0x2b5: {  	[hbm4b:s15+s3] =	stream.linear.scatter [tilespmem:s17], [sflag:$0xC], $0x4000, $0x38;
	[tilespmem:$0x18100] =	vst v63  }
0x2b6: {  	s15 =	simm.s32 $0xC  }
0x2b7: {  	_ =	swait.ge [sflag:s15], $0x4000  }
0x2b8: {  	[sflag:s15] =	ssyncset.done $0x0  }
0x2b9: {  	[sflag:s15] =	ssyncadd.s32 $0xFFFFC000  }
0x2ba: {  	v4 =	vld [tilespmem:$0xB0];
	_ =	sdelay $0x4  }
0x2bb: {  	v5 =	vshll.u32 v4, $0x3  }
0x2bc: {  	v4 =	vand.u32 $0x7, v4;
	v5 =	vand.u32 $0xFFFFFFC0, v5  }
0x2bd: {  	v4 =	vor.u32 v4, v5  }
0x2be: {  	v5 =	vperm.xlane v4, v0;
	_ =	sdelay $0x1  }
0x2bf: {  	v5 =	vadd.s32 v1, v5;
	_ =	sdelay $0x4  }
0x2c0: {  	[tilespmem:s17], [sflag:$0x6] =	stream.indirect_vreg.gather [hbm4b:s1+s3], $0x80, v5, vm0, $0xb8;
	[tilespmem:$0x18100] =	vst v63  }
0x2c1: {  	s9 =	simm.s32 $0x14900;
	v4 =	vperm.xlane v4, v3  }
0x2c2: {  	[tilespmem:s9], [sflag:$0x6] =	stream.indirect_vreg.gather [hbm4b:s5+s3], $0x80, v5, vm0, $0xb8;
	[tilespmem:$0x18100] =	vst v63  }
0x2c3: {  	v4 =	vadd.s32 v1, v4;
	s9 =	simm.s32 $0x15100  }
0x2c4: {  	[tilespmem:s9], [sflag:$0x6] =	stream.indirect_vreg.gather [hbm4b:s6+s3], $0x80, v5, vm0, $0xb8;
	[tilespmem:$0x18100] =	vst v63  }
0x2c5: {  	s9 =	simm.s32 $0x15900  }
0x2c6: {  	[tilespmem:s9], [sflag:$0x6] =	stream.indirect_vreg.gather [hbm4b:s23+s3], $0x80, v5, vm0, $0xb8;
	[tilespmem:$0x18100] =	vst v63  }
0x2c7: {  	s9 =	simm.s32 $0x16100  }
0x2c8: {  	[tilespmem:s9], [sflag:$0x6] =	stream.indirect_vreg.gather [hbm4b:s1+s3], $0x80, v4, vm0, $0xb8;
	[tilespmem:$0x18100] =	vst v63  }
0x2c9: {  	s9 =	simm.s32 $0x16900  }
0x2ca: {  	[tilespmem:s9], [sflag:$0x6] =	stream.indirect_vreg.gather [hbm4b:s5+s3], $0x80, v4, vm0, $0xb8;
	[tilespmem:$0x18100] =	vst v63  }
0x2cb: {  	s9 =	simm.s32 $0x17100  }
0x2cc: {  	[tilespmem:s9], [sflag:$0x6] =	stream.indirect_vreg.gather [hbm4b:s6+s3], $0x80, v4, vm0, $0xb8;
	[tilespmem:$0x18100] =	vst v63  }
0x2cd: {  	s9 =	simm.s32 $0x17900  }
0x2ce: {  	[tilespmem:s9], [sflag:$0x6] =	stream.indirect_vreg.gather [hbm4b:s23+s3], $0x80, v4, vm0, $0xb8;
	[tilespmem:$0x18100] =	vst v63  }
0x2cf: {  	_ =	swait.ge [sflag:s20], $0x4000  }
0x2d0: {  	[sflag:s20] =	ssyncset.done $0x0  }
0x2d1: {  	s28 =	simm.s32 $0x100;
	s9 =	rddreg [dreg:$0x10];
	[sflag:s20] =	ssyncadd.s32 $0xFFFFC000  }
0x2d2: {  	[hbm4b:s9+s3] =	stream.linear.scatter [tilespmem:s28], [sflag:$0x7], $0x4000, $0x38;
	[tilespmem:$0x18100] =	vst v63  }
0x2d3: {  	_ =	swait.ge [sflag:s21], $0x4000  }
0x2d4: {  	[sflag:s21] =	ssyncset.done $0x0  }
0x2d5: {  	[sflag:s21] =	ssyncadd.s32 $0xFFFFC000  }
0x2d6: {  	v4 =	vld [tilespmem:$0xC0];
	_ =	sdelay $0x4  }
0x2d7: {  	v5 =	vshll.u32 v4, $0x3  }
0x2d8: {  	v4 =	vand.u32 $0x7, v4;
	v5 =	vand.u32 $0xFFFFFFC0, v5  }
0x2d9: {  	v4 =	vor.u32 v4, v5  }
0x2da: {  	v5 =	vperm.xlane v4, v0;
	_ =	sdelay $0x1  }
0x2db: {  	v5 =	vadd.s32 v1, v5;
	_ =	sdelay $0x4  }
0x2dc: {  	[tilespmem:s28], [sflag:$0x1] =	stream.indirect_vreg.gather [hbm4b:s1+s3], $0x80, v5, vm0, $0xb8;
	[tilespmem:$0x18100] =	vst v63  }
0x2dd: {  	s16 =	simm.s32 $0x900;
	v4 =	vperm.xlane v4, v3  }
0x2de: {  	[tilespmem:s16], [sflag:$0x1] =	stream.indirect_vreg.gather [hbm4b:s5+s3], $0x80, v5, vm0, $0xb8;
	[tilespmem:$0x18100] =	vst v63  }
0x2df: {  	s14 =	simm.s32 $0x1100;
	v4 =	vadd.s32 v1, v4  }
0x2e0: {  	[tilespmem:s14], [sflag:$0x1] =	stream.indirect_vreg.gather [hbm4b:s6+s3], $0x80, v5, vm0, $0xb8;
	[tilespmem:$0x18100] =	vst v63  }
0x2e1: {  	s13 =	simm.s32 $0x1900  }
0x2e2: {  	[tilespmem:s13], [sflag:$0x1] =	stream.indirect_vreg.gather [hbm4b:s23+s3], $0x80, v5, vm0, $0xb8;
	[tilespmem:$0x18100] =	vst v63  }
0x2e3: {  	s12 =	simm.s32 $0x2100  }
0x2e4: {  	[tilespmem:s12], [sflag:$0x1] =	stream.indirect_vreg.gather [hbm4b:s1+s3], $0x80, v4, vm0, $0xb8;
	[tilespmem:$0x18100] =	vst v63  }
0x2e5: {  	s11 =	simm.s32 $0x2900  }
0x2e6: {  	[tilespmem:s11], [sflag:$0x1] =	stream.indirect_vreg.gather [hbm4b:s5+s3], $0x80, v4, vm0, $0xb8;
	[tilespmem:$0x18100] =	vst v63  }
0x2e7: {  	s7 =	simm.s32 $0x3100  }
0x2e8: {  	[tilespmem:s7], [sflag:$0x1] =	stream.indirect_vreg.gather [hbm4b:s6+s3], $0x80, v4, vm0, $0xb8;
	[tilespmem:$0x18100] =	vst v63  }
0x2e9: {  	s4 =	simm.s32 $0x3900  }
0x2ea: {  	[tilespmem:s4], [sflag:$0x1] =	stream.indirect_vreg.gather [hbm4b:s23+s3], $0x80, v4, vm0, $0xb8;
	[tilespmem:$0x18100] =	vst v63  }
0x2eb: {  	_ =	swait.ge [sflag:s22], $0x4000  }
0x2ec: {  	[sflag:s22] =	ssyncset.done $0x0  }
0x2ed: {  	s4 =	rddreg [dreg:$0x18];
	[sflag:s22] =	ssyncadd.s32 $0xFFFFC000  }
0x2ee: {  	[hbm4b:s4+s3] =	stream.linear.scatter [tilespmem:s30], [sflag:$0x8], $0x4000, $0x38;
	[tilespmem:$0x18100] =	vst v63  }
0x2ef: {  	_ =	swait.ge [sflag:s24], $0x4000  }
0x2f0: {  	[sflag:s24] =	ssyncset.done $0x0  }
0x2f1: {  	[sflag:s24] =	ssyncadd.s32 $0xFFFFC000  }
0x2f2: {  	v4 =	vld [tilespmem:$0xD0];
	_ =	sdelay $0x4  }
0x2f3: {  	v5 =	vshll.u32 v4, $0x3  }
0x2f4: {  	v4 =	vand.u32 $0x7, v4;
	v5 =	vand.u32 $0xFFFFFFC0, v5  }
0x2f5: {  	v4 =	vor.u32 v4, v5  }
0x2f6: {  	v5 =	vperm.xlane v4, v0;
	_ =	sdelay $0x1  }
0x2f7: {  	v5 =	vadd.s32 v1, v5;
	_ =	sdelay $0x4  }
0x2f8: {  	[tilespmem:s30], [sflag:$0x2] =	stream.indirect_vreg.gather [hbm4b:s1+s3], $0x80, v5, vm0, $0xb8;
	[tilespmem:$0x18100] =	vst v63  }
0x2f9: {  	s7 =	simm.s32 $0x4900;
	v4 =	vperm.xlane v4, v3  }
0x2fa: {  	[tilespmem:s7], [sflag:$0x2] =	stream.indirect_vreg.gather [hbm4b:s5+s3], $0x80, v5, vm0, $0xb8;
	[tilespmem:$0x18100] =	vst v63  }
0x2fb: {  	s9 =	simm.s32 $0x5100;
	v4 =	vadd.s32 v1, v4  }
0x2fc: {  	[tilespmem:s9], [sflag:$0x2] =	stream.indirect_vreg.gather [hbm4b:s6+s3], $0x80, v5, vm0, $0xb8;
	[tilespmem:$0x18100] =	vst v63  }
0x2fd: {  	s11 =	simm.s32 $0x5900  }
0x2fe: {  	[tilespmem:s11], [sflag:$0x2] =	stream.indirect_vreg.gather [hbm4b:s23+s3], $0x80, v5, vm0, $0xb8;
	[tilespmem:$0x18100] =	vst v63  }
0x2ff: {  	s12 =	simm.s32 $0x6100  }
0x300: {  	[tilespmem:s12], [sflag:$0x2] =	stream.indirect_vreg.gather [hbm4b:s1+s3], $0x80, v4, vm0, $0xb8;
	[tilespmem:$0x18100] =	vst v63  }
0x301: {  	s13 =	simm.s32 $0x6900  }
0x302: {  	[tilespmem:s13], [sflag:$0x2] =	stream.indirect_vreg.gather [hbm4b:s5+s3], $0x80, v4, vm0, $0xb8;
	[tilespmem:$0x18100] =	vst v63  }
0x303: {  	s14 =	simm.s32 $0x7100  }
0x304: {  	[tilespmem:s14], [sflag:$0x2] =	stream.indirect_vreg.gather [hbm4b:s6+s3], $0x80, v4, vm0, $0xb8;
	[tilespmem:$0x18100] =	vst v63  }
0x305: {  	s16 =	simm.s32 $0x7900  }
0x306: {  	[tilespmem:s16], [sflag:$0x2] =	stream.indirect_vreg.gather [hbm4b:s23+s3], $0x80, v4, vm0, $0xb8;
	[tilespmem:$0x18100] =	vst v63  }
0x307: {  	_ =	swait.ge [sflag:s31], $0x4000  }
0x308: {  	[sflag:s31] =	ssyncset.done $0x0  }
0x309: {  	s7 =	rddreg [dreg:$0x11];
	[sflag:s31] =	ssyncadd.s32 $0xFFFFC000  }
0x30a: {  	[hbm4b:s7+s3] =	stream.linear.scatter [tilespmem:s19], [sflag:$0x9], $0x4000, $0x38;
	[tilespmem:$0x18100] =	vst v63  }
0x30b: {  	_ =	swait.ge [sflag:s29], $0x4000  }
0x30c: {  	[sflag:s29] =	ssyncset.done $0x0  }
0x30d: {  	[sflag:s29] =	ssyncadd.s32 $0xFFFFC000  }
0x30e: {  	v4 =	vld [tilespmem:$0xE0];
	_ =	sdelay $0x4  }
0x30f: {  	v5 =	vshll.u32 v4, $0x3  }
0x310: {  	v4 =	vand.u32 $0x7, v4;
	v5 =	vand.u32 $0xFFFFFFC0, v5  }
0x311: {  	v4 =	vor.u32 v4, v5  }
0x312: {  	v5 =	vperm.xlane v4, v0;
	_ =	sdelay $0x1  }
0x313: {  	v5 =	vadd.s32 v1, v5;
	_ =	sdelay $0x4  }
0x314: {  	[tilespmem:s19], [sflag:$0x3] =	stream.indirect_vreg.gather [hbm4b:s1+s3], $0x80, v5, vm0, $0xb8;
	[tilespmem:$0x18100] =	vst v63  }
0x315: {  	s11 =	simm.s32 $0x8900;
	v4 =	vperm.xlane v4, v3  }
0x316: {  	[tilespmem:s11], [sflag:$0x3] =	stream.indirect_vreg.gather [hbm4b:s5+s3], $0x80, v5, vm0, $0xb8;
	[tilespmem:$0x18100] =	vst v63  }
0x317: {  	s12 =	simm.s32 $0x9100;
	v4 =	vadd.s32 v1, v4  }
0x318: {  	[tilespmem:s12], [sflag:$0x3] =	stream.indirect_vreg.gather [hbm4b:s6+s3], $0x80, v5, vm0, $0xb8;
	[tilespmem:$0x18100] =	vst v63  }
0x319: {  	s13 =	simm.s32 $0x9900  }
0x31a: {  	[tilespmem:s13], [sflag:$0x3] =	stream.indirect_vreg.gather [hbm4b:s23+s3], $0x80, v5, vm0, $0xb8;
	[tilespmem:$0x18100] =	vst v63  }
0x31b: {  	s14 =	simm.s32 $0xA100  }
0x31c: {  	[tilespmem:s14], [sflag:$0x3] =	stream.indirect_vreg.gather [hbm4b:s1+s3], $0x80, v4, vm0, $0xb8;
	[tilespmem:$0x18100] =	vst v63  }
0x31d: {  	s16 =	simm.s32 $0xA900  }
0x31e: {  	[tilespmem:s16], [sflag:$0x3] =	stream.indirect_vreg.gather [hbm4b:s5+s3], $0x80, v4, vm0, $0xb8;
	[tilespmem:$0x18100] =	vst v63  }
0x31f: {  	s7 =	simm.s32 $0xB100  }
0x320: {  	[tilespmem:s7], [sflag:$0x3] =	stream.indirect_vreg.gather [hbm4b:s6+s3], $0x80, v4, vm0, $0xb8;
	[tilespmem:$0x18100] =	vst v63  }
0x321: {  	s9 =	simm.s32 $0xB900  }
0x322: {  	[tilespmem:s9], [sflag:$0x3] =	stream.indirect_vreg.gather [hbm4b:s23+s3], $0x80, v4, vm0, $0xb8;
	[tilespmem:$0x18100] =	vst v63  }
0x323: {  	_ =	swait.ge [sflag:s18], $0x4000  }
0x324: {  	[sflag:s18] =	ssyncset.done $0x0  }
0x325: {  	s11 =	rddreg [dreg:$0x19];
	[sflag:s18] =	ssyncadd.s32 $0xFFFFC000  }
0x326: {  	[hbm4b:s11+s3] =	stream.linear.scatter [tilespmem:s0], [sflag:$0xA], $0x4000, $0x38;
	[tilespmem:$0x18100] =	vst v63  }
0x327: {  	_ =	swait.ge [sflag:s26], $0x4000  }
0x328: {  	[sflag:s26] =	ssyncset.done $0x0  }
0x329: {  	[sflag:s26] =	ssyncadd.s32 $0xFFFFC000  }
0x32a: {  	v4 =	vld [tilespmem:$0xF0];
	_ =	sdelay $0x4  }
0x32b: {  	v5 =	vshll.u32 v4, $0x3  }
0x32c: {  	v4 =	vand.u32 $0x7, v4;
	v5 =	vand.u32 $0xFFFFFFC0, v5  }
0x32d: {  	v4 =	vor.u32 v4, v5  }
0x32e: {  	v5 =	vperm.xlane v4, v0;
	_ =	sdelay $0x1  }
0x32f: {  	v5 =	vadd.s32 v1, v5;
	_ =	sdelay $0x4  }
0x330: {  	[tilespmem:s0], [sflag:$0x4] =	stream.indirect_vreg.gather [hbm4b:s1+s3], $0x80, v5, vm0, $0xb8;
	[tilespmem:$0x18100] =	vst v63  }
0x331: {  	s12 =	simm.s32 $0xC900;
	v4 =	vperm.xlane v4, v3  }
0x332: {  	[tilespmem:s12], [sflag:$0x4] =	stream.indirect_vreg.gather [hbm4b:s5+s3], $0x80, v5, vm0, $0xb8;
	[tilespmem:$0x18100] =	vst v63  }
0x333: {  	s13 =	simm.s32 $0xD100;
	v4 =	vadd.s32 v1, v4  }
0x334: {  	[tilespmem:s13], [sflag:$0x4] =	stream.indirect_vreg.gather [hbm4b:s6+s3], $0x80, v5, vm0, $0xb8;
	[tilespmem:$0x18100] =	vst v63  }
0x335: {  	s14 =	simm.s32 $0xD900  }
0x336: {  	[tilespmem:s14], [sflag:$0x4] =	stream.indirect_vreg.gather [hbm4b:s23+s3], $0x80, v5, vm0, $0xb8;
	[tilespmem:$0x18100] =	vst v63  }
0x337: {  	s16 =	simm.s32 $0xE100  }
0x338: {  	[tilespmem:s16], [sflag:$0x4] =	stream.indirect_vreg.gather [hbm4b:s1+s3], $0x80, v4, vm0, $0xb8;
	[tilespmem:$0x18100] =	vst v63  }
0x339: {  	s7 =	simm.s32 $0xE900  }
0x33a: {  	[tilespmem:s7], [sflag:$0x4] =	stream.indirect_vreg.gather [hbm4b:s5+s3], $0x80, v4, vm0, $0xb8;
	[tilespmem:$0x18100] =	vst v63  }
0x33b: {  	s9 =	simm.s32 $0xF100  }
0x33c: {  	[tilespmem:s9], [sflag:$0x4] =	stream.indirect_vreg.gather [hbm4b:s6+s3], $0x80, v4, vm0, $0xb8;
	[tilespmem:$0x18100] =	vst v63  }
0x33d: {  	s11 =	simm.s32 $0xF900  }
0x33e: {  	[tilespmem:s11], [sflag:$0x4] =	stream.indirect_vreg.gather [hbm4b:s23+s3], $0x80, v4, vm0, $0xb8;
	[tilespmem:$0x18100] =	vst v63  }
0x33f: {  	_ =	swait.ge [sflag:s8], $0x4000  }
0x340: {  	[sflag:s8] =	ssyncset.done $0x0  }
0x341: {  	s13 =	simm.s32 $0x10100;
	s12 =	rddreg [dreg:$0x12];
	[sflag:s8] =	ssyncadd.s32 $0xFFFFC000  }
0x342: {  	[hbm4b:s12+s3] =	stream.linear.scatter [tilespmem:s13], [sflag:$0xB], $0x4000, $0x38;
	[tilespmem:$0x18100] =	vst v63  }
0x343: {  	_ =	swait.ge [sflag:s10], $0x4000  }
0x344: {  	[sflag:s10] =	ssyncset.done $0x0  }
0x345: {  	s17 =	simm.s32 $0x14100;
	s14 =	rddreg [dreg:$0x1a];
	[sflag:s10] =	ssyncadd.s32 $0xFFFFC000  }
0x346: {  	[hbm4b:s14+s3] =	stream.linear.scatter [tilespmem:s17], [sflag:$0xC], $0x4000, $0x38;
	[tilespmem:$0x18100] =	vst v63  }
0x347: {  	_ =	swait.ge [sflag:s20], $0x4000  }
0x348: {  	[sflag:s20] =	ssyncset.done $0x0  }
0x349: {  	s16 =	rddreg [dreg:$0x13];
	[sflag:s20] =	ssyncadd.s32 $0xFFFFC000  }
0x34a: {  	[hbm4b:s16+s3] =	stream.linear.scatter [tilespmem:s28], [sflag:$0x7], $0x4000, $0x38;
	[tilespmem:$0x18100] =	vst v63  }
0x34b: {  	_ =	swait.ge [sflag:s22], $0x4000  }
0x34c: {  	[sflag:s22] =	ssyncset.done $0x0  }
0x34d: {  	s17 =	rddreg [dreg:$0x1b];
	[sflag:s22] =	ssyncadd.s32 $0xFFFFC000  }
0x34e: {  	[hbm4b:s17+s3] =	stream.linear.scatter [tilespmem:s30], [sflag:$0x8], $0x4000, $0x38;
	[tilespmem:$0x18100] =	vst v63  }
0x34f: {  	_ =	swait.ge [sflag:s31], $0x4000  }
0x350: {  	[sflag:s31] =	ssyncset.done $0x0  }
0x351: {  	s28 =	rddreg [dreg:$0x14];
	[sflag:s31] =	ssyncadd.s32 $0xFFFFC000  }
0x352: {  	[hbm4b:s28+s3] =	stream.linear.scatter [tilespmem:s19], [sflag:$0x9], $0x4000, $0x38;
	[tilespmem:$0x18100] =	vst v63  }
0x353: {  	_ =	swait.ge [sflag:s18], $0x4000  }
0x354: {  	[sflag:s18] =	ssyncset.done $0x0  }
0x355: {  	s30 =	rddreg [dreg:$0x1c];
	[sflag:s18] =	ssyncadd.s32 $0xFFFFC000  }
0x356: {  	[hbm4b:s30+s3] =	stream.linear.scatter [tilespmem:s0], [sflag:$0xA], $0x4000, $0x38;
	[tilespmem:$0x18100] =	vst v63  }
0x357: {  	_ =	swait.ge [sflag:s2], $0x4000  }
0x358: {  	[sflag:s2] =	ssyncset.done $0x0  }
0x359: {  	[sflag:s2] =	ssyncadd.s32 $0xFFFFC000  }
0x35a: {  	_ =	swait.ge [sflag:s15], $0x4000  }
0x35b: {  	[sflag:s15] =	ssyncset.done $0x0  }
0x35c: {  	[sflag:s15] =	ssyncadd.s32 $0xFFFFC000  }
0x35d: {  	_ =	swait.ge [sflag:s21], $0x4000  }
0x35e: {  	[sflag:s21] =	ssyncset.done $0x0  }
0x35f: {  	[sflag:s21] =	ssyncadd.s32 $0xFFFFC000  }
0x360: {  	_ =	swait.ge [sflag:s24], $0x4000  }
0x361: {  	[sflag:s24] =	ssyncset.done $0x0  }
0x362: {  	[sflag:s24] =	ssyncadd.s32 $0xFFFFC000  }
0x363: {  	_ =	swait.ge [sflag:s29], $0x4000  }
.Ltmp3:
0x364: {  	[sflag:s29] =	ssyncset.done $0x0;
	(pc) =	sbr.rel .LBB2_4-.Ltmp3, $4  }
0x365: {  	[sflag:s29] =	ssyncadd.s32 $0xFFFFC000  }
0x366: {  	_ =	swait.ge [sflag:s26], $0x4000  }
0x367: {  	[sflag:s26] =	ssyncset.done $0x0  }
0x368: {  	s0 =	simm.s32 $0x100;
	[sflag:s26] =	ssyncadd.s32 $0xFFFFC000  }
.LBB2_5:
0x369: {  	_ =	sfence.sel $0x180000  }
0x36a: {  	[bflag:$0x0] =	sbarrier.arrive $0xFFFF  }
0x36b: {  	_ =	strace $0x90000047  }
0x36c: {  	s0 =	stileid.u32;
	[bflag:$0x2] =	sbarrier.arrive $0xFFFF  }
0x36d: {  	p0 =	sne.s32 s0, $0x0;
	s0 =	rddreg [dreg:$0x3]  }
0x36e: {  	s0 =	sadd.s32 @!p0 $0x100000, s0  }
0x36f: {  	[sflag:s0] =	ssyncadd.tile.s32 @!p0 $0x1;
	_ =	shalt  }
.Lfunc_end2:
_tile_overlayer_lowered:
.L_overlay_start_2:
0x370: {  	(tag) =	ssettag $0x2  }
0x371: {  	s0 =	rddreg [dreg:$0x0];
	s2 =	stileid.u32  }
0x372: {  	s1 =	rddreg [dreg:$0x1];
	p0 =	sne.s32 s2, $0x0  }
0x373: {  	s3 =	rddreg [dreg:$0x2];
	[bflag:$0x3] =	sbarrier.arrive $0xFFFF;
	s2 =	simm.s32 @!p0 $0x1C0D  }
0x374: {  	[timem:s3], [sflag:s2] =	dma.local @!p0 [hbm:s0], s1  }
0x375: {  	s0 =	simm.s32 @!p0 $0xD  }
0x376: {  	_ =	swait.ge @!p0 [sflag:s0], s1  }
0x377: {  	s1 =	ssub.s32 @!p0 $0x0, s1;
	[sflag:s0] =	ssyncset.done @!p0 $0x0  }
0x378: {  	[sflag:s0] =	ssyncadd.s32 @!p0 s1  }
0x379: {  	[bflag:$0x3] =	sbarrier.arrive $0xFFFF  }
0x37a: {  	_ =	shalt  }

</sc_bundles>
